<compile_context>
chip_gen: v7x
topology: tpu7x:2x2x1
jax: 0.10.2.dev20260603
libtpu: 0.0.44.dev20260713+nightly
codegen_flags: <defaults>
</compile_context>

<pallas_src>
import functools

import jax
import jax.numpy as jnp
from jax import lax
from jax.experimental import pallas as pl
from jax.experimental.pallas import tpu as pltpu
from jax.experimental.pallas import tpu_sc as plsc

N = 10000
E = 320000
F = 128
NC = 2
NS = 16
K = 128
N_PAD = 10240
BPAD = 2560
E_PAD = BPAD * K
BL32 = BPAD // 32
BL16 = BPAD // 16
BLC = 40
RPT = N_PAD // NS
ZCH = 32
U = 2
DU = 4
F32 = jnp.float32


def _mesh():
    return plsc.VectorSubcoreMesh(core_axis_name="c", subcore_axis_name="s")


def _zero_tbl(zeros_ref, tbl, zero_v, s):
    pltpu.sync_copy(zeros_ref, zero_v)

    def zbody(k, carry):
        pltpu.sync_copy(zero_v, tbl.at[pl.ds(s * RPT + k * ZCH, ZCH)])
        return carry
    lax.fori_loop(0, RPT // ZCH, zbody, 0)


def _copy_out(tbl, rows_v, out_ref, c, s):
    def obody(k, carry):
        r0 = s * RPT + k * K
        pltpu.sync_copy(tbl.at[pl.ds(r0, K)], rows_v)
        pltpu.sync_copy(rows_v, out_ref.at[c, pl.ds(r0, K)])
        return carry
    lax.fori_loop(0, RPT // K, obody, 0)


def _deg_body(zeros_ref, ones_ref, dst2_ref, deg2_ref,
              tbl, dstbuf, ones_v, zero_v, sem):
    c = lax.axis_index("c")
    s = lax.axis_index("s")
    _zero_tbl(zeros_ref, tbl, zero_v, s)
    pltpu.sync_copy(ones_ref, ones_v)
    w0 = (c * NS + s) * BL32
    pltpu.sync_copy(dst2_ref.at[pl.ds(w0, BL32)], dstbuf)
    plsc.subcore_barrier()

    def gbody(g, carry):
        base = g * DU
        hs = [pltpu.async_copy(ones_v, tbl.at[dstbuf.at[base + j]], sem,
                               add=True)
              for j in range(DU)]
        for h in hs:
            h.wait()
        return carry
    lax.fori_loop(0, BL32 // DU, gbody, 0)
    plsc.subcore_barrier()
    _copy_out(tbl, ones_v, deg2_ref, c, s)


def _deg_call(zeros32, onesK, dst2):
    fn = pl.kernel(
        _deg_body,
        out_type=jax.ShapeDtypeStruct((NC, N_PAD, F), F32),
        mesh=_mesh(),
        scratch_types=[
            pltpu.VMEM_SHARED((N_PAD, F), F32),
            pltpu.VMEM((BL32, K), jnp.int32),
            pltpu.VMEM((K, F), F32),
            pltpu.VMEM((ZCH, F), F32),
            pltpu.SemaphoreType.DMA,
        ],
    )
    return fn(zeros32, onesK, dst2)


def _agg_body(zeros_ref, gt_ref, src2_ref, dst2_ref, out_ref,
              tbl, srcbuf, dstbuf, r0, r1,
              s0, s1, *, split32):
    c = lax.axis_index("c")
    s = lax.axis_index("s")
    _zero_tbl(zeros_ref, tbl, r0.at[pl.ds(0, ZCH)], s)

    rows = (r0, r1)
    sems = (s0, s1)

    def run_chunk(w0):
        if split32:
            pltpu.sync_copy(src2_ref.at[pl.ds(w0, BLC)], srcbuf)
        else:
            pltpu.sync_copy(src2_ref.at[c, pl.ds(w0, BLC)], srcbuf)
        pltpu.sync_copy(dst2_ref.at[pl.ds(w0, BLC)], dstbuf)

        for j in range(U):
            pltpu.async_copy(gt_ref.at[srcbuf.at[j]], rows[j], sems[j])

        def gbody(g, carry):
            base = g * U
            for j in range(U):
                pltpu.make_async_copy(gt_ref.at[pl.ds(0, K)], rows[j],
                                      sems[j]).wait()
                pltpu.sync_copy(rows[j], tbl.at[dstbuf.at[base + j]],
                                add=True)
                pltpu.async_copy(gt_ref.at[srcbuf.at[base + U + j]],
                                 rows[j], sems[j])
            return carry
        lax.fori_loop(0, BLC // U - 1, gbody, 0)

        base = BLC - U
        for j in range(U):
            pltpu.make_async_copy(gt_ref.at[pl.ds(0, K)], rows[j],
                                  sems[j]).wait()
            pltpu.sync_copy(rows[j], tbl.at[dstbuf.at[base + j]], add=True)

    if split32:
        w0 = (c * NS + s) * BL32
        for k in range(BL32 // BLC):
            run_chunk(w0 + k * BLC)
    else:
        w0 = s * BL16
        for k in range(BL16 // BLC):
            run_chunk(w0 + k * BLC)
    plsc.subcore_barrier()
    _copy_out(tbl, r0, out_ref, c, s)


def _agg_call(zeros32, gt, src2, dst2, split32):
    fn = pl.kernel(
        functools.partial(_agg_body, split32=split32),
        out_type=jax.ShapeDtypeStruct((NC, N_PAD, F), F32),
        mesh=_mesh(),
        scratch_types=[
            pltpu.VMEM_SHARED((N_PAD, F), F32),
            pltpu.VMEM((BLC, K), jnp.int32),
            pltpu.VMEM((BLC, K), jnp.int32),
            pltpu.VMEM((K, F), F32),
            pltpu.VMEM((K, F), F32),
            pltpu.SemaphoreType.DMA,
            pltpu.SemaphoreType.DMA,
        ],
    )
    return fn(zeros32, gt, src2, dst2)


_BLK = 2000
_GRID = N // _BLK


def _tc0_body(feat, struc, w1, w2, h1, h2):
    h1[...] = jnp.dot(feat[...], w1[...], preferred_element_type=F32)
    h2[...] = jnp.dot(struc[...], w2[...], preferred_element_type=F32)


def _tc0_call(feat, struc, w1, w2):
    row_blk = pl.BlockSpec((_BLK, F), lambda i: (i, 0))
    full = pl.BlockSpec((F, F), lambda i: (0, 0))
    o = jax.ShapeDtypeStruct((N, F), F32)
    return pl.pallas_call(
        _tc0_body,
        grid=(_GRID,),
        in_specs=[row_blk, row_blk, full, full],
        out_specs=[row_blk] * 2,
        out_shape=[o] * 2,
    )(feat, struc, w1, w2)


def _tc1_body(h1, h2, dga, dgb, g1, g2, disb):
    deg = dga[0][:, 0:1] + dgb[0][:, 0:1] + 1.0
    dis = lax.rsqrt(deg)
    g1[...] = dis * h1[...]
    g2[...] = dis * h2[...]
    disb[...] = jnp.broadcast_to(dis, (_BLK, F))


def _tc1_call(h1, h2, deg2):
    row_blk = pl.BlockSpec((_BLK, F), lambda i: (i, 0))
    dga_blk = pl.BlockSpec((1, _BLK, F), lambda i: (0, i, 0))
    dgb_blk = pl.BlockSpec((1, _BLK, F), lambda i: (1, i, 0))
    o = jax.ShapeDtypeStruct((N, F), F32)
    return pl.pallas_call(
        _tc1_body,
        grid=(_GRID,),
        in_specs=[row_blk, row_blk, dga_blk, dgb_blk],
        out_specs=[row_blk] * 3,
        out_shape=[o] * 3,
    )(h1, h2, deg2, deg2)


def _tc2_body(s1, s2, g1, g2, disb, b1, b2, w3, g3):
    d = disb[...]
    x1 = jnp.maximum(d * (s1[0] + g1[...]) + b1[...], 0.0)
    x2 = jnp.maximum(d * (s2[0] + g2[...]) + b2[...], 0.0)
    g3[...] = d * jnp.dot(x1 + x2, w3[...], preferred_element_type=F32)


def _tc2_call(s12, g1, g2, disb, b1, b2, w3):
    row_blk = pl.BlockSpec((_BLK, F), lambda i: (i, 0))
    s1_blk = pl.BlockSpec((1, _BLK, F), lambda i: (0, i, 0))
    s2_blk = pl.BlockSpec((1, _BLK, F), lambda i: (1, i, 0))
    full = pl.BlockSpec((F, F), lambda i: (0, 0))
    vec = pl.BlockSpec((1, F), lambda i: (0, 0))
    return pl.pallas_call(
        _tc2_body,
        grid=(_GRID,),
        in_specs=[s1_blk, s2_blk, row_blk, row_blk, row_blk, vec, vec, full],
        out_specs=row_blk,
        out_shape=jax.ShapeDtypeStruct((N, F), F32),
    )(s12, s12, g1, g2, disb, b1, b2, w3)


def _tc3_body(s3a, s3b, g3, disb, b3, out):
    out[...] = disb[...] * (s3a[0] + s3b[0] + g3[...]) + b3[...]


def _tc3_call(s3, g3, disb, b3):
    row_blk = pl.BlockSpec((_BLK, F), lambda i: (i, 0))
    sa_blk = pl.BlockSpec((1, _BLK, F), lambda i: (0, i, 0))
    sb_blk = pl.BlockSpec((1, _BLK, F), lambda i: (1, i, 0))
    vec = pl.BlockSpec((1, F), lambda i: (0, 0))
    return pl.pallas_call(
        _tc3_body,
        grid=(_GRID,),
        in_specs=[sa_blk, sb_blk, row_blk, row_blk, vec],
        out_specs=row_blk,
        out_shape=jax.ShapeDtypeStruct((N, F), F32),
    )(s3, s3, g3, disb, b3)


def kernel(feat_info, struc_info, edge_index, W1, b1, W2, b2, W3, b3):
    pad = E_PAD - E
    srcp = jnp.concatenate([edge_index[0],
                            jnp.zeros((pad,), jnp.int32)]).reshape(BPAD, K)
    dstp = jnp.concatenate([edge_index[1],
                            jnp.full((pad,), N, jnp.int32)]).reshape(BPAD, K)
    srcp2 = jnp.stack([srcp, srcp + N])
    onesK = jnp.ones((K, F), F32)
    zeros32 = jnp.zeros((ZCH, F), F32)
    b1r = b1.reshape(1, F)
    b2r = b2.reshape(1, F)
    b3r = b3.reshape(1, F)

    h1, h2 = _tc0_call(feat_info, struc_info, W1, W2)
    deg2 = _deg_call(zeros32, onesK, dstp)
    g1, g2, disb = _tc1_call(h1, h2, deg2)
    g12 = jnp.concatenate([g1, g2])
    s12 = _agg_call(zeros32, g12, srcp2, dstp, split32=False)
    g3 = _tc2_call(s12, g1, g2, disb, b1r, b2r, W3)
    s3 = _agg_call(zeros32, g3, srcp, dstp, split32=True)
    return _tc3_call(s3, g3, disb, b3r)

# --- scband reference (transcript-rebuilt; emitter-appended) ---
"""Pipeline reference for scband-more-89249420411436 (READ-ONLY COPY).

The authoritative reference and input builder live on the scoring server;
editing this copy changes nothing except your own understanding.
"""

import jax, jax.numpy as jnp
import numpy as np

N = 10000
E = 320000
F_IN = 128
S_IN = 128
H = 128
OUT = 128


def gcn_conv(x, edge_index, W, b):
    # PyG GCNConv: add self-loops, symmetric degree normalization, linear transform, scatter-add
    n = x.shape[0]
    loop = jnp.arange(n, dtype=edge_index.dtype)
    src = jnp.concatenate([edge_index[0], loop])
    dst = jnp.concatenate([edge_index[1], loop])
    deg = jnp.zeros((n,), dtype=x.dtype).at[dst].add(1.0)
    dis = jnp.where(deg > 0, deg ** -0.5, 0.0)
    norm = dis[src] * dis[dst]
    h = x @ W
    msg = h[src] * norm[:, None]
    out = jnp.zeros((n, W.shape[1]), dtype=x.dtype).at[dst].add(msg)
    return out + b


def setup_inputs(seed: int = 0):
    key = jax.random.key(seed)
    ks = jax.random.split(key, 6)
    feat_info = jax.random.normal(ks[0], (N, F_IN), dtype=jnp.float32)
    struc_info = jax.random.normal(ks[1], (N, S_IN), dtype=jnp.float32)
    edge_index = jax.random.randint(ks[2], (2, E), 0, N, dtype=jnp.int32)
    W1 = jax.random.normal(ks[3], (F_IN, H), dtype=jnp.float32) / np.sqrt(F_IN)
    b1 = jnp.zeros((H,), dtype=jnp.float32)
    W2 = jax.random.normal(ks[4], (S_IN, H), dtype=jnp.float32) / np.sqrt(S_IN)
    b2 = jnp.zeros((H,), dtype=jnp.float32)
    W3 = jax.random.normal(ks[5], (H, OUT), dtype=jnp.float32) / np.sqrt(H)
    b3 = jnp.zeros((OUT,), dtype=jnp.float32)
    return {"feat_info": feat_info, "struc_info": struc_info, "edge_index": edge_index,
            "W1": W1, "b1": b1, "W2": W2, "b2": b2, "W3": W3, "b3": b3}


def reference(feat_info, struc_info, edge_index, W1, b1, W2, b2, W3, b3):
    # dropout is identity in eval mode (training=False)
    x1 = jax.nn.relu(gcn_conv(feat_info, edge_index, W1, b1))
    x2 = jax.nn.relu(gcn_conv(struc_info, edge_index, W2, b2))
    x = x1 + x2
    return gcn_conv(x, edge_index, W3, b3)

if __name__ == "__main__":
    import jax
    _d = setup_inputs()
    print(jax.jit(kernel)(*tuple(_d.values())))

</pallas_src>

<mosaic_0001>
#map = affine_map<(d0, d1) -> (0, 0)>
#map1 = affine_map<(d0, d1) -> (0, 0, 0)>
module attributes {stable_mosaic.version = 14 : i64} {
  func.func @_deg_body(%arg0: i32, %arg1: i32, %arg2: memref<32x128xf32, #tpu.memory_space<hbm>>, %arg3: memref<128x128xf32, #tpu.memory_space<hbm>>, %arg4: memref<2560x128xi32, #tpu.memory_space<hbm>>, %arg5: memref<2x10240x128xf32, #tpu.memory_space<hbm>>, %arg6: memref<10240x128xf32, #tpu.memory_space<vmem_shared>>, %arg7: memref<80x128xi32, #tpu.memory_space<vmem>>, %arg8: memref<128x128xf32, #tpu.memory_space<vmem>>, %arg9: memref<32x128xf32, #tpu.memory_space<vmem>>, %arg10: memref<!tpu.dma_semaphore, #tpu.memory_space<semaphore_mem>>) attributes {dimension_semantics = [#tpu.dimension_semantics<core_parallel>, #tpu.dimension_semantics<subcore_parallel>], iteration_bounds = array<i64: 2, 16>, scalar_prefetch = 0 : i64, scratch_operands = 5 : i64, tpu.core_type = #tpu.core_type<sc_vector_subcore>, window_params = [{transform_indices = #map}, {transform_indices = #map}, {transform_indices = #map}, {transform_indices = #map1}]} {
    "tpu.region"() ({
      %run_scoped3A = tpu.sem_alloc : memref<!tpu.dma_semaphore, #tpu.memory_space<semaphore_mem>>
      tpu.enqueue_dma source(%arg2 : memref<32x128xf32, #tpu.memory_space<hbm>>) target(%arg9 : memref<32x128xf32, #tpu.memory_space<vmem>>) target_semaphore(%run_scoped3A : memref<!tpu.dma_semaphore, #tpu.memory_space<semaphore_mem>>)
      tpu.wait_dma2 semaphore(%run_scoped3A : memref<!tpu.dma_semaphore, #tpu.memory_space<semaphore_mem>>) src(%arg2 : memref<32x128xf32, #tpu.memory_space<hbm>>) dst(%arg9 : memref<32x128xf32, #tpu.memory_space<vmem>>)
      tpu.yield
    }) : () -> ()
    %scan3A = arith.constant 0 : i32
    %scan3A_0 = arith.constant 0 : i32
    %scan3A_1 = arith.constant 20 : i32
    %scan3A_2 = arith.addi %scan3A_0, %scan3A_1 : i32
    %scan3A_3 = arith.constant 1 : i32
    scf.for %scan3A_21 = %scan3A_0 to %scan3A_2 step %scan3A_3  : i32 {
      %mul3A_22 = arith.constant 640 : i32
      %mul3A_23 = arith.muli %arg1, %mul3A_22 : i32
      %mul3A_24 = arith.constant 32 : i32
      %mul3A_25 = arith.muli %scan3A_21, %mul3A_24 : i32
      %add3A_26 = arith.addi %mul3A_23, %mul3A_25 : i32
      "tpu.region"() ({
        %run_scoped3A = tpu.sem_alloc : memref<!tpu.dma_semaphore, #tpu.memory_space<semaphore_mem>>
        %dma_start3A = arith.constant 0 : i32
        %dma_start3A_27 = tpu.memref_slice %arg6[%add3A_26, %dma_start3A] : memref<10240x128xf32, #tpu.memory_space<vmem_shared>> -> memref<32x128xf32, #tpu.memory_space<vmem_shared>>
        %dma_start3A_28 = arith.constant 0 : i32
        %dma_start3A_29 = tpu.memref_slice %arg6[%add3A_26, %dma_start3A_28] : memref<10240x128xf32, #tpu.memory_space<vmem_shared>> -> memref<32x128xf32, #tpu.memory_space<vmem_shared>>
        tpu.enqueue_dma source(%arg9 : memref<32x128xf32, #tpu.memory_space<vmem>>) target(%dma_start3A_29 : memref<32x128xf32, #tpu.memory_space<vmem_shared>>) target_semaphore(%run_scoped3A : memref<!tpu.dma_semaphore, #tpu.memory_space<semaphore_mem>>)
        %dma_wait3A = arith.constant 0 : i32
        %dma_wait3A_30 = tpu.memref_slice %arg6[%add3A_26, %dma_wait3A] : memref<10240x128xf32, #tpu.memory_space<vmem_shared>> -> memref<32x128xf32, #tpu.memory_space<vmem_shared>>
        %dma_wait3A_31 = arith.constant 0 : i32
        %dma_wait3A_32 = tpu.memref_slice %arg6[%add3A_26, %dma_wait3A_31] : memref<10240x128xf32, #tpu.memory_space<vmem_shared>> -> memref<32x128xf32, #tpu.memory_space<vmem_shared>>
        tpu.wait_dma2 semaphore(%run_scoped3A : memref<!tpu.dma_semaphore, #tpu.memory_space<semaphore_mem>>) src(%arg9 : memref<32x128xf32, #tpu.memory_space<vmem>>) dst(%dma_wait3A_32 : memref<32x128xf32, #tpu.memory_space<vmem_shared>>)
        tpu.yield
      }) : () -> ()
    }
    %scan3A_4 = arith.constant 20 : i32
    "tpu.region"() ({
      %run_scoped3A = tpu.sem_alloc : memref<!tpu.dma_semaphore, #tpu.memory_space<semaphore_mem>>
      tpu.enqueue_dma source(%arg3 : memref<128x128xf32, #tpu.memory_space<hbm>>) target(%arg8 : memref<128x128xf32, #tpu.memory_space<vmem>>) target_semaphore(%run_scoped3A : memref<!tpu.dma_semaphore, #tpu.memory_space<semaphore_mem>>)
      tpu.wait_dma2 semaphore(%run_scoped3A : memref<!tpu.dma_semaphore, #tpu.memory_space<semaphore_mem>>) src(%arg3 : memref<128x128xf32, #tpu.memory_space<hbm>>) dst(%arg8 : memref<128x128xf32, #tpu.memory_space<vmem>>)
      tpu.yield
    }) : () -> ()
    %mul3A = arith.constant 16 : i32
    %mul3A_5 = arith.muli %arg0, %mul3A : i32
    %add3A = arith.addi %mul3A_5, %arg1 : i32
    %mul3A_6 = arith.constant 80 : i32
    %mul3A_7 = arith.muli %add3A, %mul3A_6 : i32
    "tpu.region"() ({
      %run_scoped3A = tpu.sem_alloc : memref<!tpu.dma_semaphore, #tpu.memory_space<semaphore_mem>>
      %dma_start3A = arith.constant 0 : i32
      %dma_start3A_21 = tpu.memref_slice %arg4[%mul3A_7, %dma_start3A] : memref<2560x128xi32, #tpu.memory_space<hbm>> -> memref<80x128xi32, #tpu.memory_space<hbm>>
      %dma_start3A_22 = arith.constant 0 : i32
      %dma_start3A_23 = tpu.memref_slice %arg4[%mul3A_7, %dma_start3A_22] : memref<2560x128xi32, #tpu.memory_space<hbm>> -> memref<80x128xi32, #tpu.memory_space<hbm>>
      tpu.enqueue_dma source(%dma_start3A_23 : memref<80x128xi32, #tpu.memory_space<hbm>>) target(%arg7 : memref<80x128xi32, #tpu.memory_space<vmem>>) target_semaphore(%run_scoped3A : memref<!tpu.dma_semaphore, #tpu.memory_space<semaphore_mem>>)
      %dma_wait3A = arith.constant 0 : i32
      %dma_wait3A_24 = tpu.memref_slice %arg4[%mul3A_7, %dma_wait3A] : memref<2560x128xi32, #tpu.memory_space<hbm>> -> memref<80x128xi32, #tpu.memory_space<hbm>>
      %dma_wait3A_25 = arith.constant 0 : i32
      %dma_wait3A_26 = tpu.memref_slice %arg4[%mul3A_7, %dma_wait3A_25] : memref<2560x128xi32, #tpu.memory_space<hbm>> -> memref<80x128xi32, #tpu.memory_space<hbm>>
      tpu.wait_dma2 semaphore(%run_scoped3A : memref<!tpu.dma_semaphore, #tpu.memory_space<semaphore_mem>>) src(%dma_wait3A_26 : memref<80x128xi32, #tpu.memory_space<hbm>>) dst(%arg7 : memref<80x128xi32, #tpu.memory_space<vmem>>)
      tpu.yield
    }) : () -> ()
    %barrier3A = arith.constant 0 : index
    tpu.barrier barrier_id(%barrier3A)
    %scan3A_8 = arith.constant 0 : i32
    %scan3A_9 = arith.constant 0 : i32
    %scan3A_10 = arith.constant 20 : i32
    %scan3A_11 = arith.addi %scan3A_9, %scan3A_10 : i32
    %scan3A_12 = arith.constant 1 : i32
    scf.for %scan3A_21 = %scan3A_9 to %scan3A_11 step %scan3A_12  : i32 {
      %mul3A_22 = arith.constant 4 : i32
      %mul3A_23 = arith.muli %scan3A_21, %mul3A_22 : i32
      %add3A_24 = arith.constant 0 : i32
      %add3A_25 = arith.addi %mul3A_23, %add3A_24 : i32
      %dma_start3A = arith.constant 0 : i32
      %dma_start3A_26 = tpu.memref_slice %arg7[%add3A_25, %dma_start3A] : memref<80x128xi32, #tpu.memory_space<vmem>> -> memref<1x128xi32, #tpu.memory_space<vmem>>
      %dma_start3A_27 = tpu.memref_squeeze %dma_start3A_26 : memref<1x128xi32, #tpu.memory_space<vmem>> -> memref<128xi32, #tpu.memory_space<vmem>>
      %dma_start3A_28 = arith.constant 0 : i32
      %dma_start3A_29 = arith.constant 0 : i32
      %dma_start3A_30 = tpu.memref_slice %arg6[%dma_start3A_28, %dma_start3A_29] : memref<10240x128xf32, #tpu.memory_space<vmem_shared>> -> memref<10240x128xf32, #tpu.memory_space<vmem_shared>>
      tpu.enqueue_indirect_dma source(%arg8 : memref<128x128xf32, #tpu.memory_space<vmem>>) target(%dma_start3A_30 : memref<10240x128xf32, #tpu.memory_space<vmem_shared>>) offsets(%dma_start3A_27 : memref<128xi32, #tpu.memory_space<vmem>>) semaphore(%arg10 : memref<!tpu.dma_semaphore, #tpu.memory_space<semaphore_mem>>) {add = true}
      %add3A_31 = arith.constant 1 : i32
      %add3A_32 = arith.addi %mul3A_23, %add3A_31 : i32
      %dma_start3A_33 = arith.constant 0 : i32
      %dma_start3A_34 = tpu.memref_slice %arg7[%add3A_32, %dma_start3A_33] : memref<80x128xi32, #tpu.memory_space<vmem>> -> memref<1x128xi32, #tpu.memory_space<vmem>>
      %dma_start3A_35 = tpu.memref_squeeze %dma_start3A_34 : memref<1x128xi32, #tpu.memory_space<vmem>> -> memref<128xi32, #tpu.memory_space<vmem>>
      %dma_start3A_36 = arith.constant 0 : i32
      %dma_start3A_37 = arith.constant 0 : i32
      %dma_start3A_38 = tpu.memref_slice %arg6[%dma_start3A_36, %dma_start3A_37] : memref<10240x128xf32, #tpu.memory_space<vmem_shared>> -> memref<10240x128xf32, #tpu.memory_space<vmem_shared>>
      tpu.enqueue_indirect_dma source(%arg8 : memref<128x128xf32, #tpu.memory_space<vmem>>) target(%dma_start3A_38 : memref<10240x128xf32, #tpu.memory_space<vmem_shared>>) offsets(%dma_start3A_35 : memref<128xi32, #tpu.memory_space<vmem>>) semaphore(%arg10 : memref<!tpu.dma_semaphore, #tpu.memory_space<semaphore_mem>>) {add = true}
      %add3A_39 = arith.constant 2 : i32
      %add3A_40 = arith.addi %mul3A_23, %add3A_39 : i32
      %dma_start3A_41 = arith.constant 0 : i32
      %dma_start3A_42 = tpu.memref_slice %arg7[%add3A_40, %dma_start3A_41] : memref<80x128xi32, #tpu.memory_space<vmem>> -> memref<1x128xi32, #tpu.memory_space<vmem>>
      %dma_start3A_43 = tpu.memref_squeeze %dma_start3A_42 : memref<1x128xi32, #tpu.memory_space<vmem>> -> memref<128xi32, #tpu.memory_space<vmem>>
      %dma_start3A_44 = arith.constant 0 : i32
      %dma_start3A_45 = arith.constant 0 : i32
      %dma_start3A_46 = tpu.memref_slice %arg6[%dma_start3A_44, %dma_start3A_45] : memref<10240x128xf32, #tpu.memory_space<vmem_shared>> -> memref<10240x128xf32, #tpu.memory_space<vmem_shared>>
      tpu.enqueue_indirect_dma source(%arg8 : memref<128x128xf32, #tpu.memory_space<vmem>>) target(%dma_start3A_46 : memref<10240x128xf32, #tpu.memory_space<vmem_shared>>) offsets(%dma_start3A_43 : memref<128xi32, #tpu.memory_space<vmem>>) semaphore(%arg10 : memref<!tpu.dma_semaphore, #tpu.memory_space<semaphore_mem>>) {add = true}
      %add3A_47 = arith.constant 3 : i32
      %add3A_48 = arith.addi %mul3A_23, %add3A_47 : i32
      %dma_start3A_49 = arith.constant 0 : i32
      %dma_start3A_50 = tpu.memref_slice %arg7[%add3A_48, %dma_start3A_49] : memref<80x128xi32, #tpu.memory_space<vmem>> -> memref<1x128xi32, #tpu.memory_space<vmem>>
      %dma_start3A_51 = tpu.memref_squeeze %dma_start3A_50 : memref<1x128xi32, #tpu.memory_space<vmem>> -> memref<128xi32, #tpu.memory_space<vmem>>
      %dma_start3A_52 = arith.constant 0 : i32
      %dma_start3A_53 = arith.constant 0 : i32
      %dma_start3A_54 = tpu.memref_slice %arg6[%dma_start3A_52, %dma_start3A_53] : memref<10240x128xf32, #tpu.memory_space<vmem_shared>> -> memref<10240x128xf32, #tpu.memory_space<vmem_shared>>
      tpu.enqueue_indirect_dma source(%arg8 : memref<128x128xf32, #tpu.memory_space<vmem>>) target(%dma_start3A_54 : memref<10240x128xf32, #tpu.memory_space<vmem_shared>>) offsets(%dma_start3A_51 : memref<128xi32, #tpu.memory_space<vmem>>) semaphore(%arg10 : memref<!tpu.dma_semaphore, #tpu.memory_space<semaphore_mem>>) {add = true}
      %dma_wait3A = arith.constant 0 : i32
      %dma_wait3A_55 = tpu.memref_slice %arg7[%add3A_25, %dma_wait3A] : memref<80x128xi32, #tpu.memory_space<vmem>> -> memref<1x128xi32, #tpu.memory_space<vmem>>
      %dma_wait3A_56 = tpu.memref_squeeze %dma_wait3A_55 : memref<1x128xi32, #tpu.memory_space<vmem>> -> memref<128xi32, #tpu.memory_space<vmem>>
      %dma_wait3A_57 = arith.constant 0 : i32
      %dma_wait3A_58 = arith.constant 0 : i32
      %dma_wait3A_59 = tpu.memref_slice %arg6[%dma_wait3A_57, %dma_wait3A_58] : memref<10240x128xf32, #tpu.memory_space<vmem_shared>> -> memref<10240x128xf32, #tpu.memory_space<vmem_shared>>
      tpu.wait_indirect_dma semaphore(%arg10 : memref<!tpu.dma_semaphore, #tpu.memory_space<semaphore_mem>>) src(%arg8 : memref<128x128xf32, #tpu.memory_space<vmem>>) dst(%dma_wait3A_59 : memref<10240x128xf32, #tpu.memory_space<vmem_shared>>)
      %dma_wait3A_60 = arith.constant 0 : i32
      %dma_wait3A_61 = tpu.memref_slice %arg7[%add3A_32, %dma_wait3A_60] : memref<80x128xi32, #tpu.memory_space<vmem>> -> memref<1x128xi32, #tpu.memory_space<vmem>>
      %dma_wait3A_62 = tpu.memref_squeeze %dma_wait3A_61 : memref<1x128xi32, #tpu.memory_space<vmem>> -> memref<128xi32, #tpu.memory_space<vmem>>
      %dma_wait3A_63 = arith.constant 0 : i32
      %dma_wait3A_64 = arith.constant 0 : i32
      %dma_wait3A_65 = tpu.memref_slice %arg6[%dma_wait3A_63, %dma_wait3A_64] : memref<10240x128xf32, #tpu.memory_space<vmem_shared>> -> memref<10240x128xf32, #tpu.memory_space<vmem_shared>>
      tpu.wait_indirect_dma semaphore(%arg10 : memref<!tpu.dma_semaphore, #tpu.memory_space<semaphore_mem>>) src(%arg8 : memref<128x128xf32, #tpu.memory_space<vmem>>) dst(%dma_wait3A_65 : memref<10240x128xf32, #tpu.memory_space<vmem_shared>>)
      %dma_wait3A_66 = arith.constant 0 : i32
      %dma_wait3A_67 = tpu.memref_slice %arg7[%add3A_40, %dma_wait3A_66] : memref<80x128xi32, #tpu.memory_space<vmem>> -> memref<1x128xi32, #tpu.memory_space<vmem>>
      %dma_wait3A_68 = tpu.memref_squeeze %dma_wait3A_67 : memref<1x128xi32, #tpu.memory_space<vmem>> -> memref<128xi32, #tpu.memory_space<vmem>>
      %dma_wait3A_69 = arith.constant 0 : i32
      %dma_wait3A_70 = arith.constant 0 : i32
      %dma_wait3A_71 = tpu.memref_slice %arg6[%dma_wait3A_69, %dma_wait3A_70] : memref<10240x128xf32, #tpu.memory_space<vmem_shared>> -> memref<10240x128xf32, #tpu.memory_space<vmem_shared>>
      tpu.wait_indirect_dma semaphore(%arg10 : memref<!tpu.dma_semaphore, #tpu.memory_space<semaphore_mem>>) src(%arg8 : memref<128x128xf32, #tpu.memory_space<vmem>>) dst(%dma_wait3A_71 : memref<10240x128xf32, #tpu.memory_space<vmem_shared>>)
      %dma_wait3A_72 = arith.constant 0 : i32
      %dma_wait3A_73 = tpu.memref_slice %arg7[%add3A_48, %dma_wait3A_72] : memref<80x128xi32, #tpu.memory_space<vmem>> -> memref<1x128xi32, #tpu.memory_space<vmem>>
      %dma_wait3A_74 = tpu.memref_squeeze %dma_wait3A_73 : memref<1x128xi32, #tpu.memory_space<vmem>> -> memref<128xi32, #tpu.memory_space<vmem>>
      %dma_wait3A_75 = arith.constant 0 : i32
      %dma_wait3A_76 = arith.constant 0 : i32
      %dma_wait3A_77 = tpu.memref_slice %arg6[%dma_wait3A_75, %dma_wait3A_76] : memref<10240x128xf32, #tpu.memory_space<vmem_shared>> -> memref<10240x128xf32, #tpu.memory_space<vmem_shared>>
      tpu.wait_indirect_dma semaphore(%arg10 : memref<!tpu.dma_semaphore, #tpu.memory_space<semaphore_mem>>) src(%arg8 : memref<128x128xf32, #tpu.memory_space<vmem>>) dst(%dma_wait3A_77 : memref<10240x128xf32, #tpu.memory_space<vmem_shared>>)
    }
    %scan3A_13 = arith.constant 20 : i32
    %barrier3A_14 = arith.constant 0 : index
    tpu.barrier barrier_id(%barrier3A_14)
    %scan3A_15 = arith.constant 0 : i32
    %scan3A_16 = arith.constant 0 : i32
    %scan3A_17 = arith.constant 5 : i32
    %scan3A_18 = arith.addi %scan3A_16, %scan3A_17 : i32
    %scan3A_19 = arith.constant 1 : i32
    scf.for %scan3A_21 = %scan3A_16 to %scan3A_18 step %scan3A_19  : i32 {
      %mul3A_22 = arith.constant 640 : i32
      %mul3A_23 = arith.muli %arg1, %mul3A_22 : i32
      %mul3A_24 = arith.constant 128 : i32
      %mul3A_25 = arith.muli %scan3A_21, %mul3A_24 : i32
      %add3A_26 = arith.addi %mul3A_23, %mul3A_25 : i32
      "tpu.region"() ({
        %run_scoped3A = tpu.sem_alloc : memref<!tpu.dma_semaphore, #tpu.memory_space<semaphore_mem>>
        %dma_start3A = arith.constant 0 : i32
        %dma_start3A_27 = tpu.memref_slice %arg6[%add3A_26, %dma_start3A] : memref<10240x128xf32, #tpu.memory_space<vmem_shared>> -> memref<128x128xf32, #tpu.memory_space<vmem_shared>>
        %dma_start3A_28 = arith.constant 0 : i32
        %dma_start3A_29 = tpu.memref_slice %arg6[%add3A_26, %dma_start3A_28] : memref<10240x128xf32, #tpu.memory_space<vmem_shared>> -> memref<128x128xf32, #tpu.memory_space<vmem_shared>>
        tpu.enqueue_dma source(%dma_start3A_29 : memref<128x128xf32, #tpu.memory_space<vmem_shared>>) target(%arg8 : memref<128x128xf32, #tpu.memory_space<vmem>>) target_semaphore(%run_scoped3A : memref<!tpu.dma_semaphore, #tpu.memory_space<semaphore_mem>>)
        %dma_wait3A = arith.constant 0 : i32
        %dma_wait3A_30 = tpu.memref_slice %arg6[%add3A_26, %dma_wait3A] : memref<10240x128xf32, #tpu.memory_space<vmem_shared>> -> memref<128x128xf32, #tpu.memory_space<vmem_shared>>
        %dma_wait3A_31 = arith.constant 0 : i32
        %dma_wait3A_32 = tpu.memref_slice %arg6[%add3A_26, %dma_wait3A_31] : memref<10240x128xf32, #tpu.memory_space<vmem_shared>> -> memref<128x128xf32, #tpu.memory_space<vmem_shared>>
        tpu.wait_dma2 semaphore(%run_scoped3A : memref<!tpu.dma_semaphore, #tpu.memory_space<semaphore_mem>>) src(%dma_wait3A_32 : memref<128x128xf32, #tpu.memory_space<vmem_shared>>) dst(%arg8 : memref<128x128xf32, #tpu.memory_space<vmem>>)
        tpu.yield
      }) : () -> ()
      "tpu.region"() ({
        %run_scoped3A = tpu.sem_alloc : memref<!tpu.dma_semaphore, #tpu.memory_space<semaphore_mem>>
        %dma_start3A = arith.constant 0 : i32
        %dma_start3A_27 = tpu.memref_slice %arg5[%arg0, %add3A_26, %dma_start3A] : memref<2x10240x128xf32, #tpu.memory_space<hbm>> -> memref<1x128x128xf32, #tpu.memory_space<hbm>>
        %dma_start3A_28 = tpu.memref_squeeze %dma_start3A_27 : memref<1x128x128xf32, #tpu.memory_space<hbm>> -> memref<128x128xf32, #tpu.memory_space<hbm>>
        %dma_start3A_29 = arith.constant 0 : i32
        %dma_start3A_30 = tpu.memref_slice %arg5[%arg0, %add3A_26, %dma_start3A_29] : memref<2x10240x128xf32, #tpu.memory_space<hbm>> -> memref<1x128x128xf32, #tpu.memory_space<hbm>>
        %dma_start3A_31 = tpu.memref_squeeze %dma_start3A_30 : memref<1x128x128xf32, #tpu.memory_space<hbm>> -> memref<128x128xf32, #tpu.memory_space<hbm>>
        tpu.enqueue_dma source(%arg8 : memref<128x128xf32, #tpu.memory_space<vmem>>) target(%dma_start3A_31 : memref<128x128xf32, #tpu.memory_space<hbm>>) target_semaphore(%run_scoped3A : memref<!tpu.dma_semaphore, #tpu.memory_space<semaphore_mem>>)
        %dma_wait3A = arith.constant 0 : i32
        %dma_wait3A_32 = tpu.memref_slice %arg5[%arg0, %add3A_26, %dma_wait3A] : memref<2x10240x128xf32, #tpu.memory_space<hbm>> -> memref<1x128x128xf32, #tpu.memory_space<hbm>>
        %dma_wait3A_33 = tpu.memref_squeeze %dma_wait3A_32 : memref<1x128x128xf32, #tpu.memory_space<hbm>> -> memref<128x128xf32, #tpu.memory_space<hbm>>
        %dma_wait3A_34 = arith.constant 0 : i32
        %dma_wait3A_35 = tpu.memref_slice %arg5[%arg0, %add3A_26, %dma_wait3A_34] : memref<2x10240x128xf32, #tpu.memory_space<hbm>> -> memref<1x128x128xf32, #tpu.memory_space<hbm>>
        %dma_wait3A_36 = tpu.memref_squeeze %dma_wait3A_35 : memref<1x128x128xf32, #tpu.memory_space<hbm>> -> memref<128x128xf32, #tpu.memory_space<hbm>>
        tpu.wait_dma2 semaphore(%run_scoped3A : memref<!tpu.dma_semaphore, #tpu.memory_space<semaphore_mem>>) src(%arg8 : memref<128x128xf32, #tpu.memory_space<vmem>>) dst(%dma_wait3A_36 : memref<128x128xf32, #tpu.memory_space<hbm>>)
        tpu.yield
      }) : () -> ()
    }
    %scan3A_20 = arith.constant 5 : i32
    return
  }
}

#map = affine_map<(d0, d1) -> (0, 0)>
#map1 = affine_map<(d0, d1) -> (0, 0, 0)>
module attributes {stable_mosaic.version = 14 : i64} {
  func.func @_agg_body(%arg0: i32, %arg1: i32, %arg2: memref<32x128xf32, #tpu.memory_space<hbm>>, %arg3: memref<10000x128xf32, #tpu.memory_space<hbm>>, %arg4: memref<2560x128xi32, #tpu.memory_space<hbm>>, %arg5: memref<2560x128xi32, #tpu.memory_space<hbm>>, %arg6: memref<2x10240x128xf32, #tpu.memory_space<hbm>>, %arg7: memref<10240x128xf32, #tpu.memory_space<vmem_shared>>, %arg8: memref<40x128xi32, #tpu.memory_space<vmem>>, %arg9: memref<40x128xi32, #tpu.memory_space<vmem>>, %arg10: memref<128x128xf32, #tpu.memory_space<vmem>>, %arg11: memref<128x128xf32, #tpu.memory_space<vmem>>, %arg12: memref<!tpu.dma_semaphore, #tpu.memory_space<semaphore_mem>>, %arg13: memref<!tpu.dma_semaphore, #tpu.memory_space<semaphore_mem>>) attributes {dimension_semantics = [#tpu.dimension_semantics<core_parallel>, #tpu.dimension_semantics<subcore_parallel>], iteration_bounds = array<i64: 2, 16>, scalar_prefetch = 0 : i64, scratch_operands = 7 : i64, tpu.core_type = #tpu.core_type<sc_vector_subcore>, window_params = [{transform_indices = #map}, {transform_indices = #map}, {transform_indices = #map}, {transform_indices = #map}, {transform_indices = #map1}]} {
    "tpu.region"() ({
      %run_scoped3A_83 = tpu.sem_alloc : memref<!tpu.dma_semaphore, #tpu.memory_space<semaphore_mem>>
      %dma_start3A_84 = arith.constant 0 : i32
      %dma_start3A_85 = arith.constant 0 : i32
      %dma_start3A_86 = tpu.memref_slice %arg10[%dma_start3A_84, %dma_start3A_85] : memref<128x128xf32, #tpu.memory_space<vmem>> -> memref<32x128xf32, #tpu.memory_space<vmem>>
      %dma_start3A_87 = arith.constant 0 : i32
      %dma_start3A_88 = arith.constant 0 : i32
      %dma_start3A_89 = tpu.memref_slice %arg10[%dma_start3A_87, %dma_start3A_88] : memref<128x128xf32, #tpu.memory_space<vmem>> -> memref<32x128xf32, #tpu.memory_space<vmem>>
      tpu.enqueue_dma source(%arg2 : memref<32x128xf32, #tpu.memory_space<hbm>>) target(%dma_start3A_89 : memref<32x128xf32, #tpu.memory_space<vmem>>) target_semaphore(%run_scoped3A_83 : memref<!tpu.dma_semaphore, #tpu.memory_space<semaphore_mem>>)
      %dma_wait3A_90 = arith.constant 0 : i32
      %dma_wait3A_91 = arith.constant 0 : i32
      %dma_wait3A_92 = tpu.memref_slice %arg10[%dma_wait3A_90, %dma_wait3A_91] : memref<128x128xf32, #tpu.memory_space<vmem>> -> memref<32x128xf32, #tpu.memory_space<vmem>>
      %dma_wait3A_93 = arith.constant 0 : i32
      %dma_wait3A_94 = arith.constant 0 : i32
      %dma_wait3A_95 = tpu.memref_slice %arg10[%dma_wait3A_93, %dma_wait3A_94] : memref<128x128xf32, #tpu.memory_space<vmem>> -> memref<32x128xf32, #tpu.memory_space<vmem>>
      tpu.wait_dma2 semaphore(%run_scoped3A_83 : memref<!tpu.dma_semaphore, #tpu.memory_space<semaphore_mem>>) src(%arg2 : memref<32x128xf32, #tpu.memory_space<hbm>>) dst(%dma_wait3A_95 : memref<32x128xf32, #tpu.memory_space<vmem>>)
      tpu.yield
    }) : () -> ()
    %scan3A = arith.constant 0 : i32
    %scan3A_0 = arith.constant 0 : i32
    %scan3A_1 = arith.constant 20 : i32
    %scan3A_2 = arith.addi %scan3A_0, %scan3A_1 : i32
    %scan3A_3 = arith.constant 1 : i32
    scf.for %scan3A_83 = %scan3A_0 to %scan3A_2 step %scan3A_3  : i32 {
      %mul3A_84 = arith.constant 640 : i32
      %mul3A_85 = arith.muli %arg1, %mul3A_84 : i32
      %mul3A_86 = arith.constant 32 : i32
      %mul3A_87 = arith.muli %scan3A_83, %mul3A_86 : i32
      %add3A_88 = arith.addi %mul3A_85, %mul3A_87 : i32
      "tpu.region"() ({
        %run_scoped3A_89 = tpu.sem_alloc : memref<!tpu.dma_semaphore, #tpu.memory_space<semaphore_mem>>
        %dma_start3A_90 = arith.constant 0 : i32
        %dma_start3A_91 = arith.constant 0 : i32
        %dma_start3A_92 = tpu.memref_slice %arg10[%dma_start3A_90, %dma_start3A_91] : memref<128x128xf32, #tpu.memory_space<vmem>> -> memref<32x128xf32, #tpu.memory_space<vmem>>
        %dma_start3A_93 = arith.constant 0 : i32
        %dma_start3A_94 = tpu.memref_slice %arg7[%add3A_88, %dma_start3A_93] : memref<10240x128xf32, #tpu.memory_space<vmem_shared>> -> memref<32x128xf32, #tpu.memory_space<vmem_shared>>
        %dma_start3A_95 = arith.constant 0 : i32
        %dma_start3A_96 = tpu.memref_slice %arg7[%add3A_88, %dma_start3A_95] : memref<10240x128xf32, #tpu.memory_space<vmem_shared>> -> memref<32x128xf32, #tpu.memory_space<vmem_shared>>
        %dma_start3A_97 = arith.constant 0 : i32
        %dma_start3A_98 = arith.constant 0 : i32
        %dma_start3A_99 = tpu.memref_slice %arg10[%dma_start3A_97, %dma_start3A_98] : memref<128x128xf32, #tpu.memory_space<vmem>> -> memref<32x128xf32, #tpu.memory_space<vmem>>
        tpu.enqueue_dma source(%dma_start3A_99 : memref<32x128xf32, #tpu.memory_space<vmem>>) target(%dma_start3A_96 : memref<32x128xf32, #tpu.memory_space<vmem_shared>>) target_semaphore(%run_scoped3A_89 : memref<!tpu.dma_semaphore, #tpu.memory_space<semaphore_mem>>)
        %dma_wait3A_100 = arith.constant 0 : i32
        %dma_wait3A_101 = arith.constant 0 : i32
        %dma_wait3A_102 = tpu.memref_slice %arg10[%dma_wait3A_100, %dma_wait3A_101] : memref<128x128xf32, #tpu.memory_space<vmem>> -> memref<32x128xf32, #tpu.memory_space<vmem>>
        %dma_wait3A_103 = arith.constant 0 : i32
        %dma_wait3A_104 = tpu.memref_slice %arg7[%add3A_88, %dma_wait3A_103] : memref<10240x128xf32, #tpu.memory_space<vmem_shared>> -> memref<32x128xf32, #tpu.memory_space<vmem_shared>>
        %dma_wait3A_105 = arith.constant 0 : i32
        %dma_wait3A_106 = tpu.memref_slice %arg7[%add3A_88, %dma_wait3A_105] : memref<10240x128xf32, #tpu.memory_space<vmem_shared>> -> memref<32x128xf32, #tpu.memory_space<vmem_shared>>
        %dma_wait3A_107 = arith.constant 0 : i32
        %dma_wait3A_108 = arith.constant 0 : i32
        %dma_wait3A_109 = tpu.memref_slice %arg10[%dma_wait3A_107, %dma_wait3A_108] : memref<128x128xf32, #tpu.memory_space<vmem>> -> memref<32x128xf32, #tpu.memory_space<vmem>>
        tpu.wait_dma2 semaphore(%run_scoped3A_89 : memref<!tpu.dma_semaphore, #tpu.memory_space<semaphore_mem>>) src(%dma_wait3A_109 : memref<32x128xf32, #tpu.memory_space<vmem>>) dst(%dma_wait3A_106 : memref<32x128xf32, #tpu.memory_space<vmem_shared>>)
        tpu.yield
      }) : () -> ()
    }
    %scan3A_4 = arith.constant 20 : i32
    %mul3A = arith.constant 16 : i32
    %mul3A_5 = arith.muli %arg0, %mul3A : i32
    %add3A = arith.addi %mul3A_5, %arg1 : i32
    %mul3A_6 = arith.constant 80 : i32
    %mul3A_7 = arith.muli %add3A, %mul3A_6 : i32
    %add3A_8 = arith.constant 0 : i32
    %add3A_9 = arith.addi %mul3A_7, %add3A_8 : i32
    "tpu.region"() ({
      %run_scoped3A_83 = tpu.sem_alloc : memref<!tpu.dma_semaphore, #tpu.memory_space<semaphore_mem>>
      %dma_start3A_84 = arith.constant 0 : i32
      %dma_start3A_85 = tpu.memref_slice %arg4[%add3A_9, %dma_start3A_84] : memref<2560x128xi32, #tpu.memory_space<hbm>> -> memref<40x128xi32, #tpu.memory_space<hbm>>
      %dma_start3A_86 = arith.constant 0 : i32
      %dma_start3A_87 = tpu.memref_slice %arg4[%add3A_9, %dma_start3A_86] : memref<2560x128xi32, #tpu.memory_space<hbm>> -> memref<40x128xi32, #tpu.memory_space<hbm>>
      tpu.enqueue_dma source(%dma_start3A_87 : memref<40x128xi32, #tpu.memory_space<hbm>>) target(%arg8 : memref<40x128xi32, #tpu.memory_space<vmem>>) target_semaphore(%run_scoped3A_83 : memref<!tpu.dma_semaphore, #tpu.memory_space<semaphore_mem>>)
      %dma_wait3A_88 = arith.constant 0 : i32
      %dma_wait3A_89 = tpu.memref_slice %arg4[%add3A_9, %dma_wait3A_88] : memref<2560x128xi32, #tpu.memory_space<hbm>> -> memref<40x128xi32, #tpu.memory_space<hbm>>
      %dma_wait3A_90 = arith.constant 0 : i32
      %dma_wait3A_91 = tpu.memref_slice %arg4[%add3A_9, %dma_wait3A_90] : memref<2560x128xi32, #tpu.memory_space<hbm>> -> memref<40x128xi32, #tpu.memory_space<hbm>>
      tpu.wait_dma2 semaphore(%run_scoped3A_83 : memref<!tpu.dma_semaphore, #tpu.memory_space<semaphore_mem>>) src(%dma_wait3A_91 : memref<40x128xi32, #tpu.memory_space<hbm>>) dst(%arg8 : memref<40x128xi32, #tpu.memory_space<vmem>>)
      tpu.yield
    }) : () -> ()
    "tpu.region"() ({
      %run_scoped3A_83 = tpu.sem_alloc : memref<!tpu.dma_semaphore, #tpu.memory_space<semaphore_mem>>
      %dma_start3A_84 = arith.constant 0 : i32
      %dma_start3A_85 = tpu.memref_slice %arg5[%add3A_9, %dma_start3A_84] : memref<2560x128xi32, #tpu.memory_space<hbm>> -> memref<40x128xi32, #tpu.memory_space<hbm>>
      %dma_start3A_86 = arith.constant 0 : i32
      %dma_start3A_87 = tpu.memref_slice %arg5[%add3A_9, %dma_start3A_86] : memref<2560x128xi32, #tpu.memory_space<hbm>> -> memref<40x128xi32, #tpu.memory_space<hbm>>
      tpu.enqueue_dma source(%dma_start3A_87 : memref<40x128xi32, #tpu.memory_space<hbm>>) target(%arg9 : memref<40x128xi32, #tpu.memory_space<vmem>>) target_semaphore(%run_scoped3A_83 : memref<!tpu.dma_semaphore, #tpu.memory_space<semaphore_mem>>)
      %dma_wait3A_88 = arith.constant 0 : i32
      %dma_wait3A_89 = tpu.memref_slice %arg5[%add3A_9, %dma_wait3A_88] : memref<2560x128xi32, #tpu.memory_space<hbm>> -> memref<40x128xi32, #tpu.memory_space<hbm>>
      %dma_wait3A_90 = arith.constant 0 : i32
      %dma_wait3A_91 = tpu.memref_slice %arg5[%add3A_9, %dma_wait3A_90] : memref<2560x128xi32, #tpu.memory_space<hbm>> -> memref<40x128xi32, #tpu.memory_space<hbm>>
      tpu.wait_dma2 semaphore(%run_scoped3A_83 : memref<!tpu.dma_semaphore, #tpu.memory_space<semaphore_mem>>) src(%dma_wait3A_91 : memref<40x128xi32, #tpu.memory_space<hbm>>) dst(%arg9 : memref<40x128xi32, #tpu.memory_space<vmem>>)
      tpu.yield
    }) : () -> ()
    %dma_start3A = arith.constant 0 : i32
    %dma_start3A_10 = arith.constant 0 : i32
    %dma_start3A_11 = tpu.memref_slice %arg8[%dma_start3A, %dma_start3A_10] : memref<40x128xi32, #tpu.memory_space<vmem>> -> memref<1x128xi32, #tpu.memory_space<vmem>>
    %dma_start3A_12 = tpu.memref_squeeze %dma_start3A_11 : memref<1x128xi32, #tpu.memory_space<vmem>> -> memref<128xi32, #tpu.memory_space<vmem>>
    %dma_start3A_13 = arith.constant 0 : i32
    %dma_start3A_14 = arith.constant 0 : i32
    %dma_start3A_15 = tpu.memref_slice %arg3[%dma_start3A_13, %dma_start3A_14] : memref<10000x128xf32, #tpu.memory_space<hbm>> -> memref<10000x128xf32, #tpu.memory_space<hbm>>
    tpu.enqueue_indirect_dma source(%dma_start3A_15 : memref<10000x128xf32, #tpu.memory_space<hbm>>) target(%arg10 : memref<128x128xf32, #tpu.memory_space<vmem>>) offsets(%dma_start3A_12 : memref<128xi32, #tpu.memory_space<vmem>>) semaphore(%arg12 : memref<!tpu.dma_semaphore, #tpu.memory_space<semaphore_mem>>)
    %dma_start3A_16 = arith.constant 1 : i32
    %dma_start3A_17 = arith.constant 0 : i32
    %dma_start3A_18 = tpu.memref_slice %arg8[%dma_start3A_16, %dma_start3A_17] : memref<40x128xi32, #tpu.memory_space<vmem>> -> memref<1x128xi32, #tpu.memory_space<vmem>>
    %dma_start3A_19 = tpu.memref_squeeze %dma_start3A_18 : memref<1x128xi32, #tpu.memory_space<vmem>> -> memref<128xi32, #tpu.memory_space<vmem>>
    %dma_start3A_20 = arith.constant 0 : i32
    %dma_start3A_21 = arith.constant 0 : i32
    %dma_start3A_22 = tpu.memref_slice %arg3[%dma_start3A_20, %dma_start3A_21] : memref<10000x128xf32, #tpu.memory_space<hbm>> -> memref<10000x128xf32, #tpu.memory_space<hbm>>
    tpu.enqueue_indirect_dma source(%dma_start3A_22 : memref<10000x128xf32, #tpu.memory_space<hbm>>) target(%arg11 : memref<128x128xf32, #tpu.memory_space<vmem>>) offsets(%dma_start3A_19 : memref<128xi32, #tpu.memory_space<vmem>>) semaphore(%arg13 : memref<!tpu.dma_semaphore, #tpu.memory_space<semaphore_mem>>)
    %scan3A_23 = arith.constant 0 : i32
    %scan3A_24 = arith.constant 0 : i32
    %scan3A_25 = arith.constant 19 : i32
    %scan3A_26 = arith.addi %scan3A_24, %scan3A_25 : i32
    %scan3A_27 = arith.constant 1 : i32
    scf.for %scan3A_83 = %scan3A_24 to %scan3A_26 step %scan3A_27  : i32 {
      %mul3A_84 = arith.constant 2 : i32
      %mul3A_85 = arith.muli %scan3A_83, %mul3A_84 : i32
      %dma_wait3A_86 = arith.constant 0 : i32
      %dma_wait3A_87 = arith.constant 0 : i32
      %dma_wait3A_88 = tpu.memref_slice %arg3[%dma_wait3A_86, %dma_wait3A_87] : memref<10000x128xf32, #tpu.memory_space<hbm>> -> memref<128x128xf32, #tpu.memory_space<hbm>>
      %dma_wait3A_89 = arith.constant 0 : i32
      %dma_wait3A_90 = arith.constant 0 : i32
      %dma_wait3A_91 = tpu.memref_slice %arg3[%dma_wait3A_89, %dma_wait3A_90] : memref<10000x128xf32, #tpu.memory_space<hbm>> -> memref<128x128xf32, #tpu.memory_space<hbm>>
      tpu.wait_dma2 semaphore(%arg12 : memref<!tpu.dma_semaphore, #tpu.memory_space<semaphore_mem>>) src(%dma_wait3A_91 : memref<128x128xf32, #tpu.memory_space<hbm>>) dst(%arg10 : memref<128x128xf32, #tpu.memory_space<vmem>>)
      %add3A_92 = arith.constant 0 : i32
      %add3A_93 = arith.addi %mul3A_85, %add3A_92 : i32
      "tpu.region"() ({
        %run_scoped3A_122 = tpu.sem_alloc : memref<!tpu.dma_semaphore, #tpu.memory_space<semaphore_mem>>
        %dma_start3A_123 = arith.constant 0 : i32
        %dma_start3A_124 = tpu.memref_slice %arg9[%add3A_93, %dma_start3A_123] : memref<40x128xi32, #tpu.memory_space<vmem>> -> memref<1x128xi32, #tpu.memory_space<vmem>>
        %dma_start3A_125 = tpu.memref_squeeze %dma_start3A_124 : memref<1x128xi32, #tpu.memory_space<vmem>> -> memref<128xi32, #tpu.memory_space<vmem>>
        %dma_start3A_126 = arith.constant 0 : i32
        %dma_start3A_127 = arith.constant 0 : i32
        %dma_start3A_128 = tpu.memref_slice %arg7[%dma_start3A_126, %dma_start3A_127] : memref<10240x128xf32, #tpu.memory_space<vmem_shared>> -> memref<10240x128xf32, #tpu.memory_space<vmem_shared>>
        tpu.enqueue_indirect_dma source(%arg10 : memref<128x128xf32, #tpu.memory_space<vmem>>) target(%dma_start3A_128 : memref<10240x128xf32, #tpu.memory_space<vmem_shared>>) offsets(%dma_start3A_125 : memref<128xi32, #tpu.memory_space<vmem>>) semaphore(%run_scoped3A_122 : memref<!tpu.dma_semaphore, #tpu.memory_space<semaphore_mem>>) {add = true}
        %dma_wait3A_129 = arith.constant 0 : i32
        %dma_wait3A_130 = tpu.memref_slice %arg9[%add3A_93, %dma_wait3A_129] : memref<40x128xi32, #tpu.memory_space<vmem>> -> memref<1x128xi32, #tpu.memory_space<vmem>>
        %dma_wait3A_131 = tpu.memref_squeeze %dma_wait3A_130 : memref<1x128xi32, #tpu.memory_space<vmem>> -> memref<128xi32, #tpu.memory_space<vmem>>
        %dma_wait3A_132 = arith.constant 0 : i32
        %dma_wait3A_133 = arith.constant 0 : i32
        %dma_wait3A_134 = tpu.memref_slice %arg7[%dma_wait3A_132, %dma_wait3A_133] : memref<10240x128xf32, #tpu.memory_space<vmem_shared>> -> memref<10240x128xf32, #tpu.memory_space<vmem_shared>>
        tpu.wait_indirect_dma semaphore(%run_scoped3A_122 : memref<!tpu.dma_semaphore, #tpu.memory_space<semaphore_mem>>) src(%arg10 : memref<128x128xf32, #tpu.memory_space<vmem>>) dst(%dma_wait3A_134 : memref<10240x128xf32, #tpu.memory_space<vmem_shared>>)
        tpu.yield
      }) : () -> ()
      %add3A_94 = arith.constant 2 : i32
      %add3A_95 = arith.addi %mul3A_85, %add3A_94 : i32
      %add3A_96 = arith.constant 0 : i32
      %add3A_97 = arith.addi %add3A_95, %add3A_96 : i32
      %dma_start3A_98 = arith.constant 0 : i32
      %dma_start3A_99 = tpu.memref_slice %arg8[%add3A_97, %dma_start3A_98] : memref<40x128xi32, #tpu.memory_space<vmem>> -> memref<1x128xi32, #tpu.memory_space<vmem>>
      %dma_start3A_100 = tpu.memref_squeeze %dma_start3A_99 : memref<1x128xi32, #tpu.memory_space<vmem>> -> memref<128xi32, #tpu.memory_space<vmem>>
      %dma_start3A_101 = arith.constant 0 : i32
      %dma_start3A_102 = arith.constant 0 : i32
      %dma_start3A_103 = tpu.memref_slice %arg3[%dma_start3A_101, %dma_start3A_102] : memref<10000x128xf32, #tpu.memory_space<hbm>> -> memref<10000x128xf32, #tpu.memory_space<hbm>>
      tpu.enqueue_indirect_dma source(%dma_start3A_103 : memref<10000x128xf32, #tpu.memory_space<hbm>>) target(%arg10 : memref<128x128xf32, #tpu.memory_space<vmem>>) offsets(%dma_start3A_100 : memref<128xi32, #tpu.memory_space<vmem>>) semaphore(%arg12 : memref<!tpu.dma_semaphore, #tpu.memory_space<semaphore_mem>>)
      %dma_wait3A_104 = arith.constant 0 : i32
      %dma_wait3A_105 = arith.constant 0 : i32
      %dma_wait3A_106 = tpu.memref_slice %arg3[%dma_wait3A_104, %dma_wait3A_105] : memref<10000x128xf32, #tpu.memory_space<hbm>> -> memref<128x128xf32, #tpu.memory_space<hbm>>
      %dma_wait3A_107 = arith.constant 0 : i32
      %dma_wait3A_108 = arith.constant 0 : i32
      %dma_wait3A_109 = tpu.memref_slice %arg3[%dma_wait3A_107, %dma_wait3A_108] : memref<10000x128xf32, #tpu.memory_space<hbm>> -> memref<128x128xf32, #tpu.memory_space<hbm>>
      tpu.wait_dma2 semaphore(%arg13 : memref<!tpu.dma_semaphore, #tpu.memory_space<semaphore_mem>>) src(%dma_wait3A_109 : memref<128x128xf32, #tpu.memory_space<hbm>>) dst(%arg11 : memref<128x128xf32, #tpu.memory_space<vmem>>)
      %add3A_110 = arith.constant 1 : i32
      %add3A_111 = arith.addi %mul3A_85, %add3A_110 : i32
      "tpu.region"() ({
        %run_scoped3A_122 = tpu.sem_alloc : memref<!tpu.dma_semaphore, #tpu.memory_space<semaphore_mem>>
        %dma_start3A_123 = arith.constant 0 : i32
        %dma_start3A_124 = tpu.memref_slice %arg9[%add3A_111, %dma_start3A_123] : memref<40x128xi32, #tpu.memory_space<vmem>> -> memref<1x128xi32, #tpu.memory_space<vmem>>
        %dma_start3A_125 = tpu.memref_squeeze %dma_start3A_124 : memref<1x128xi32, #tpu.memory_space<vmem>> -> memref<128xi32, #tpu.memory_space<vmem>>
        %dma_start3A_126 = arith.constant 0 : i32
        %dma_start3A_127 = arith.constant 0 : i32
        %dma_start3A_128 = tpu.memref_slice %arg7[%dma_start3A_126, %dma_start3A_127] : memref<10240x128xf32, #tpu.memory_space<vmem_shared>> -> memref<10240x128xf32, #tpu.memory_space<vmem_shared>>
        tpu.enqueue_indirect_dma source(%arg11 : memref<128x128xf32, #tpu.memory_space<vmem>>) target(%dma_start3A_128 : memref<10240x128xf32, #tpu.memory_space<vmem_shared>>) offsets(%dma_start3A_125 : memref<128xi32, #tpu.memory_space<vmem>>) semaphore(%run_scoped3A_122 : memref<!tpu.dma_semaphore, #tpu.memory_space<semaphore_mem>>) {add = true}
        %dma_wait3A_129 = arith.constant 0 : i32
        %dma_wait3A_130 = tpu.memref_slice %arg9[%add3A_111, %dma_wait3A_129] : memref<40x128xi32, #tpu.memory_space<vmem>> -> memref<1x128xi32, #tpu.memory_space<vmem>>
        %dma_wait3A_131 = tpu.memref_squeeze %dma_wait3A_130 : memref<1x128xi32, #tpu.memory_space<vmem>> -> memref<128xi32, #tpu.memory_space<vmem>>
        %dma_wait3A_132 = arith.constant 0 : i32
        %dma_wait3A_133 = arith.constant 0 : i32
        %dma_wait3A_134 = tpu.memref_slice %arg7[%dma_wait3A_132, %dma_wait3A_133] : memref<10240x128xf32, #tpu.memory_space<vmem_shared>> -> memref<10240x128xf32, #tpu.memory_space<vmem_shared>>
        tpu.wait_indirect_dma semaphore(%run_scoped3A_122 : memref<!tpu.dma_semaphore, #tpu.memory_space<semaphore_mem>>) src(%arg11 : memref<128x128xf32, #tpu.memory_space<vmem>>) dst(%dma_wait3A_134 : memref<10240x128xf32, #tpu.memory_space<vmem_shared>>)
        tpu.yield
      }) : () -> ()
      %add3A_112 = arith.constant 2 : i32
      %add3A_113 = arith.addi %mul3A_85, %add3A_112 : i32
      %add3A_114 = arith.constant 1 : i32
      %add3A_115 = arith.addi %add3A_113, %add3A_114 : i32
      %dma_start3A_116 = arith.constant 0 : i32
      %dma_start3A_117 = tpu.memref_slice %arg8[%add3A_115, %dma_start3A_116] : memref<40x128xi32, #tpu.memory_space<vmem>> -> memref<1x128xi32, #tpu.memory_space<vmem>>
      %dma_start3A_118 = tpu.memref_squeeze %dma_start3A_117 : memref<1x128xi32, #tpu.memory_space<vmem>> -> memref<128xi32, #tpu.memory_space<vmem>>
      %dma_start3A_119 = arith.constant 0 : i32
      %dma_start3A_120 = arith.constant 0 : i32
      %dma_start3A_121 = tpu.memref_slice %arg3[%dma_start3A_119, %dma_start3A_120] : memref<10000x128xf32, #tpu.memory_space<hbm>> -> memref<10000x128xf32, #tpu.memory_space<hbm>>
      tpu.enqueue_indirect_dma source(%dma_start3A_121 : memref<10000x128xf32, #tpu.memory_space<hbm>>) target(%arg11 : memref<128x128xf32, #tpu.memory_space<vmem>>) offsets(%dma_start3A_118 : memref<128xi32, #tpu.memory_space<vmem>>) semaphore(%arg13 : memref<!tpu.dma_semaphore, #tpu.memory_space<semaphore_mem>>)
    }
    %scan3A_28 = arith.constant 19 : i32
    %dma_wait3A = arith.constant 0 : i32
    %dma_wait3A_29 = arith.constant 0 : i32
    %dma_wait3A_30 = tpu.memref_slice %arg3[%dma_wait3A, %dma_wait3A_29] : memref<10000x128xf32, #tpu.memory_space<hbm>> -> memref<128x128xf32, #tpu.memory_space<hbm>>
    %dma_wait3A_31 = arith.constant 0 : i32
    %dma_wait3A_32 = arith.constant 0 : i32
    %dma_wait3A_33 = tpu.memref_slice %arg3[%dma_wait3A_31, %dma_wait3A_32] : memref<10000x128xf32, #tpu.memory_space<hbm>> -> memref<128x128xf32, #tpu.memory_space<hbm>>
    tpu.wait_dma2 semaphore(%arg12 : memref<!tpu.dma_semaphore, #tpu.memory_space<semaphore_mem>>) src(%dma_wait3A_33 : memref<128x128xf32, #tpu.memory_space<hbm>>) dst(%arg10 : memref<128x128xf32, #tpu.memory_space<vmem>>)
    %run_scoped3A = arith.constant 38 : i32
    "tpu.region"() ({
      %run_scoped3A_83 = tpu.sem_alloc : memref<!tpu.dma_semaphore, #tpu.memory_space<semaphore_mem>>
      %dma_start3A_84 = arith.constant 0 : i32
      %dma_start3A_85 = tpu.memref_slice %arg9[%run_scoped3A, %dma_start3A_84] : memref<40x128xi32, #tpu.memory_space<vmem>> -> memref<1x128xi32, #tpu.memory_space<vmem>>
      %dma_start3A_86 = tpu.memref_squeeze %dma_start3A_85 : memref<1x128xi32, #tpu.memory_space<vmem>> -> memref<128xi32, #tpu.memory_space<vmem>>
      %dma_start3A_87 = arith.constant 0 : i32
      %dma_start3A_88 = arith.constant 0 : i32
      %dma_start3A_89 = tpu.memref_slice %arg7[%dma_start3A_87, %dma_start3A_88] : memref<10240x128xf32, #tpu.memory_space<vmem_shared>> -> memref<10240x128xf32, #tpu.memory_space<vmem_shared>>
      tpu.enqueue_indirect_dma source(%arg10 : memref<128x128xf32, #tpu.memory_space<vmem>>) target(%dma_start3A_89 : memref<10240x128xf32, #tpu.memory_space<vmem_shared>>) offsets(%dma_start3A_86 : memref<128xi32, #tpu.memory_space<vmem>>) semaphore(%run_scoped3A_83 : memref<!tpu.dma_semaphore, #tpu.memory_space<semaphore_mem>>) {add = true}
      %dma_wait3A_90 = arith.constant 0 : i32
      %dma_wait3A_91 = tpu.memref_slice %arg9[%run_scoped3A, %dma_wait3A_90] : memref<40x128xi32, #tpu.memory_space<vmem>> -> memref<1x128xi32, #tpu.memory_space<vmem>>
      %dma_wait3A_92 = tpu.memref_squeeze %dma_wait3A_91 : memref<1x128xi32, #tpu.memory_space<vmem>> -> memref<128xi32, #tpu.memory_space<vmem>>
      %dma_wait3A_93 = arith.constant 0 : i32
      %dma_wait3A_94 = arith.constant 0 : i32
      %dma_wait3A_95 = tpu.memref_slice %arg7[%dma_wait3A_93, %dma_wait3A_94] : memref<10240x128xf32, #tpu.memory_space<vmem_shared>> -> memref<10240x128xf32, #tpu.memory_space<vmem_shared>>
      tpu.wait_indirect_dma semaphore(%run_scoped3A_83 : memref<!tpu.dma_semaphore, #tpu.memory_space<semaphore_mem>>) src(%arg10 : memref<128x128xf32, #tpu.memory_space<vmem>>) dst(%dma_wait3A_95 : memref<10240x128xf32, #tpu.memory_space<vmem_shared>>)
      tpu.yield
    }) : () -> ()
    %dma_wait3A_34 = arith.constant 0 : i32
    %dma_wait3A_35 = arith.constant 0 : i32
    %dma_wait3A_36 = tpu.memref_slice %arg3[%dma_wait3A_34, %dma_wait3A_35] : memref<10000x128xf32, #tpu.memory_space<hbm>> -> memref<128x128xf32, #tpu.memory_space<hbm>>
    %dma_wait3A_37 = arith.constant 0 : i32
    %dma_wait3A_38 = arith.constant 0 : i32
    %dma_wait3A_39 = tpu.memref_slice %arg3[%dma_wait3A_37, %dma_wait3A_38] : memref<10000x128xf32, #tpu.memory_space<hbm>> -> memref<128x128xf32, #tpu.memory_space<hbm>>
    tpu.wait_dma2 semaphore(%arg13 : memref<!tpu.dma_semaphore, #tpu.memory_space<semaphore_mem>>) src(%dma_wait3A_39 : memref<128x128xf32, #tpu.memory_space<hbm>>) dst(%arg11 : memref<128x128xf32, #tpu.memory_space<vmem>>)
    %run_scoped3A_40 = arith.constant 39 : i32
    "tpu.region"() ({
      %run_scoped3A_83 = tpu.sem_alloc : memref<!tpu.dma_semaphore, #tpu.memory_space<semaphore_mem>>
      %dma_start3A_84 = arith.constant 0 : i32
      %dma_start3A_85 = tpu.memref_slice %arg9[%run_scoped3A_40, %dma_start3A_84] : memref<40x128xi32, #tpu.memory_space<vmem>> -> memref<1x128xi32, #tpu.memory_space<vmem>>
      %dma_start3A_86 = tpu.memref_squeeze %dma_start3A_85 : memref<1x128xi32, #tpu.memory_space<vmem>> -> memref<128xi32, #tpu.memory_space<vmem>>
      %dma_start3A_87 = arith.constant 0 : i32
      %dma_start3A_88 = arith.constant 0 : i32
      %dma_start3A_89 = tpu.memref_slice %arg7[%dma_start3A_87, %dma_start3A_88] : memref<10240x128xf32, #tpu.memory_space<vmem_shared>> -> memref<10240x128xf32, #tpu.memory_space<vmem_shared>>
      tpu.enqueue_indirect_dma source(%arg11 : memref<128x128xf32, #tpu.memory_space<vmem>>) target(%dma_start3A_89 : memref<10240x128xf32, #tpu.memory_space<vmem_shared>>) offsets(%dma_start3A_86 : memref<128xi32, #tpu.memory_space<vmem>>) semaphore(%run_scoped3A_83 : memref<!tpu.dma_semaphore, #tpu.memory_space<semaphore_mem>>) {add = true}
      %dma_wait3A_90 = arith.constant 0 : i32
      %dma_wait3A_91 = tpu.memref_slice %arg9[%run_scoped3A_40, %dma_wait3A_90] : memref<40x128xi32, #tpu.memory_space<vmem>> -> memref<1x128xi32, #tpu.memory_space<vmem>>
      %dma_wait3A_92 = tpu.memref_squeeze %dma_wait3A_91 : memref<1x128xi32, #tpu.memory_space<vmem>> -> memref<128xi32, #tpu.memory_space<vmem>>
      %dma_wait3A_93 = arith.constant 0 : i32
      %dma_wait3A_94 = arith.constant 0 : i32
      %dma_wait3A_95 = tpu.memref_slice %arg7[%dma_wait3A_93, %dma_wait3A_94] : memref<10240x128xf32, #tpu.memory_space<vmem_shared>> -> memref<10240x128xf32, #tpu.memory_space<vmem_shared>>
      tpu.wait_indirect_dma semaphore(%run_scoped3A_83 : memref<!tpu.dma_semaphore, #tpu.memory_space<semaphore_mem>>) src(%arg11 : memref<128x128xf32, #tpu.memory_space<vmem>>) dst(%dma_wait3A_95 : memref<10240x128xf32, #tpu.memory_space<vmem_shared>>)
      tpu.yield
    }) : () -> ()
    %add3A_41 = arith.constant 40 : i32
    %add3A_42 = arith.addi %mul3A_7, %add3A_41 : i32
    "tpu.region"() ({
      %run_scoped3A_83 = tpu.sem_alloc : memref<!tpu.dma_semaphore, #tpu.memory_space<semaphore_mem>>
      %dma_start3A_84 = arith.constant 0 : i32
      %dma_start3A_85 = tpu.memref_slice %arg4[%add3A_42, %dma_start3A_84] : memref<2560x128xi32, #tpu.memory_space<hbm>> -> memref<40x128xi32, #tpu.memory_space<hbm>>
      %dma_start3A_86 = arith.constant 0 : i32
      %dma_start3A_87 = tpu.memref_slice %arg4[%add3A_42, %dma_start3A_86] : memref<2560x128xi32, #tpu.memory_space<hbm>> -> memref<40x128xi32, #tpu.memory_space<hbm>>
      tpu.enqueue_dma source(%dma_start3A_87 : memref<40x128xi32, #tpu.memory_space<hbm>>) target(%arg8 : memref<40x128xi32, #tpu.memory_space<vmem>>) target_semaphore(%run_scoped3A_83 : memref<!tpu.dma_semaphore, #tpu.memory_space<semaphore_mem>>)
      %dma_wait3A_88 = arith.constant 0 : i32
      %dma_wait3A_89 = tpu.memref_slice %arg4[%add3A_42, %dma_wait3A_88] : memref<2560x128xi32, #tpu.memory_space<hbm>> -> memref<40x128xi32, #tpu.memory_space<hbm>>
      %dma_wait3A_90 = arith.constant 0 : i32
      %dma_wait3A_91 = tpu.memref_slice %arg4[%add3A_42, %dma_wait3A_90] : memref<2560x128xi32, #tpu.memory_space<hbm>> -> memref<40x128xi32, #tpu.memory_space<hbm>>
      tpu.wait_dma2 semaphore(%run_scoped3A_83 : memref<!tpu.dma_semaphore, #tpu.memory_space<semaphore_mem>>) src(%dma_wait3A_91 : memref<40x128xi32, #tpu.memory_space<hbm>>) dst(%arg8 : memref<40x128xi32, #tpu.memory_space<vmem>>)
      tpu.yield
    }) : () -> ()
    "tpu.region"() ({
      %run_scoped3A_83 = tpu.sem_alloc : memref<!tpu.dma_semaphore, #tpu.memory_space<semaphore_mem>>
      %dma_start3A_84 = arith.constant 0 : i32
      %dma_start3A_85 = tpu.memref_slice %arg5[%add3A_42, %dma_start3A_84] : memref<2560x128xi32, #tpu.memory_space<hbm>> -> memref<40x128xi32, #tpu.memory_space<hbm>>
      %dma_start3A_86 = arith.constant 0 : i32
      %dma_start3A_87 = tpu.memref_slice %arg5[%add3A_42, %dma_start3A_86] : memref<2560x128xi32, #tpu.memory_space<hbm>> -> memref<40x128xi32, #tpu.memory_space<hbm>>
      tpu.enqueue_dma source(%dma_start3A_87 : memref<40x128xi32, #tpu.memory_space<hbm>>) target(%arg9 : memref<40x128xi32, #tpu.memory_space<vmem>>) target_semaphore(%run_scoped3A_83 : memref<!tpu.dma_semaphore, #tpu.memory_space<semaphore_mem>>)
      %dma_wait3A_88 = arith.constant 0 : i32
      %dma_wait3A_89 = tpu.memref_slice %arg5[%add3A_42, %dma_wait3A_88] : memref<2560x128xi32, #tpu.memory_space<hbm>> -> memref<40x128xi32, #tpu.memory_space<hbm>>
      %dma_wait3A_90 = arith.constant 0 : i32
      %dma_wait3A_91 = tpu.memref_slice %arg5[%add3A_42, %dma_wait3A_90] : memref<2560x128xi32, #tpu.memory_space<hbm>> -> memref<40x128xi32, #tpu.memory_space<hbm>>
      tpu.wait_dma2 semaphore(%run_scoped3A_83 : memref<!tpu.dma_semaphore, #tpu.memory_space<semaphore_mem>>) src(%dma_wait3A_91 : memref<40x128xi32, #tpu.memory_space<hbm>>) dst(%arg9 : memref<40x128xi32, #tpu.memory_space<vmem>>)
      tpu.yield
    }) : () -> ()
    %dma_start3A_43 = arith.constant 0 : i32
    %dma_start3A_44 = arith.constant 0 : i32
    %dma_start3A_45 = tpu.memref_slice %arg8[%dma_start3A_43, %dma_start3A_44] : memref<40x128xi32, #tpu.memory_space<vmem>> -> memref<1x128xi32, #tpu.memory_space<vmem>>
    %dma_start3A_46 = tpu.memref_squeeze %dma_start3A_45 : memref<1x128xi32, #tpu.memory_space<vmem>> -> memref<128xi32, #tpu.memory_space<vmem>>
    %dma_start3A_47 = arith.constant 0 : i32
    %dma_start3A_48 = arith.constant 0 : i32
    %dma_start3A_49 = tpu.memref_slice %arg3[%dma_start3A_47, %dma_start3A_48] : memref<10000x128xf32, #tpu.memory_space<hbm>> -> memref<10000x128xf32, #tpu.memory_space<hbm>>
    tpu.enqueue_indirect_dma source(%dma_start3A_49 : memref<10000x128xf32, #tpu.memory_space<hbm>>) target(%arg10 : memref<128x128xf32, #tpu.memory_space<vmem>>) offsets(%dma_start3A_46 : memref<128xi32, #tpu.memory_space<vmem>>) semaphore(%arg12 : memref<!tpu.dma_semaphore, #tpu.memory_space<semaphore_mem>>)
    %dma_start3A_50 = arith.constant 1 : i32
    %dma_start3A_51 = arith.constant 0 : i32
    %dma_start3A_52 = tpu.memref_slice %arg8[%dma_start3A_50, %dma_start3A_51] : memref<40x128xi32, #tpu.memory_space<vmem>> -> memref<1x128xi32, #tpu.memory_space<vmem>>
    %dma_start3A_53 = tpu.memref_squeeze %dma_start3A_52 : memref<1x128xi32, #tpu.memory_space<vmem>> -> memref<128xi32, #tpu.memory_space<vmem>>
    %dma_start3A_54 = arith.constant 0 : i32
    %dma_start3A_55 = arith.constant 0 : i32
    %dma_start3A_56 = tpu.memref_slice %arg3[%dma_start3A_54, %dma_start3A_55] : memref<10000x128xf32, #tpu.memory_space<hbm>> -> memref<10000x128xf32, #tpu.memory_space<hbm>>
    tpu.enqueue_indirect_dma source(%dma_start3A_56 : memref<10000x128xf32, #tpu.memory_space<hbm>>) target(%arg11 : memref<128x128xf32, #tpu.memory_space<vmem>>) offsets(%dma_start3A_53 : memref<128xi32, #tpu.memory_space<vmem>>) semaphore(%arg13 : memref<!tpu.dma_semaphore, #tpu.memory_space<semaphore_mem>>)
    %scan3A_57 = arith.constant 0 : i32
    %scan3A_58 = arith.constant 0 : i32
    %scan3A_59 = arith.constant 19 : i32
    %scan3A_60 = arith.addi %scan3A_58, %scan3A_59 : i32
    %scan3A_61 = arith.constant 1 : i32
    scf.for %scan3A_83 = %scan3A_58 to %scan3A_60 step %scan3A_61  : i32 {
      %mul3A_84 = arith.constant 2 : i32
      %mul3A_85 = arith.muli %scan3A_83, %mul3A_84 : i32
      %dma_wait3A_86 = arith.constant 0 : i32
      %dma_wait3A_87 = arith.constant 0 : i32
      %dma_wait3A_88 = tpu.memref_slice %arg3[%dma_wait3A_86, %dma_wait3A_87] : memref<10000x128xf32, #tpu.memory_space<hbm>> -> memref<128x128xf32, #tpu.memory_space<hbm>>
      %dma_wait3A_89 = arith.constant 0 : i32
      %dma_wait3A_90 = arith.constant 0 : i32
      %dma_wait3A_91 = tpu.memref_slice %arg3[%dma_wait3A_89, %dma_wait3A_90] : memref<10000x128xf32, #tpu.memory_space<hbm>> -> memref<128x128xf32, #tpu.memory_space<hbm>>
      tpu.wait_dma2 semaphore(%arg12 : memref<!tpu.dma_semaphore, #tpu.memory_space<semaphore_mem>>) src(%dma_wait3A_91 : memref<128x128xf32, #tpu.memory_space<hbm>>) dst(%arg10 : memref<128x128xf32, #tpu.memory_space<vmem>>)
      %add3A_92 = arith.constant 0 : i32
      %add3A_93 = arith.addi %mul3A_85, %add3A_92 : i32
      "tpu.region"() ({
        %run_scoped3A_122 = tpu.sem_alloc : memref<!tpu.dma_semaphore, #tpu.memory_space<semaphore_mem>>
        %dma_start3A_123 = arith.constant 0 : i32
        %dma_start3A_124 = tpu.memref_slice %arg9[%add3A_93, %dma_start3A_123] : memref<40x128xi32, #tpu.memory_space<vmem>> -> memref<1x128xi32, #tpu.memory_space<vmem>>
        %dma_start3A_125 = tpu.memref_squeeze %dma_start3A_124 : memref<1x128xi32, #tpu.memory_space<vmem>> -> memref<128xi32, #tpu.memory_space<vmem>>
        %dma_start3A_126 = arith.constant 0 : i32
        %dma_start3A_127 = arith.constant 0 : i32
        %dma_start3A_128 = tpu.memref_slice %arg7[%dma_start3A_126, %dma_start3A_127] : memref<10240x128xf32, #tpu.memory_space<vmem_shared>> -> memref<10240x128xf32, #tpu.memory_space<vmem_shared>>
        tpu.enqueue_indirect_dma source(%arg10 : memref<128x128xf32, #tpu.memory_space<vmem>>) target(%dma_start3A_128 : memref<10240x128xf32, #tpu.memory_space<vmem_shared>>) offsets(%dma_start3A_125 : memref<128xi32, #tpu.memory_space<vmem>>) semaphore(%run_scoped3A_122 : memref<!tpu.dma_semaphore, #tpu.memory_space<semaphore_mem>>) {add = true}
        %dma_wait3A_129 = arith.constant 0 : i32
        %dma_wait3A_130 = tpu.memref_slice %arg9[%add3A_93, %dma_wait3A_129] : memref<40x128xi32, #tpu.memory_space<vmem>> -> memref<1x128xi32, #tpu.memory_space<vmem>>
        %dma_wait3A_131 = tpu.memref_squeeze %dma_wait3A_130 : memref<1x128xi32, #tpu.memory_space<vmem>> -> memref<128xi32, #tpu.memory_space<vmem>>
        %dma_wait3A_132 = arith.constant 0 : i32
        %dma_wait3A_133 = arith.constant 0 : i32
        %dma_wait3A_134 = tpu.memref_slice %arg7[%dma_wait3A_132, %dma_wait3A_133] : memref<10240x128xf32, #tpu.memory_space<vmem_shared>> -> memref<10240x128xf32, #tpu.memory_space<vmem_shared>>
        tpu.wait_indirect_dma semaphore(%run_scoped3A_122 : memref<!tpu.dma_semaphore, #tpu.memory_space<semaphore_mem>>) src(%arg10 : memref<128x128xf32, #tpu.memory_space<vmem>>) dst(%dma_wait3A_134 : memref<10240x128xf32, #tpu.memory_space<vmem_shared>>)
        tpu.yield
      }) : () -> ()
      %add3A_94 = arith.constant 2 : i32
      %add3A_95 = arith.addi %mul3A_85, %add3A_94 : i32
      %add3A_96 = arith.constant 0 : i32
      %add3A_97 = arith.addi %add3A_95, %add3A_96 : i32
      %dma_start3A_98 = arith.constant 0 : i32
      %dma_start3A_99 = tpu.memref_slice %arg8[%add3A_97, %dma_start3A_98] : memref<40x128xi32, #tpu.memory_space<vmem>> -> memref<1x128xi32, #tpu.memory_space<vmem>>
      %dma_start3A_100 = tpu.memref_squeeze %dma_start3A_99 : memref<1x128xi32, #tpu.memory_space<vmem>> -> memref<128xi32, #tpu.memory_space<vmem>>
      %dma_start3A_101 = arith.constant 0 : i32
      %dma_start3A_102 = arith.constant 0 : i32
      %dma_start3A_103 = tpu.memref_slice %arg3[%dma_start3A_101, %dma_start3A_102] : memref<10000x128xf32, #tpu.memory_space<hbm>> -> memref<10000x128xf32, #tpu.memory_space<hbm>>
      tpu.enqueue_indirect_dma source(%dma_start3A_103 : memref<10000x128xf32, #tpu.memory_space<hbm>>) target(%arg10 : memref<128x128xf32, #tpu.memory_space<vmem>>) offsets(%dma_start3A_100 : memref<128xi32, #tpu.memory_space<vmem>>) semaphore(%arg12 : memref<!tpu.dma_semaphore, #tpu.memory_space<semaphore_mem>>)
      %dma_wait3A_104 = arith.constant 0 : i32
      %dma_wait3A_105 = arith.constant 0 : i32
      %dma_wait3A_106 = tpu.memref_slice %arg3[%dma_wait3A_104, %dma_wait3A_105] : memref<10000x128xf32, #tpu.memory_space<hbm>> -> memref<128x128xf32, #tpu.memory_space<hbm>>
      %dma_wait3A_107 = arith.constant 0 : i32
      %dma_wait3A_108 = arith.constant 0 : i32
      %dma_wait3A_109 = tpu.memref_slice %arg3[%dma_wait3A_107, %dma_wait3A_108] : memref<10000x128xf32, #tpu.memory_space<hbm>> -> memref<128x128xf32, #tpu.memory_space<hbm>>
      tpu.wait_dma2 semaphore(%arg13 : memref<!tpu.dma_semaphore, #tpu.memory_space<semaphore_mem>>) src(%dma_wait3A_109 : memref<128x128xf32, #tpu.memory_space<hbm>>) dst(%arg11 : memref<128x128xf32, #tpu.memory_space<vmem>>)
      %add3A_110 = arith.constant 1 : i32
      %add3A_111 = arith.addi %mul3A_85, %add3A_110 : i32
      "tpu.region"() ({
        %run_scoped3A_122 = tpu.sem_alloc : memref<!tpu.dma_semaphore, #tpu.memory_space<semaphore_mem>>
        %dma_start3A_123 = arith.constant 0 : i32
        %dma_start3A_124 = tpu.memref_slice %arg9[%add3A_111, %dma_start3A_123] : memref<40x128xi32, #tpu.memory_space<vmem>> -> memref<1x128xi32, #tpu.memory_space<vmem>>
        %dma_start3A_125 = tpu.memref_squeeze %dma_start3A_124 : memref<1x128xi32, #tpu.memory_space<vmem>> -> memref<128xi32, #tpu.memory_space<vmem>>
        %dma_start3A_126 = arith.constant 0 : i32
        %dma_start3A_127 = arith.constant 0 : i32
        %dma_start3A_128 = tpu.memref_slice %arg7[%dma_start3A_126, %dma_start3A_127] : memref<10240x128xf32, #tpu.memory_space<vmem_shared>> -> memref<10240x128xf32, #tpu.memory_space<vmem_shared>>
        tpu.enqueue_indirect_dma source(%arg11 : memref<128x128xf32, #tpu.memory_space<vmem>>) target(%dma_start3A_128 : memref<10240x128xf32, #tpu.memory_space<vmem_shared>>) offsets(%dma_start3A_125 : memref<128xi32, #tpu.memory_space<vmem>>) semaphore(%run_scoped3A_122 : memref<!tpu.dma_semaphore, #tpu.memory_space<semaphore_mem>>) {add = true}
        %dma_wait3A_129 = arith.constant 0 : i32
        %dma_wait3A_130 = tpu.memref_slice %arg9[%add3A_111, %dma_wait3A_129] : memref<40x128xi32, #tpu.memory_space<vmem>> -> memref<1x128xi32, #tpu.memory_space<vmem>>
        %dma_wait3A_131 = tpu.memref_squeeze %dma_wait3A_130 : memref<1x128xi32, #tpu.memory_space<vmem>> -> memref<128xi32, #tpu.memory_space<vmem>>
        %dma_wait3A_132 = arith.constant 0 : i32
        %dma_wait3A_133 = arith.constant 0 : i32
        %dma_wait3A_134 = tpu.memref_slice %arg7[%dma_wait3A_132, %dma_wait3A_133] : memref<10240x128xf32, #tpu.memory_space<vmem_shared>> -> memref<10240x128xf32, #tpu.memory_space<vmem_shared>>
        tpu.wait_indirect_dma semaphore(%run_scoped3A_122 : memref<!tpu.dma_semaphore, #tpu.memory_space<semaphore_mem>>) src(%arg11 : memref<128x128xf32, #tpu.memory_space<vmem>>) dst(%dma_wait3A_134 : memref<10240x128xf32, #tpu.memory_space<vmem_shared>>)
        tpu.yield
      }) : () -> ()
      %add3A_112 = arith.constant 2 : i32
      %add3A_113 = arith.addi %mul3A_85, %add3A_112 : i32
      %add3A_114 = arith.constant 1 : i32
      %add3A_115 = arith.addi %add3A_113, %add3A_114 : i32
      %dma_start3A_116 = arith.constant 0 : i32
      %dma_start3A_117 = tpu.memref_slice %arg8[%add3A_115, %dma_start3A_116] : memref<40x128xi32, #tpu.memory_space<vmem>> -> memref<1x128xi32, #tpu.memory_space<vmem>>
      %dma_start3A_118 = tpu.memref_squeeze %dma_start3A_117 : memref<1x128xi32, #tpu.memory_space<vmem>> -> memref<128xi32, #tpu.memory_space<vmem>>
      %dma_start3A_119 = arith.constant 0 : i32
      %dma_start3A_120 = arith.constant 0 : i32
      %dma_start3A_121 = tpu.memref_slice %arg3[%dma_start3A_119, %dma_start3A_120] : memref<10000x128xf32, #tpu.memory_space<hbm>> -> memref<10000x128xf32, #tpu.memory_space<hbm>>
      tpu.enqueue_indirect_dma source(%dma_start3A_121 : memref<10000x128xf32, #tpu.memory_space<hbm>>) target(%arg11 : memref<128x128xf32, #tpu.memory_space<vmem>>) offsets(%dma_start3A_118 : memref<128xi32, #tpu.memory_space<vmem>>) semaphore(%arg13 : memref<!tpu.dma_semaphore, #tpu.memory_space<semaphore_mem>>)
    }
    %scan3A_62 = arith.constant 19 : i32
    %dma_wait3A_63 = arith.constant 0 : i32
    %dma_wait3A_64 = arith.constant 0 : i32
    %dma_wait3A_65 = tpu.memref_slice %arg3[%dma_wait3A_63, %dma_wait3A_64] : memref<10000x128xf32, #tpu.memory_space<hbm>> -> memref<128x128xf32, #tpu.memory_space<hbm>>
    %dma_wait3A_66 = arith.constant 0 : i32
    %dma_wait3A_67 = arith.constant 0 : i32
    %dma_wait3A_68 = tpu.memref_slice %arg3[%dma_wait3A_66, %dma_wait3A_67] : memref<10000x128xf32, #tpu.memory_space<hbm>> -> memref<128x128xf32, #tpu.memory_space<hbm>>
    tpu.wait_dma2 semaphore(%arg12 : memref<!tpu.dma_semaphore, #tpu.memory_space<semaphore_mem>>) src(%dma_wait3A_68 : memref<128x128xf32, #tpu.memory_space<hbm>>) dst(%arg10 : memref<128x128xf32, #tpu.memory_space<vmem>>)
    %run_scoped3A_69 = arith.constant 38 : i32
    "tpu.region"() ({
      %run_scoped3A_83 = tpu.sem_alloc : memref<!tpu.dma_semaphore, #tpu.memory_space<semaphore_mem>>
      %dma_start3A_84 = arith.constant 0 : i32
      %dma_start3A_85 = tpu.memref_slice %arg9[%run_scoped3A_69, %dma_start3A_84] : memref<40x128xi32, #tpu.memory_space<vmem>> -> memref<1x128xi32, #tpu.memory_space<vmem>>
      %dma_start3A_86 = tpu.memref_squeeze %dma_start3A_85 : memref<1x128xi32, #tpu.memory_space<vmem>> -> memref<128xi32, #tpu.memory_space<vmem>>
      %dma_start3A_87 = arith.constant 0 : i32
      %dma_start3A_88 = arith.constant 0 : i32
      %dma_start3A_89 = tpu.memref_slice %arg7[%dma_start3A_87, %dma_start3A_88] : memref<10240x128xf32, #tpu.memory_space<vmem_shared>> -> memref<10240x128xf32, #tpu.memory_space<vmem_shared>>
      tpu.enqueue_indirect_dma source(%arg10 : memref<128x128xf32, #tpu.memory_space<vmem>>) target(%dma_start3A_89 : memref<10240x128xf32, #tpu.memory_space<vmem_shared>>) offsets(%dma_start3A_86 : memref<128xi32, #tpu.memory_space<vmem>>) semaphore(%run_scoped3A_83 : memref<!tpu.dma_semaphore, #tpu.memory_space<semaphore_mem>>) {add = true}
      %dma_wait3A_90 = arith.constant 0 : i32
      %dma_wait3A_91 = tpu.memref_slice %arg9[%run_scoped3A_69, %dma_wait3A_90] : memref<40x128xi32, #tpu.memory_space<vmem>> -> memref<1x128xi32, #tpu.memory_space<vmem>>
      %dma_wait3A_92 = tpu.memref_squeeze %dma_wait3A_91 : memref<1x128xi32, #tpu.memory_space<vmem>> -> memref<128xi32, #tpu.memory_space<vmem>>
      %dma_wait3A_93 = arith.constant 0 : i32
      %dma_wait3A_94 = arith.constant 0 : i32
      %dma_wait3A_95 = tpu.memref_slice %arg7[%dma_wait3A_93, %dma_wait3A_94] : memref<10240x128xf32, #tpu.memory_space<vmem_shared>> -> memref<10240x128xf32, #tpu.memory_space<vmem_shared>>
      tpu.wait_indirect_dma semaphore(%run_scoped3A_83 : memref<!tpu.dma_semaphore, #tpu.memory_space<semaphore_mem>>) src(%arg10 : memref<128x128xf32, #tpu.memory_space<vmem>>) dst(%dma_wait3A_95 : memref<10240x128xf32, #tpu.memory_space<vmem_shared>>)
      tpu.yield
    }) : () -> ()
    %dma_wait3A_70 = arith.constant 0 : i32
    %dma_wait3A_71 = arith.constant 0 : i32
    %dma_wait3A_72 = tpu.memref_slice %arg3[%dma_wait3A_70, %dma_wait3A_71] : memref<10000x128xf32, #tpu.memory_space<hbm>> -> memref<128x128xf32, #tpu.memory_space<hbm>>
    %dma_wait3A_73 = arith.constant 0 : i32
    %dma_wait3A_74 = arith.constant 0 : i32
    %dma_wait3A_75 = tpu.memref_slice %arg3[%dma_wait3A_73, %dma_wait3A_74] : memref<10000x128xf32, #tpu.memory_space<hbm>> -> memref<128x128xf32, #tpu.memory_space<hbm>>
    tpu.wait_dma2 semaphore(%arg13 : memref<!tpu.dma_semaphore, #tpu.memory_space<semaphore_mem>>) src(%dma_wait3A_75 : memref<128x128xf32, #tpu.memory_space<hbm>>) dst(%arg11 : memref<128x128xf32, #tpu.memory_space<vmem>>)
    %run_scoped3A_76 = arith.constant 39 : i32
    "tpu.region"() ({
      %run_scoped3A_83 = tpu.sem_alloc : memref<!tpu.dma_semaphore, #tpu.memory_space<semaphore_mem>>
      %dma_start3A_84 = arith.constant 0 : i32
      %dma_start3A_85 = tpu.memref_slice %arg9[%run_scoped3A_76, %dma_start3A_84] : memref<40x128xi32, #tpu.memory_space<vmem>> -> memref<1x128xi32, #tpu.memory_space<vmem>>
      %dma_start3A_86 = tpu.memref_squeeze %dma_start3A_85 : memref<1x128xi32, #tpu.memory_space<vmem>> -> memref<128xi32, #tpu.memory_space<vmem>>
      %dma_start3A_87 = arith.constant 0 : i32
      %dma_start3A_88 = arith.constant 0 : i32
      %dma_start3A_89 = tpu.memref_slice %arg7[%dma_start3A_87, %dma_start3A_88] : memref<10240x128xf32, #tpu.memory_space<vmem_shared>> -> memref<10240x128xf32, #tpu.memory_space<vmem_shared>>
      tpu.enqueue_indirect_dma source(%arg11 : memref<128x128xf32, #tpu.memory_space<vmem>>) target(%dma_start3A_89 : memref<10240x128xf32, #tpu.memory_space<vmem_shared>>) offsets(%dma_start3A_86 : memref<128xi32, #tpu.memory_space<vmem>>) semaphore(%run_scoped3A_83 : memref<!tpu.dma_semaphore, #tpu.memory_space<semaphore_mem>>) {add = true}
      %dma_wait3A_90 = arith.constant 0 : i32
      %dma_wait3A_91 = tpu.memref_slice %arg9[%run_scoped3A_76, %dma_wait3A_90] : memref<40x128xi32, #tpu.memory_space<vmem>> -> memref<1x128xi32, #tpu.memory_space<vmem>>
      %dma_wait3A_92 = tpu.memref_squeeze %dma_wait3A_91 : memref<1x128xi32, #tpu.memory_space<vmem>> -> memref<128xi32, #tpu.memory_space<vmem>>
      %dma_wait3A_93 = arith.constant 0 : i32
      %dma_wait3A_94 = arith.constant 0 : i32
      %dma_wait3A_95 = tpu.memref_slice %arg7[%dma_wait3A_93, %dma_wait3A_94] : memref<10240x128xf32, #tpu.memory_space<vmem_shared>> -> memref<10240x128xf32, #tpu.memory_space<vmem_shared>>
      tpu.wait_indirect_dma semaphore(%run_scoped3A_83 : memref<!tpu.dma_semaphore, #tpu.memory_space<semaphore_mem>>) src(%arg11 : memref<128x128xf32, #tpu.memory_space<vmem>>) dst(%dma_wait3A_95 : memref<10240x128xf32, #tpu.memory_space<vmem_shared>>)
      tpu.yield
    }) : () -> ()
    %barrier3A = arith.constant 0 : index
    tpu.barrier barrier_id(%barrier3A)
    %scan3A_77 = arith.constant 0 : i32
    %scan3A_78 = arith.constant 0 : i32
    %scan3A_79 = arith.constant 5 : i32
    %scan3A_80 = arith.addi %scan3A_78, %scan3A_79 : i32
    %scan3A_81 = arith.constant 1 : i32
    scf.for %scan3A_83 = %scan3A_78 to %scan3A_80 step %scan3A_81  : i32 {
      %mul3A_84 = arith.constant 640 : i32
      %mul3A_85 = arith.muli %arg1, %mul3A_84 : i32
      %mul3A_86 = arith.constant 128 : i32
      %mul3A_87 = arith.muli %scan3A_83, %mul3A_86 : i32
      %add3A_88 = arith.addi %mul3A_85, %mul3A_87 : i32
      "tpu.region"() ({
        %run_scoped3A_89 = tpu.sem_alloc : memref<!tpu.dma_semaphore, #tpu.memory_space<semaphore_mem>>
        %dma_start3A_90 = arith.constant 0 : i32
        %dma_start3A_91 = tpu.memref_slice %arg7[%add3A_88, %dma_start3A_90] : memref<10240x128xf32, #tpu.memory_space<vmem_shared>> -> memref<128x128xf32, #tpu.memory_space<vmem_shared>>
        %dma_start3A_92 = arith.constant 0 : i32
        %dma_start3A_93 = tpu.memref_slice %arg7[%add3A_88, %dma_start3A_92] : memref<10240x128xf32, #tpu.memory_space<vmem_shared>> -> memref<128x128xf32, #tpu.memory_space<vmem_shared>>
        tpu.enqueue_dma source(%dma_start3A_93 : memref<128x128xf32, #tpu.memory_space<vmem_shared>>) target(%arg10 : memref<128x128xf32, #tpu.memory_space<vmem>>) target_semaphore(%run_scoped3A_89 : memref<!tpu.dma_semaphore, #tpu.memory_space<semaphore_mem>>)
        %dma_wait3A_94 = arith.constant 0 : i32
        %dma_wait3A_95 = tpu.memref_slice %arg7[%add3A_88, %dma_wait3A_94] : memref<10240x128xf32, #tpu.memory_space<vmem_shared>> -> memref<128x128xf32, #tpu.memory_space<vmem_shared>>
        %dma_wait3A_96 = arith.constant 0 : i32
        %dma_wait3A_97 = tpu.memref_slice %arg7[%add3A_88, %dma_wait3A_96] : memref<10240x128xf32, #tpu.memory_space<vmem_shared>> -> memref<128x128xf32, #tpu.memory_space<vmem_shared>>
        tpu.wait_dma2 semaphore(%run_scoped3A_89 : memref<!tpu.dma_semaphore, #tpu.memory_space<semaphore_mem>>) src(%dma_wait3A_97 : memref<128x128xf32, #tpu.memory_space<vmem_shared>>) dst(%arg10 : memref<128x128xf32, #tpu.memory_space<vmem>>)
        tpu.yield
      }) : () -> ()
      "tpu.region"() ({
        %run_scoped3A_89 = tpu.sem_alloc : memref<!tpu.dma_semaphore, #tpu.memory_space<semaphore_mem>>
        %dma_start3A_90 = arith.constant 0 : i32
        %dma_start3A_91 = tpu.memref_slice %arg6[%arg0, %add3A_88, %dma_start3A_90] : memref<2x10240x128xf32, #tpu.memory_space<hbm>> -> memref<1x128x128xf32, #tpu.memory_space<hbm>>
        %dma_start3A_92 = tpu.memref_squeeze %dma_start3A_91 : memref<1x128x128xf32, #tpu.memory_space<hbm>> -> memref<128x128xf32, #tpu.memory_space<hbm>>
        %dma_start3A_93 = arith.constant 0 : i32
        %dma_start3A_94 = tpu.memref_slice %arg6[%arg0, %add3A_88, %dma_start3A_93] : memref<2x10240x128xf32, #tpu.memory_space<hbm>> -> memref<1x128x128xf32, #tpu.memory_space<hbm>>
        %dma_start3A_95 = tpu.memref_squeeze %dma_start3A_94 : memref<1x128x128xf32, #tpu.memory_space<hbm>> -> memref<128x128xf32, #tpu.memory_space<hbm>>
        tpu.enqueue_dma source(%arg10 : memref<128x128xf32, #tpu.memory_space<vmem>>) target(%dma_start3A_95 : memref<128x128xf32, #tpu.memory_space<hbm>>) target_semaphore(%run_scoped3A_89 : memref<!tpu.dma_semaphore, #tpu.memory_space<semaphore_mem>>)
        %dma_wait3A_96 = arith.constant 0 : i32
        %dma_wait3A_97 = tpu.memref_slice %arg6[%arg0, %add3A_88, %dma_wait3A_96] : memref<2x10240x128xf32, #tpu.memory_space<hbm>> -> memref<1x128x128xf32, #tpu.memory_space<hbm>>
        %dma_wait3A_98 = tpu.memref_squeeze %dma_wait3A_97 : memref<1x128x128xf32, #tpu.memory_space<hbm>> -> memref<128x128xf32, #tpu.memory_space<hbm>>
        %dma_wait3A_99 = arith.constant 0 : i32
        %dma_wait3A_100 = tpu.memref_slice %arg6[%arg0, %add3A_88, %dma_wait3A_99] : memref<2x10240x128xf32, #tpu.memory_space<hbm>> -> memref<1x128x128xf32, #tpu.memory_space<hbm>>
        %dma_wait3A_101 = tpu.memref_squeeze %dma_wait3A_100 : memref<1x128x128xf32, #tpu.memory_space<hbm>> -> memref<128x128xf32, #tpu.memory_space<hbm>>
        tpu.wait_dma2 semaphore(%run_scoped3A_89 : memref<!tpu.dma_semaphore, #tpu.memory_space<semaphore_mem>>) src(%arg10 : memref<128x128xf32, #tpu.memory_space<vmem>>) dst(%dma_wait3A_101 : memref<128x128xf32, #tpu.memory_space<hbm>>)
        tpu.yield
      }) : () -> ()
    }
    %scan3A_82 = arith.constant 5 : i32
    return
  }
}

#map = affine_map<(d0, d1) -> (0, 0)>
#map1 = affine_map<(d0, d1) -> (0, 0, 0)>
module attributes {stable_mosaic.version = 14 : i64} {
  func.func @_agg_body(%arg0: i32, %arg1: i32, %arg2: memref<32x128xf32, #tpu.memory_space<hbm>>, %arg3: memref<20000x128xf32, #tpu.memory_space<hbm>>, %arg4: memref<2x2560x128xi32, #tpu.memory_space<hbm>>, %arg5: memref<2560x128xi32, #tpu.memory_space<hbm>>, %arg6: memref<2x10240x128xf32, #tpu.memory_space<hbm>>, %arg7: memref<10240x128xf32, #tpu.memory_space<vmem_shared>>, %arg8: memref<40x128xi32, #tpu.memory_space<vmem>>, %arg9: memref<40x128xi32, #tpu.memory_space<vmem>>, %arg10: memref<128x128xf32, #tpu.memory_space<vmem>>, %arg11: memref<128x128xf32, #tpu.memory_space<vmem>>, %arg12: memref<!tpu.dma_semaphore, #tpu.memory_space<semaphore_mem>>, %arg13: memref<!tpu.dma_semaphore, #tpu.memory_space<semaphore_mem>>) attributes {dimension_semantics = [#tpu.dimension_semantics<core_parallel>, #tpu.dimension_semantics<subcore_parallel>], iteration_bounds = array<i64: 2, 16>, scalar_prefetch = 0 : i64, scratch_operands = 7 : i64, tpu.core_type = #tpu.core_type<sc_vector_subcore>, window_params = [{transform_indices = #map}, {transform_indices = #map}, {transform_indices = #map1}, {transform_indices = #map}, {transform_indices = #map1}]} {
    "tpu.region"() ({
      %run_scoped3A_152 = tpu.sem_alloc : memref<!tpu.dma_semaphore, #tpu.memory_space<semaphore_mem>>
      %dma_start3A_153 = arith.constant 0 : i32
      %dma_start3A_154 = arith.constant 0 : i32
      %dma_start3A_155 = tpu.memref_slice %arg10[%dma_start3A_153, %dma_start3A_154] : memref<128x128xf32, #tpu.memory_space<vmem>> -> memref<32x128xf32, #tpu.memory_space<vmem>>
      %dma_start3A_156 = arith.constant 0 : i32
      %dma_start3A_157 = arith.constant 0 : i32
      %dma_start3A_158 = tpu.memref_slice %arg10[%dma_start3A_156, %dma_start3A_157] : memref<128x128xf32, #tpu.memory_space<vmem>> -> memref<32x128xf32, #tpu.memory_space<vmem>>
      tpu.enqueue_dma source(%arg2 : memref<32x128xf32, #tpu.memory_space<hbm>>) target(%dma_start3A_158 : memref<32x128xf32, #tpu.memory_space<vmem>>) target_semaphore(%run_scoped3A_152 : memref<!tpu.dma_semaphore, #tpu.memory_space<semaphore_mem>>)
      %dma_wait3A_159 = arith.constant 0 : i32
      %dma_wait3A_160 = arith.constant 0 : i32
      %dma_wait3A_161 = tpu.memref_slice %arg10[%dma_wait3A_159, %dma_wait3A_160] : memref<128x128xf32, #tpu.memory_space<vmem>> -> memref<32x128xf32, #tpu.memory_space<vmem>>
      %dma_wait3A_162 = arith.constant 0 : i32
      %dma_wait3A_163 = arith.constant 0 : i32
      %dma_wait3A_164 = tpu.memref_slice %arg10[%dma_wait3A_162, %dma_wait3A_163] : memref<128x128xf32, #tpu.memory_space<vmem>> -> memref<32x128xf32, #tpu.memory_space<vmem>>
      tpu.wait_dma2 semaphore(%run_scoped3A_152 : memref<!tpu.dma_semaphore, #tpu.memory_space<semaphore_mem>>) src(%arg2 : memref<32x128xf32, #tpu.memory_space<hbm>>) dst(%dma_wait3A_164 : memref<32x128xf32, #tpu.memory_space<vmem>>)
      tpu.yield
    }) : () -> ()
    %scan3A = arith.constant 0 : i32
    %scan3A_0 = arith.constant 0 : i32
    %scan3A_1 = arith.constant 20 : i32
    %scan3A_2 = arith.addi %scan3A_0, %scan3A_1 : i32
    %scan3A_3 = arith.constant 1 : i32
    scf.for %scan3A_152 = %scan3A_0 to %scan3A_2 step %scan3A_3  : i32 {
      %mul3A_153 = arith.constant 640 : i32
      %mul3A_154 = arith.muli %arg1, %mul3A_153 : i32
      %mul3A_155 = arith.constant 32 : i32
      %mul3A_156 = arith.muli %scan3A_152, %mul3A_155 : i32
      %add3A_157 = arith.addi %mul3A_154, %mul3A_156 : i32
      "tpu.region"() ({
        %run_scoped3A_158 = tpu.sem_alloc : memref<!tpu.dma_semaphore, #tpu.memory_space<semaphore_mem>>
        %dma_start3A_159 = arith.constant 0 : i32
        %dma_start3A_160 = arith.constant 0 : i32
        %dma_start3A_161 = tpu.memref_slice %arg10[%dma_start3A_159, %dma_start3A_160] : memref<128x128xf32, #tpu.memory_space<vmem>> -> memref<32x128xf32, #tpu.memory_space<vmem>>
        %dma_start3A_162 = arith.constant 0 : i32
        %dma_start3A_163 = tpu.memref_slice %arg7[%add3A_157, %dma_start3A_162] : memref<10240x128xf32, #tpu.memory_space<vmem_shared>> -> memref<32x128xf32, #tpu.memory_space<vmem_shared>>
        %dma_start3A_164 = arith.constant 0 : i32
        %dma_start3A_165 = tpu.memref_slice %arg7[%add3A_157, %dma_start3A_164] : memref<10240x128xf32, #tpu.memory_space<vmem_shared>> -> memref<32x128xf32, #tpu.memory_space<vmem_shared>>
        %dma_start3A_166 = arith.constant 0 : i32
        %dma_start3A_167 = arith.constant 0 : i32
        %dma_start3A_168 = tpu.memref_slice %arg10[%dma_start3A_166, %dma_start3A_167] : memref<128x128xf32, #tpu.memory_space<vmem>> -> memref<32x128xf32, #tpu.memory_space<vmem>>
        tpu.enqueue_dma source(%dma_start3A_168 : memref<32x128xf32, #tpu.memory_space<vmem>>) target(%dma_start3A_165 : memref<32x128xf32, #tpu.memory_space<vmem_shared>>) target_semaphore(%run_scoped3A_158 : memref<!tpu.dma_semaphore, #tpu.memory_space<semaphore_mem>>)
        %dma_wait3A_169 = arith.constant 0 : i32
        %dma_wait3A_170 = arith.constant 0 : i32
        %dma_wait3A_171 = tpu.memref_slice %arg10[%dma_wait3A_169, %dma_wait3A_170] : memref<128x128xf32, #tpu.memory_space<vmem>> -> memref<32x128xf32, #tpu.memory_space<vmem>>
        %dma_wait3A_172 = arith.constant 0 : i32
        %dma_wait3A_173 = tpu.memref_slice %arg7[%add3A_157, %dma_wait3A_172] : memref<10240x128xf32, #tpu.memory_space<vmem_shared>> -> memref<32x128xf32, #tpu.memory_space<vmem_shared>>
        %dma_wait3A_174 = arith.constant 0 : i32
        %dma_wait3A_175 = tpu.memref_slice %arg7[%add3A_157, %dma_wait3A_174] : memref<10240x128xf32, #tpu.memory_space<vmem_shared>> -> memref<32x128xf32, #tpu.memory_space<vmem_shared>>
        %dma_wait3A_176 = arith.constant 0 : i32
        %dma_wait3A_177 = arith.constant 0 : i32
        %dma_wait3A_178 = tpu.memref_slice %arg10[%dma_wait3A_176, %dma_wait3A_177] : memref<128x128xf32, #tpu.memory_space<vmem>> -> memref<32x128xf32, #tpu.memory_space<vmem>>
        tpu.wait_dma2 semaphore(%run_scoped3A_158 : memref<!tpu.dma_semaphore, #tpu.memory_space<semaphore_mem>>) src(%dma_wait3A_178 : memref<32x128xf32, #tpu.memory_space<vmem>>) dst(%dma_wait3A_175 : memref<32x128xf32, #tpu.memory_space<vmem_shared>>)
        tpu.yield
      }) : () -> ()
    }
    %scan3A_4 = arith.constant 20 : i32
    %mul3A = arith.constant 160 : i32
    %mul3A_5 = arith.muli %arg1, %mul3A : i32
    %add3A = arith.constant 0 : i32
    %add3A_6 = arith.addi %mul3A_5, %add3A : i32
    "tpu.region"() ({
      %run_scoped3A_152 = tpu.sem_alloc : memref<!tpu.dma_semaphore, #tpu.memory_space<semaphore_mem>>
      %dma_start3A_153 = arith.constant 0 : i32
      %dma_start3A_154 = tpu.memref_slice %arg4[%arg0, %add3A_6, %dma_start3A_153] : memref<2x2560x128xi32, #tpu.memory_space<hbm>> -> memref<1x40x128xi32, #tpu.memory_space<hbm>>
      %dma_start3A_155 = tpu.memref_squeeze %dma_start3A_154 : memref<1x40x128xi32, #tpu.memory_space<hbm>> -> memref<40x128xi32, #tpu.memory_space<hbm>>
      %dma_start3A_156 = arith.constant 0 : i32
      %dma_start3A_157 = tpu.memref_slice %arg4[%arg0, %add3A_6, %dma_start3A_156] : memref<2x2560x128xi32, #tpu.memory_space<hbm>> -> memref<1x40x128xi32, #tpu.memory_space<hbm>>
      %dma_start3A_158 = tpu.memref_squeeze %dma_start3A_157 : memref<1x40x128xi32, #tpu.memory_space<hbm>> -> memref<40x128xi32, #tpu.memory_space<hbm>>
      tpu.enqueue_dma source(%dma_start3A_158 : memref<40x128xi32, #tpu.memory_space<hbm>>) target(%arg8 : memref<40x128xi32, #tpu.memory_space<vmem>>) target_semaphore(%run_scoped3A_152 : memref<!tpu.dma_semaphore, #tpu.memory_space<semaphore_mem>>)
      %dma_wait3A_159 = arith.constant 0 : i32
      %dma_wait3A_160 = tpu.memref_slice %arg4[%arg0, %add3A_6, %dma_wait3A_159] : memref<2x2560x128xi32, #tpu.memory_space<hbm>> -> memref<1x40x128xi32, #tpu.memory_space<hbm>>
      %dma_wait3A_161 = tpu.memref_squeeze %dma_wait3A_160 : memref<1x40x128xi32, #tpu.memory_space<hbm>> -> memref<40x128xi32, #tpu.memory_space<hbm>>
      %dma_wait3A_162 = arith.constant 0 : i32
      %dma_wait3A_163 = tpu.memref_slice %arg4[%arg0, %add3A_6, %dma_wait3A_162] : memref<2x2560x128xi32, #tpu.memory_space<hbm>> -> memref<1x40x128xi32, #tpu.memory_space<hbm>>
      %dma_wait3A_164 = tpu.memref_squeeze %dma_wait3A_163 : memref<1x40x128xi32, #tpu.memory_space<hbm>> -> memref<40x128xi32, #tpu.memory_space<hbm>>
      tpu.wait_dma2 semaphore(%run_scoped3A_152 : memref<!tpu.dma_semaphore, #tpu.memory_space<semaphore_mem>>) src(%dma_wait3A_164 : memref<40x128xi32, #tpu.memory_space<hbm>>) dst(%arg8 : memref<40x128xi32, #tpu.memory_space<vmem>>)
      tpu.yield
    }) : () -> ()
    "tpu.region"() ({
      %run_scoped3A_152 = tpu.sem_alloc : memref<!tpu.dma_semaphore, #tpu.memory_space<semaphore_mem>>
      %dma_start3A_153 = arith.constant 0 : i32
      %dma_start3A_154 = tpu.memref_slice %arg5[%add3A_6, %dma_start3A_153] : memref<2560x128xi32, #tpu.memory_space<hbm>> -> memref<40x128xi32, #tpu.memory_space<hbm>>
      %dma_start3A_155 = arith.constant 0 : i32
      %dma_start3A_156 = tpu.memref_slice %arg5[%add3A_6, %dma_start3A_155] : memref<2560x128xi32, #tpu.memory_space<hbm>> -> memref<40x128xi32, #tpu.memory_space<hbm>>
      tpu.enqueue_dma source(%dma_start3A_156 : memref<40x128xi32, #tpu.memory_space<hbm>>) target(%arg9 : memref<40x128xi32, #tpu.memory_space<vmem>>) target_semaphore(%run_scoped3A_152 : memref<!tpu.dma_semaphore, #tpu.memory_space<semaphore_mem>>)
      %dma_wait3A_157 = arith.constant 0 : i32
      %dma_wait3A_158 = tpu.memref_slice %arg5[%add3A_6, %dma_wait3A_157] : memref<2560x128xi32, #tpu.memory_space<hbm>> -> memref<40x128xi32, #tpu.memory_space<hbm>>
      %dma_wait3A_159 = arith.constant 0 : i32
      %dma_wait3A_160 = tpu.memref_slice %arg5[%add3A_6, %dma_wait3A_159] : memref<2560x128xi32, #tpu.memory_space<hbm>> -> memref<40x128xi32, #tpu.memory_space<hbm>>
      tpu.wait_dma2 semaphore(%run_scoped3A_152 : memref<!tpu.dma_semaphore, #tpu.memory_space<semaphore_mem>>) src(%dma_wait3A_160 : memref<40x128xi32, #tpu.memory_space<hbm>>) dst(%arg9 : memref<40x128xi32, #tpu.memory_space<vmem>>)
      tpu.yield
    }) : () -> ()
    %dma_start3A = arith.constant 0 : i32
    %dma_start3A_7 = arith.constant 0 : i32
    %dma_start3A_8 = tpu.memref_slice %arg8[%dma_start3A, %dma_start3A_7] : memref<40x128xi32, #tpu.memory_space<vmem>> -> memref<1x128xi32, #tpu.memory_space<vmem>>
    %dma_start3A_9 = tpu.memref_squeeze %dma_start3A_8 : memref<1x128xi32, #tpu.memory_space<vmem>> -> memref<128xi32, #tpu.memory_space<vmem>>
    %dma_start3A_10 = arith.constant 0 : i32
    %dma_start3A_11 = arith.constant 0 : i32
    %dma_start3A_12 = tpu.memref_slice %arg3[%dma_start3A_10, %dma_start3A_11] : memref<20000x128xf32, #tpu.memory_space<hbm>> -> memref<20000x128xf32, #tpu.memory_space<hbm>>
    tpu.enqueue_indirect_dma source(%dma_start3A_12 : memref<20000x128xf32, #tpu.memory_space<hbm>>) target(%arg10 : memref<128x128xf32, #tpu.memory_space<vmem>>) offsets(%dma_start3A_9 : memref<128xi32, #tpu.memory_space<vmem>>) semaphore(%arg12 : memref<!tpu.dma_semaphore, #tpu.memory_space<semaphore_mem>>)
    %dma_start3A_13 = arith.constant 1 : i32
    %dma_start3A_14 = arith.constant 0 : i32
    %dma_start3A_15 = tpu.memref_slice %arg8[%dma_start3A_13, %dma_start3A_14] : memref<40x128xi32, #tpu.memory_space<vmem>> -> memref<1x128xi32, #tpu.memory_space<vmem>>
    %dma_start3A_16 = tpu.memref_squeeze %dma_start3A_15 : memref<1x128xi32, #tpu.memory_space<vmem>> -> memref<128xi32, #tpu.memory_space<vmem>>
    %dma_start3A_17 = arith.constant 0 : i32
    %dma_start3A_18 = arith.constant 0 : i32
    %dma_start3A_19 = tpu.memref_slice %arg3[%dma_start3A_17, %dma_start3A_18] : memref<20000x128xf32, #tpu.memory_space<hbm>> -> memref<20000x128xf32, #tpu.memory_space<hbm>>
    tpu.enqueue_indirect_dma source(%dma_start3A_19 : memref<20000x128xf32, #tpu.memory_space<hbm>>) target(%arg11 : memref<128x128xf32, #tpu.memory_space<vmem>>) offsets(%dma_start3A_16 : memref<128xi32, #tpu.memory_space<vmem>>) semaphore(%arg13 : memref<!tpu.dma_semaphore, #tpu.memory_space<semaphore_mem>>)
    %scan3A_20 = arith.constant 0 : i32
    %scan3A_21 = arith.constant 0 : i32
    %scan3A_22 = arith.constant 19 : i32
    %scan3A_23 = arith.addi %scan3A_21, %scan3A_22 : i32
    %scan3A_24 = arith.constant 1 : i32
    scf.for %scan3A_152 = %scan3A_21 to %scan3A_23 step %scan3A_24  : i32 {
      %mul3A_153 = arith.constant 2 : i32
      %mul3A_154 = arith.muli %scan3A_152, %mul3A_153 : i32
      %dma_wait3A_155 = arith.constant 0 : i32
      %dma_wait3A_156 = arith.constant 0 : i32
      %dma_wait3A_157 = tpu.memref_slice %arg3[%dma_wait3A_155, %dma_wait3A_156] : memref<20000x128xf32, #tpu.memory_space<hbm>> -> memref<128x128xf32, #tpu.memory_space<hbm>>
      %dma_wait3A_158 = arith.constant 0 : i32
      %dma_wait3A_159 = arith.constant 0 : i32
      %dma_wait3A_160 = tpu.memref_slice %arg3[%dma_wait3A_158, %dma_wait3A_159] : memref<20000x128xf32, #tpu.memory_space<hbm>> -> memref<128x128xf32, #tpu.memory_space<hbm>>
      tpu.wait_dma2 semaphore(%arg12 : memref<!tpu.dma_semaphore, #tpu.memory_space<semaphore_mem>>) src(%dma_wait3A_160 : memref<128x128xf32, #tpu.memory_space<hbm>>) dst(%arg10 : memref<128x128xf32, #tpu.memory_space<vmem>>)
      %add3A_161 = arith.constant 0 : i32
      %add3A_162 = arith.addi %mul3A_154, %add3A_161 : i32
      "tpu.region"() ({
        %run_scoped3A_191 = tpu.sem_alloc : memref<!tpu.dma_semaphore, #tpu.memory_space<semaphore_mem>>
        %dma_start3A_192 = arith.constant 0 : i32
        %dma_start3A_193 = tpu.memref_slice %arg9[%add3A_162, %dma_start3A_192] : memref<40x128xi32, #tpu.memory_space<vmem>> -> memref<1x128xi32, #tpu.memory_space<vmem>>
        %dma_start3A_194 = tpu.memref_squeeze %dma_start3A_193 : memref<1x128xi32, #tpu.memory_space<vmem>> -> memref<128xi32, #tpu.memory_space<vmem>>
        %dma_start3A_195 = arith.constant 0 : i32
        %dma_start3A_196 = arith.constant 0 : i32
        %dma_start3A_197 = tpu.memref_slice %arg7[%dma_start3A_195, %dma_start3A_196] : memref<10240x128xf32, #tpu.memory_space<vmem_shared>> -> memref<10240x128xf32, #tpu.memory_space<vmem_shared>>
        tpu.enqueue_indirect_dma source(%arg10 : memref<128x128xf32, #tpu.memory_space<vmem>>) target(%dma_start3A_197 : memref<10240x128xf32, #tpu.memory_space<vmem_shared>>) offsets(%dma_start3A_194 : memref<128xi32, #tpu.memory_space<vmem>>) semaphore(%run_scoped3A_191 : memref<!tpu.dma_semaphore, #tpu.memory_space<semaphore_mem>>) {add = true}
        %dma_wait3A_198 = arith.constant 0 : i32
        %dma_wait3A_199 = tpu.memref_slice %arg9[%add3A_162, %dma_wait3A_198] : memref<40x128xi32, #tpu.memory_space<vmem>> -> memref<1x128xi32, #tpu.memory_space<vmem>>
        %dma_wait3A_200 = tpu.memref_squeeze %dma_wait3A_199 : memref<1x128xi32, #tpu.memory_space<vmem>> -> memref<128xi32, #tpu.memory_space<vmem>>
        %dma_wait3A_201 = arith.constant 0 : i32
        %dma_wait3A_202 = arith.constant 0 : i32
        %dma_wait3A_203 = tpu.memref_slice %arg7[%dma_wait3A_201, %dma_wait3A_202] : memref<10240x128xf32, #tpu.memory_space<vmem_shared>> -> memref<10240x128xf32, #tpu.memory_space<vmem_shared>>
        tpu.wait_indirect_dma semaphore(%run_scoped3A_191 : memref<!tpu.dma_semaphore, #tpu.memory_space<semaphore_mem>>) src(%arg10 : memref<128x128xf32, #tpu.memory_space<vmem>>) dst(%dma_wait3A_203 : memref<10240x128xf32, #tpu.memory_space<vmem_shared>>)
        tpu.yield
      }) : () -> ()
      %add3A_163 = arith.constant 2 : i32
      %add3A_164 = arith.addi %mul3A_154, %add3A_163 : i32
      %add3A_165 = arith.constant 0 : i32
      %add3A_166 = arith.addi %add3A_164, %add3A_165 : i32
      %dma_start3A_167 = arith.constant 0 : i32
      %dma_start3A_168 = tpu.memref_slice %arg8[%add3A_166, %dma_start3A_167] : memref<40x128xi32, #tpu.memory_space<vmem>> -> memref<1x128xi32, #tpu.memory_space<vmem>>
      %dma_start3A_169 = tpu.memref_squeeze %dma_start3A_168 : memref<1x128xi32, #tpu.memory_space<vmem>> -> memref<128xi32, #tpu.memory_space<vmem>>
      %dma_start3A_170 = arith.constant 0 : i32
      %dma_start3A_171 = arith.constant 0 : i32
      %dma_start3A_172 = tpu.memref_slice %arg3[%dma_start3A_170, %dma_start3A_171] : memref<20000x128xf32, #tpu.memory_space<hbm>> -> memref<20000x128xf32, #tpu.memory_space<hbm>>
      tpu.enqueue_indirect_dma source(%dma_start3A_172 : memref<20000x128xf32, #tpu.memory_space<hbm>>) target(%arg10 : memref<128x128xf32, #tpu.memory_space<vmem>>) offsets(%dma_start3A_169 : memref<128xi32, #tpu.memory_space<vmem>>) semaphore(%arg12 : memref<!tpu.dma_semaphore, #tpu.memory_space<semaphore_mem>>)
      %dma_wait3A_173 = arith.constant 0 : i32
      %dma_wait3A_174 = arith.constant 0 : i32
      %dma_wait3A_175 = tpu.memref_slice %arg3[%dma_wait3A_173, %dma_wait3A_174] : memref<20000x128xf32, #tpu.memory_space<hbm>> -> memref<128x128xf32, #tpu.memory_space<hbm>>
      %dma_wait3A_176 = arith.constant 0 : i32
      %dma_wait3A_177 = arith.constant 0 : i32
      %dma_wait3A_178 = tpu.memref_slice %arg3[%dma_wait3A_176, %dma_wait3A_177] : memref<20000x128xf32, #tpu.memory_space<hbm>> -> memref<128x128xf32, #tpu.memory_space<hbm>>
      tpu.wait_dma2 semaphore(%arg13 : memref<!tpu.dma_semaphore, #tpu.memory_space<semaphore_mem>>) src(%dma_wait3A_178 : memref<128x128xf32, #tpu.memory_space<hbm>>) dst(%arg11 : memref<128x128xf32, #tpu.memory_space<vmem>>)
      %add3A_179 = arith.constant 1 : i32
      %add3A_180 = arith.addi %mul3A_154, %add3A_179 : i32
      "tpu.region"() ({
        %run_scoped3A_191 = tpu.sem_alloc : memref<!tpu.dma_semaphore, #tpu.memory_space<semaphore_mem>>
        %dma_start3A_192 = arith.constant 0 : i32
        %dma_start3A_193 = tpu.memref_slice %arg9[%add3A_180, %dma_start3A_192] : memref<40x128xi32, #tpu.memory_space<vmem>> -> memref<1x128xi32, #tpu.memory_space<vmem>>
        %dma_start3A_194 = tpu.memref_squeeze %dma_start3A_193 : memref<1x128xi32, #tpu.memory_space<vmem>> -> memref<128xi32, #tpu.memory_space<vmem>>
        %dma_start3A_195 = arith.constant 0 : i32
        %dma_start3A_196 = arith.constant 0 : i32
        %dma_start3A_197 = tpu.memref_slice %arg7[%dma_start3A_195, %dma_start3A_196] : memref<10240x128xf32, #tpu.memory_space<vmem_shared>> -> memref<10240x128xf32, #tpu.memory_space<vmem_shared>>
        tpu.enqueue_indirect_dma source(%arg11 : memref<128x128xf32, #tpu.memory_space<vmem>>) target(%dma_start3A_197 : memref<10240x128xf32, #tpu.memory_space<vmem_shared>>) offsets(%dma_start3A_194 : memref<128xi32, #tpu.memory_space<vmem>>) semaphore(%run_scoped3A_191 : memref<!tpu.dma_semaphore, #tpu.memory_space<semaphore_mem>>) {add = true}
        %dma_wait3A_198 = arith.constant 0 : i32
        %dma_wait3A_199 = tpu.memref_slice %arg9[%add3A_180, %dma_wait3A_198] : memref<40x128xi32, #tpu.memory_space<vmem>> -> memref<1x128xi32, #tpu.memory_space<vmem>>
        %dma_wait3A_200 = tpu.memref_squeeze %dma_wait3A_199 : memref<1x128xi32, #tpu.memory_space<vmem>> -> memref<128xi32, #tpu.memory_space<vmem>>
        %dma_wait3A_201 = arith.constant 0 : i32
        %dma_wait3A_202 = arith.constant 0 : i32
        %dma_wait3A_203 = tpu.memref_slice %arg7[%dma_wait3A_201, %dma_wait3A_202] : memref<10240x128xf32, #tpu.memory_space<vmem_shared>> -> memref<10240x128xf32, #tpu.memory_space<vmem_shared>>
        tpu.wait_indirect_dma semaphore(%run_scoped3A_191 : memref<!tpu.dma_semaphore, #tpu.memory_space<semaphore_mem>>) src(%arg11 : memref<128x128xf32, #tpu.memory_space<vmem>>) dst(%dma_wait3A_203 : memref<10240x128xf32, #tpu.memory_space<vmem_shared>>)
        tpu.yield
      }) : () -> ()
      %add3A_181 = arith.constant 2 : i32
      %add3A_182 = arith.addi %mul3A_154, %add3A_181 : i32
      %add3A_183 = arith.constant 1 : i32
      %add3A_184 = arith.addi %add3A_182, %add3A_183 : i32
      %dma_start3A_185 = arith.constant 0 : i32
      %dma_start3A_186 = tpu.memref_slice %arg8[%add3A_184, %dma_start3A_185] : memref<40x128xi32, #tpu.memory_space<vmem>> -> memref<1x128xi32, #tpu.memory_space<vmem>>
      %dma_start3A_187 = tpu.memref_squeeze %dma_start3A_186 : memref<1x128xi32, #tpu.memory_space<vmem>> -> memref<128xi32, #tpu.memory_space<vmem>>
      %dma_start3A_188 = arith.constant 0 : i32
      %dma_start3A_189 = arith.constant 0 : i32
      %dma_start3A_190 = tpu.memref_slice %arg3[%dma_start3A_188, %dma_start3A_189] : memref<20000x128xf32, #tpu.memory_space<hbm>> -> memref<20000x128xf32, #tpu.memory_space<hbm>>
      tpu.enqueue_indirect_dma source(%dma_start3A_190 : memref<20000x128xf32, #tpu.memory_space<hbm>>) target(%arg11 : memref<128x128xf32, #tpu.memory_space<vmem>>) offsets(%dma_start3A_187 : memref<128xi32, #tpu.memory_space<vmem>>) semaphore(%arg13 : memref<!tpu.dma_semaphore, #tpu.memory_space<semaphore_mem>>)
    }
    %scan3A_25 = arith.constant 19 : i32
    %dma_wait3A = arith.constant 0 : i32
    %dma_wait3A_26 = arith.constant 0 : i32
    %dma_wait3A_27 = tpu.memref_slice %arg3[%dma_wait3A, %dma_wait3A_26] : memref<20000x128xf32, #tpu.memory_space<hbm>> -> memref<128x128xf32, #tpu.memory_space<hbm>>
    %dma_wait3A_28 = arith.constant 0 : i32
    %dma_wait3A_29 = arith.constant 0 : i32
    %dma_wait3A_30 = tpu.memref_slice %arg3[%dma_wait3A_28, %dma_wait3A_29] : memref<20000x128xf32, #tpu.memory_space<hbm>> -> memref<128x128xf32, #tpu.memory_space<hbm>>
    tpu.wait_dma2 semaphore(%arg12 : memref<!tpu.dma_semaphore, #tpu.memory_space<semaphore_mem>>) src(%dma_wait3A_30 : memref<128x128xf32, #tpu.memory_space<hbm>>) dst(%arg10 : memref<128x128xf32, #tpu.memory_space<vmem>>)
    %run_scoped3A = arith.constant 38 : i32
    "tpu.region"() ({
      %run_scoped3A_152 = tpu.sem_alloc : memref<!tpu.dma_semaphore, #tpu.memory_space<semaphore_mem>>
      %dma_start3A_153 = arith.constant 0 : i32
      %dma_start3A_154 = tpu.memref_slice %arg9[%run_scoped3A, %dma_start3A_153] : memref<40x128xi32, #tpu.memory_space<vmem>> -> memref<1x128xi32, #tpu.memory_space<vmem>>
      %dma_start3A_155 = tpu.memref_squeeze %dma_start3A_154 : memref<1x128xi32, #tpu.memory_space<vmem>> -> memref<128xi32, #tpu.memory_space<vmem>>
      %dma_start3A_156 = arith.constant 0 : i32
      %dma_start3A_157 = arith.constant 0 : i32
      %dma_start3A_158 = tpu.memref_slice %arg7[%dma_start3A_156, %dma_start3A_157] : memref<10240x128xf32, #tpu.memory_space<vmem_shared>> -> memref<10240x128xf32, #tpu.memory_space<vmem_shared>>
      tpu.enqueue_indirect_dma source(%arg10 : memref<128x128xf32, #tpu.memory_space<vmem>>) target(%dma_start3A_158 : memref<10240x128xf32, #tpu.memory_space<vmem_shared>>) offsets(%dma_start3A_155 : memref<128xi32, #tpu.memory_space<vmem>>) semaphore(%run_scoped3A_152 : memref<!tpu.dma_semaphore, #tpu.memory_space<semaphore_mem>>) {add = true}
      %dma_wait3A_159 = arith.constant 0 : i32
      %dma_wait3A_160 = tpu.memref_slice %arg9[%run_scoped3A, %dma_wait3A_159] : memref<40x128xi32, #tpu.memory_space<vmem>> -> memref<1x128xi32, #tpu.memory_space<vmem>>
      %dma_wait3A_161 = tpu.memref_squeeze %dma_wait3A_160 : memref<1x128xi32, #tpu.memory_space<vmem>> -> memref<128xi32, #tpu.memory_space<vmem>>
      %dma_wait3A_162 = arith.constant 0 : i32
      %dma_wait3A_163 = arith.constant 0 : i32
      %dma_wait3A_164 = tpu.memref_slice %arg7[%dma_wait3A_162, %dma_wait3A_163] : memref<10240x128xf32, #tpu.memory_space<vmem_shared>> -> memref<10240x128xf32, #tpu.memory_space<vmem_shared>>
      tpu.wait_indirect_dma semaphore(%run_scoped3A_152 : memref<!tpu.dma_semaphore, #tpu.memory_space<semaphore_mem>>) src(%arg10 : memref<128x128xf32, #tpu.memory_space<vmem>>) dst(%dma_wait3A_164 : memref<10240x128xf32, #tpu.memory_space<vmem_shared>>)
      tpu.yield
    }) : () -> ()
    %dma_wait3A_31 = arith.constant 0 : i32
    %dma_wait3A_32 = arith.constant 0 : i32
    %dma_wait3A_33 = tpu.memref_slice %arg3[%dma_wait3A_31, %dma_wait3A_32] : memref<20000x128xf32, #tpu.memory_space<hbm>> -> memref<128x128xf32, #tpu.memory_space<hbm>>
    %dma_wait3A_34 = arith.constant 0 : i32
    %dma_wait3A_35 = arith.constant 0 : i32
    %dma_wait3A_36 = tpu.memref_slice %arg3[%dma_wait3A_34, %dma_wait3A_35] : memref<20000x128xf32, #tpu.memory_space<hbm>> -> memref<128x128xf32, #tpu.memory_space<hbm>>
    tpu.wait_dma2 semaphore(%arg13 : memref<!tpu.dma_semaphore, #tpu.memory_space<semaphore_mem>>) src(%dma_wait3A_36 : memref<128x128xf32, #tpu.memory_space<hbm>>) dst(%arg11 : memref<128x128xf32, #tpu.memory_space<vmem>>)
    %run_scoped3A_37 = arith.constant 39 : i32
    "tpu.region"() ({
      %run_scoped3A_152 = tpu.sem_alloc : memref<!tpu.dma_semaphore, #tpu.memory_space<semaphore_mem>>
      %dma_start3A_153 = arith.constant 0 : i32
      %dma_start3A_154 = tpu.memref_slice %arg9[%run_scoped3A_37, %dma_start3A_153] : memref<40x128xi32, #tpu.memory_space<vmem>> -> memref<1x128xi32, #tpu.memory_space<vmem>>
      %dma_start3A_155 = tpu.memref_squeeze %dma_start3A_154 : memref<1x128xi32, #tpu.memory_space<vmem>> -> memref<128xi32, #tpu.memory_space<vmem>>
      %dma_start3A_156 = arith.constant 0 : i32
      %dma_start3A_157 = arith.constant 0 : i32
      %dma_start3A_158 = tpu.memref_slice %arg7[%dma_start3A_156, %dma_start3A_157] : memref<10240x128xf32, #tpu.memory_space<vmem_shared>> -> memref<10240x128xf32, #tpu.memory_space<vmem_shared>>
      tpu.enqueue_indirect_dma source(%arg11 : memref<128x128xf32, #tpu.memory_space<vmem>>) target(%dma_start3A_158 : memref<10240x128xf32, #tpu.memory_space<vmem_shared>>) offsets(%dma_start3A_155 : memref<128xi32, #tpu.memory_space<vmem>>) semaphore(%run_scoped3A_152 : memref<!tpu.dma_semaphore, #tpu.memory_space<semaphore_mem>>) {add = true}
      %dma_wait3A_159 = arith.constant 0 : i32
      %dma_wait3A_160 = tpu.memref_slice %arg9[%run_scoped3A_37, %dma_wait3A_159] : memref<40x128xi32, #tpu.memory_space<vmem>> -> memref<1x128xi32, #tpu.memory_space<vmem>>
      %dma_wait3A_161 = tpu.memref_squeeze %dma_wait3A_160 : memref<1x128xi32, #tpu.memory_space<vmem>> -> memref<128xi32, #tpu.memory_space<vmem>>
      %dma_wait3A_162 = arith.constant 0 : i32
      %dma_wait3A_163 = arith.constant 0 : i32
      %dma_wait3A_164 = tpu.memref_slice %arg7[%dma_wait3A_162, %dma_wait3A_163] : memref<10240x128xf32, #tpu.memory_space<vmem_shared>> -> memref<10240x128xf32, #tpu.memory_space<vmem_shared>>
      tpu.wait_indirect_dma semaphore(%run_scoped3A_152 : memref<!tpu.dma_semaphore, #tpu.memory_space<semaphore_mem>>) src(%arg11 : memref<128x128xf32, #tpu.memory_space<vmem>>) dst(%dma_wait3A_164 : memref<10240x128xf32, #tpu.memory_space<vmem_shared>>)
      tpu.yield
    }) : () -> ()
    %add3A_38 = arith.constant 40 : i32
    %add3A_39 = arith.addi %mul3A_5, %add3A_38 : i32
    "tpu.region"() ({
      %run_scoped3A_152 = tpu.sem_alloc : memref<!tpu.dma_semaphore, #tpu.memory_space<semaphore_mem>>
      %dma_start3A_153 = arith.constant 0 : i32
      %dma_start3A_154 = tpu.memref_slice %arg4[%arg0, %add3A_39, %dma_start3A_153] : memref<2x2560x128xi32, #tpu.memory_space<hbm>> -> memref<1x40x128xi32, #tpu.memory_space<hbm>>
      %dma_start3A_155 = tpu.memref_squeeze %dma_start3A_154 : memref<1x40x128xi32, #tpu.memory_space<hbm>> -> memref<40x128xi32, #tpu.memory_space<hbm>>
      %dma_start3A_156 = arith.constant 0 : i32
      %dma_start3A_157 = tpu.memref_slice %arg4[%arg0, %add3A_39, %dma_start3A_156] : memref<2x2560x128xi32, #tpu.memory_space<hbm>> -> memref<1x40x128xi32, #tpu.memory_space<hbm>>
      %dma_start3A_158 = tpu.memref_squeeze %dma_start3A_157 : memref<1x40x128xi32, #tpu.memory_space<hbm>> -> memref<40x128xi32, #tpu.memory_space<hbm>>
      tpu.enqueue_dma source(%dma_start3A_158 : memref<40x128xi32, #tpu.memory_space<hbm>>) target(%arg8 : memref<40x128xi32, #tpu.memory_space<vmem>>) target_semaphore(%run_scoped3A_152 : memref<!tpu.dma_semaphore, #tpu.memory_space<semaphore_mem>>)
      %dma_wait3A_159 = arith.constant 0 : i32
      %dma_wait3A_160 = tpu.memref_slice %arg4[%arg0, %add3A_39, %dma_wait3A_159] : memref<2x2560x128xi32, #tpu.memory_space<hbm>> -> memref<1x40x128xi32, #tpu.memory_space<hbm>>
      %dma_wait3A_161 = tpu.memref_squeeze %dma_wait3A_160 : memref<1x40x128xi32, #tpu.memory_space<hbm>> -> memref<40x128xi32, #tpu.memory_space<hbm>>
      %dma_wait3A_162 = arith.constant 0 : i32
      %dma_wait3A_163 = tpu.memref_slice %arg4[%arg0, %add3A_39, %dma_wait3A_162] : memref<2x2560x128xi32, #tpu.memory_space<hbm>> -> memref<1x40x128xi32, #tpu.memory_space<hbm>>
      %dma_wait3A_164 = tpu.memref_squeeze %dma_wait3A_163 : memref<1x40x128xi32, #tpu.memory_space<hbm>> -> memref<40x128xi32, #tpu.memory_space<hbm>>
      tpu.wait_dma2 semaphore(%run_scoped3A_152 : memref<!tpu.dma_semaphore, #tpu.memory_space<semaphore_mem>>) src(%dma_wait3A_164 : memref<40x128xi32, #tpu.memory_space<hbm>>) dst(%arg8 : memref<40x128xi32, #tpu.memory_space<vmem>>)
      tpu.yield
    }) : () -> ()
    "tpu.region"() ({
      %run_scoped3A_152 = tpu.sem_alloc : memref<!tpu.dma_semaphore, #tpu.memory_space<semaphore_mem>>
      %dma_start3A_153 = arith.constant 0 : i32
      %dma_start3A_154 = tpu.memref_slice %arg5[%add3A_39, %dma_start3A_153] : memref<2560x128xi32, #tpu.memory_space<hbm>> -> memref<40x128xi32, #tpu.memory_space<hbm>>
      %dma_start3A_155 = arith.constant 0 : i32
      %dma_start3A_156 = tpu.memref_slice %arg5[%add3A_39, %dma_start3A_155] : memref<2560x128xi32, #tpu.memory_space<hbm>> -> memref<40x128xi32, #tpu.memory_space<hbm>>
      tpu.enqueue_dma source(%dma_start3A_156 : memref<40x128xi32, #tpu.memory_space<hbm>>) target(%arg9 : memref<40x128xi32, #tpu.memory_space<vmem>>) target_semaphore(%run_scoped3A_152 : memref<!tpu.dma_semaphore, #tpu.memory_space<semaphore_mem>>)
      %dma_wait3A_157 = arith.constant 0 : i32
      %dma_wait3A_158 = tpu.memref_slice %arg5[%add3A_39, %dma_wait3A_157] : memref<2560x128xi32, #tpu.memory_space<hbm>> -> memref<40x128xi32, #tpu.memory_space<hbm>>
      %dma_wait3A_159 = arith.constant 0 : i32
      %dma_wait3A_160 = tpu.memref_slice %arg5[%add3A_39, %dma_wait3A_159] : memref<2560x128xi32, #tpu.memory_space<hbm>> -> memref<40x128xi32, #tpu.memory_space<hbm>>
      tpu.wait_dma2 semaphore(%run_scoped3A_152 : memref<!tpu.dma_semaphore, #tpu.memory_space<semaphore_mem>>) src(%dma_wait3A_160 : memref<40x128xi32, #tpu.memory_space<hbm>>) dst(%arg9 : memref<40x128xi32, #tpu.memory_space<vmem>>)
      tpu.yield
    }) : () -> ()
    %dma_start3A_40 = arith.constant 0 : i32
    %dma_start3A_41 = arith.constant 0 : i32
    %dma_start3A_42 = tpu.memref_slice %arg8[%dma_start3A_40, %dma_start3A_41] : memref<40x128xi32, #tpu.memory_space<vmem>> -> memref<1x128xi32, #tpu.memory_space<vmem>>
    %dma_start3A_43 = tpu.memref_squeeze %dma_start3A_42 : memref<1x128xi32, #tpu.memory_space<vmem>> -> memref<128xi32, #tpu.memory_space<vmem>>
    %dma_start3A_44 = arith.constant 0 : i32
    %dma_start3A_45 = arith.constant 0 : i32
    %dma_start3A_46 = tpu.memref_slice %arg3[%dma_start3A_44, %dma_start3A_45] : memref<20000x128xf32, #tpu.memory_space<hbm>> -> memref<20000x128xf32, #tpu.memory_space<hbm>>
    tpu.enqueue_indirect_dma source(%dma_start3A_46 : memref<20000x128xf32, #tpu.memory_space<hbm>>) target(%arg10 : memref<128x128xf32, #tpu.memory_space<vmem>>) offsets(%dma_start3A_43 : memref<128xi32, #tpu.memory_space<vmem>>) semaphore(%arg12 : memref<!tpu.dma_semaphore, #tpu.memory_space<semaphore_mem>>)
    %dma_start3A_47 = arith.constant 1 : i32
    %dma_start3A_48 = arith.constant 0 : i32
    %dma_start3A_49 = tpu.memref_slice %arg8[%dma_start3A_47, %dma_start3A_48] : memref<40x128xi32, #tpu.memory_space<vmem>> -> memref<1x128xi32, #tpu.memory_space<vmem>>
    %dma_start3A_50 = tpu.memref_squeeze %dma_start3A_49 : memref<1x128xi32, #tpu.memory_space<vmem>> -> memref<128xi32, #tpu.memory_space<vmem>>
    %dma_start3A_51 = arith.constant 0 : i32
    %dma_start3A_52 = arith.constant 0 : i32
    %dma_start3A_53 = tpu.memref_slice %arg3[%dma_start3A_51, %dma_start3A_52] : memref<20000x128xf32, #tpu.memory_space<hbm>> -> memref<20000x128xf32, #tpu.memory_space<hbm>>
    tpu.enqueue_indirect_dma source(%dma_start3A_53 : memref<20000x128xf32, #tpu.memory_space<hbm>>) target(%arg11 : memref<128x128xf32, #tpu.memory_space<vmem>>) offsets(%dma_start3A_50 : memref<128xi32, #tpu.memory_space<vmem>>) semaphore(%arg13 : memref<!tpu.dma_semaphore, #tpu.memory_space<semaphore_mem>>)
    %scan3A_54 = arith.constant 0 : i32
    %scan3A_55 = arith.constant 0 : i32
    %scan3A_56 = arith.constant 19 : i32
    %scan3A_57 = arith.addi %scan3A_55, %scan3A_56 : i32
    %scan3A_58 = arith.constant 1 : i32
    scf.for %scan3A_152 = %scan3A_55 to %scan3A_57 step %scan3A_58  : i32 {
      %mul3A_153 = arith.constant 2 : i32
      %mul3A_154 = arith.muli %scan3A_152, %mul3A_153 : i32
      %dma_wait3A_155 = arith.constant 0 : i32
      %dma_wait3A_156 = arith.constant 0 : i32
      %dma_wait3A_157 = tpu.memref_slice %arg3[%dma_wait3A_155, %dma_wait3A_156] : memref<20000x128xf32, #tpu.memory_space<hbm>> -> memref<128x128xf32, #tpu.memory_space<hbm>>
      %dma_wait3A_158 = arith.constant 0 : i32
      %dma_wait3A_159 = arith.constant 0 : i32
      %dma_wait3A_160 = tpu.memref_slice %arg3[%dma_wait3A_158, %dma_wait3A_159] : memref<20000x128xf32, #tpu.memory_space<hbm>> -> memref<128x128xf32, #tpu.memory_space<hbm>>
      tpu.wait_dma2 semaphore(%arg12 : memref<!tpu.dma_semaphore, #tpu.memory_space<semaphore_mem>>) src(%dma_wait3A_160 : memref<128x128xf32, #tpu.memory_space<hbm>>) dst(%arg10 : memref<128x128xf32, #tpu.memory_space<vmem>>)
      %add3A_161 = arith.constant 0 : i32
      %add3A_162 = arith.addi %mul3A_154, %add3A_161 : i32
      "tpu.region"() ({
        %run_scoped3A_191 = tpu.sem_alloc : memref<!tpu.dma_semaphore, #tpu.memory_space<semaphore_mem>>
        %dma_start3A_192 = arith.constant 0 : i32
        %dma_start3A_193 = tpu.memref_slice %arg9[%add3A_162, %dma_start3A_192] : memref<40x128xi32, #tpu.memory_space<vmem>> -> memref<1x128xi32, #tpu.memory_space<vmem>>
        %dma_start3A_194 = tpu.memref_squeeze %dma_start3A_193 : memref<1x128xi32, #tpu.memory_space<vmem>> -> memref<128xi32, #tpu.memory_space<vmem>>
        %dma_start3A_195 = arith.constant 0 : i32
        %dma_start3A_196 = arith.constant 0 : i32
        %dma_start3A_197 = tpu.memref_slice %arg7[%dma_start3A_195, %dma_start3A_196] : memref<10240x128xf32, #tpu.memory_space<vmem_shared>> -> memref<10240x128xf32, #tpu.memory_space<vmem_shared>>
        tpu.enqueue_indirect_dma source(%arg10 : memref<128x128xf32, #tpu.memory_space<vmem>>) target(%dma_start3A_197 : memref<10240x128xf32, #tpu.memory_space<vmem_shared>>) offsets(%dma_start3A_194 : memref<128xi32, #tpu.memory_space<vmem>>) semaphore(%run_scoped3A_191 : memref<!tpu.dma_semaphore, #tpu.memory_space<semaphore_mem>>) {add = true}
        %dma_wait3A_198 = arith.constant 0 : i32
        %dma_wait3A_199 = tpu.memref_slice %arg9[%add3A_162, %dma_wait3A_198] : memref<40x128xi32, #tpu.memory_space<vmem>> -> memref<1x128xi32, #tpu.memory_space<vmem>>
        %dma_wait3A_200 = tpu.memref_squeeze %dma_wait3A_199 : memref<1x128xi32, #tpu.memory_space<vmem>> -> memref<128xi32, #tpu.memory_space<vmem>>
        %dma_wait3A_201 = arith.constant 0 : i32
        %dma_wait3A_202 = arith.constant 0 : i32
        %dma_wait3A_203 = tpu.memref_slice %arg7[%dma_wait3A_201, %dma_wait3A_202] : memref<10240x128xf32, #tpu.memory_space<vmem_shared>> -> memref<10240x128xf32, #tpu.memory_space<vmem_shared>>
        tpu.wait_indirect_dma semaphore(%run_scoped3A_191 : memref<!tpu.dma_semaphore, #tpu.memory_space<semaphore_mem>>) src(%arg10 : memref<128x128xf32, #tpu.memory_space<vmem>>) dst(%dma_wait3A_203 : memref<10240x128xf32, #tpu.memory_space<vmem_shared>>)
        tpu.yield
      }) : () -> ()
      %add3A_163 = arith.constant 2 : i32
      %add3A_164 = arith.addi %mul3A_154, %add3A_163 : i32
      %add3A_165 = arith.constant 0 : i32
      %add3A_166 = arith.addi %add3A_164, %add3A_165 : i32
      %dma_start3A_167 = arith.constant 0 : i32
      %dma_start3A_168 = tpu.memref_slice %arg8[%add3A_166, %dma_start3A_167] : memref<40x128xi32, #tpu.memory_space<vmem>> -> memref<1x128xi32, #tpu.memory_space<vmem>>
      %dma_start3A_169 = tpu.memref_squeeze %dma_start3A_168 : memref<1x128xi32, #tpu.memory_space<vmem>> -> memref<128xi32, #tpu.memory_space<vmem>>
      %dma_start3A_170 = arith.constant 0 : i32
      %dma_start3A_171 = arith.constant 0 : i32
      %dma_start3A_172 = tpu.memref_slice %arg3[%dma_start3A_170, %dma_start3A_171] : memref<20000x128xf32, #tpu.memory_space<hbm>> -> memref<20000x128xf32, #tpu.memory_space<hbm>>
      tpu.enqueue_indirect_dma source(%dma_start3A_172 : memref<20000x128xf32, #tpu.memory_space<hbm>>) target(%arg10 : memref<128x128xf32, #tpu.memory_space<vmem>>) offsets(%dma_start3A_169 : memref<128xi32, #tpu.memory_space<vmem>>) semaphore(%arg12 : memref<!tpu.dma_semaphore, #tpu.memory_space<semaphore_mem>>)
      %dma_wait3A_173 = arith.constant 0 : i32
      %dma_wait3A_174 = arith.constant 0 : i32
      %dma_wait3A_175 = tpu.memref_slice %arg3[%dma_wait3A_173, %dma_wait3A_174] : memref<20000x128xf32, #tpu.memory_space<hbm>> -> memref<128x128xf32, #tpu.memory_space<hbm>>
      %dma_wait3A_176 = arith.constant 0 : i32
      %dma_wait3A_177 = arith.constant 0 : i32
      %dma_wait3A_178 = tpu.memref_slice %arg3[%dma_wait3A_176, %dma_wait3A_177] : memref<20000x128xf32, #tpu.memory_space<hbm>> -> memref<128x128xf32, #tpu.memory_space<hbm>>
      tpu.wait_dma2 semaphore(%arg13 : memref<!tpu.dma_semaphore, #tpu.memory_space<semaphore_mem>>) src(%dma_wait3A_178 : memref<128x128xf32, #tpu.memory_space<hbm>>) dst(%arg11 : memref<128x128xf32, #tpu.memory_space<vmem>>)
      %add3A_179 = arith.constant 1 : i32
      %add3A_180 = arith.addi %mul3A_154, %add3A_179 : i32
      "tpu.region"() ({
        %run_scoped3A_191 = tpu.sem_alloc : memref<!tpu.dma_semaphore, #tpu.memory_space<semaphore_mem>>
        %dma_start3A_192 = arith.constant 0 : i32
        %dma_start3A_193 = tpu.memref_slice %arg9[%add3A_180, %dma_start3A_192] : memref<40x128xi32, #tpu.memory_space<vmem>> -> memref<1x128xi32, #tpu.memory_space<vmem>>
        %dma_start3A_194 = tpu.memref_squeeze %dma_start3A_193 : memref<1x128xi32, #tpu.memory_space<vmem>> -> memref<128xi32, #tpu.memory_space<vmem>>
        %dma_start3A_195 = arith.constant 0 : i32
        %dma_start3A_196 = arith.constant 0 : i32
        %dma_start3A_197 = tpu.memref_slice %arg7[%dma_start3A_195, %dma_start3A_196] : memref<10240x128xf32, #tpu.memory_space<vmem_shared>> -> memref<10240x128xf32, #tpu.memory_space<vmem_shared>>
        tpu.enqueue_indirect_dma source(%arg11 : memref<128x128xf32, #tpu.memory_space<vmem>>) target(%dma_start3A_197 : memref<10240x128xf32, #tpu.memory_space<vmem_shared>>) offsets(%dma_start3A_194 : memref<128xi32, #tpu.memory_space<vmem>>) semaphore(%run_scoped3A_191 : memref<!tpu.dma_semaphore, #tpu.memory_space<semaphore_mem>>) {add = true}
        %dma_wait3A_198 = arith.constant 0 : i32
        %dma_wait3A_199 = tpu.memref_slice %arg9[%add3A_180, %dma_wait3A_198] : memref<40x128xi32, #tpu.memory_space<vmem>> -> memref<1x128xi32, #tpu.memory_space<vmem>>
        %dma_wait3A_200 = tpu.memref_squeeze %dma_wait3A_199 : memref<1x128xi32, #tpu.memory_space<vmem>> -> memref<128xi32, #tpu.memory_space<vmem>>
        %dma_wait3A_201 = arith.constant 0 : i32
        %dma_wait3A_202 = arith.constant 0 : i32
        %dma_wait3A_203 = tpu.memref_slice %arg7[%dma_wait3A_201, %dma_wait3A_202] : memref<10240x128xf32, #tpu.memory_space<vmem_shared>> -> memref<10240x128xf32, #tpu.memory_space<vmem_shared>>
        tpu.wait_indirect_dma semaphore(%run_scoped3A_191 : memref<!tpu.dma_semaphore, #tpu.memory_space<semaphore_mem>>) src(%arg11 : memref<128x128xf32, #tpu.memory_space<vmem>>) dst(%dma_wait3A_203 : memref<10240x128xf32, #tpu.memory_space<vmem_shared>>)
        tpu.yield
      }) : () -> ()
      %add3A_181 = arith.constant 2 : i32
      %add3A_182 = arith.addi %mul3A_154, %add3A_181 : i32
      %add3A_183 = arith.constant 1 : i32
      %add3A_184 = arith.addi %add3A_182, %add3A_183 : i32
      %dma_start3A_185 = arith.constant 0 : i32
      %dma_start3A_186 = tpu.memref_slice %arg8[%add3A_184, %dma_start3A_185] : memref<40x128xi32, #tpu.memory_space<vmem>> -> memref<1x128xi32, #tpu.memory_space<vmem>>
      %dma_start3A_187 = tpu.memref_squeeze %dma_start3A_186 : memref<1x128xi32, #tpu.memory_space<vmem>> -> memref<128xi32, #tpu.memory_space<vmem>>
      %dma_start3A_188 = arith.constant 0 : i32
      %dma_start3A_189 = arith.constant 0 : i32
      %dma_start3A_190 = tpu.memref_slice %arg3[%dma_start3A_188, %dma_start3A_189] : memref<20000x128xf32, #tpu.memory_space<hbm>> -> memref<20000x128xf32, #tpu.memory_space<hbm>>
      tpu.enqueue_indirect_dma source(%dma_start3A_190 : memref<20000x128xf32, #tpu.memory_space<hbm>>) target(%arg11 : memref<128x128xf32, #tpu.memory_space<vmem>>) offsets(%dma_start3A_187 : memref<128xi32, #tpu.memory_space<vmem>>) semaphore(%arg13 : memref<!tpu.dma_semaphore, #tpu.memory_space<semaphore_mem>>)
    }
    %scan3A_59 = arith.constant 19 : i32
    %dma_wait3A_60 = arith.constant 0 : i32
    %dma_wait3A_61 = arith.constant 0 : i32
    %dma_wait3A_62 = tpu.memref_slice %arg3[%dma_wait3A_60, %dma_wait3A_61] : memref<20000x128xf32, #tpu.memory_space<hbm>> -> memref<128x128xf32, #tpu.memory_space<hbm>>
    %dma_wait3A_63 = arith.constant 0 : i32
    %dma_wait3A_64 = arith.constant 0 : i32
    %dma_wait3A_65 = tpu.memref_slice %arg3[%dma_wait3A_63, %dma_wait3A_64] : memref<20000x128xf32, #tpu.memory_space<hbm>> -> memref<128x128xf32, #tpu.memory_space<hbm>>
    tpu.wait_dma2 semaphore(%arg12 : memref<!tpu.dma_semaphore, #tpu.memory_space<semaphore_mem>>) src(%dma_wait3A_65 : memref<128x128xf32, #tpu.memory_space<hbm>>) dst(%arg10 : memref<128x128xf32, #tpu.memory_space<vmem>>)
    %run_scoped3A_66 = arith.constant 38 : i32
    "tpu.region"() ({
      %run_scoped3A_152 = tpu.sem_alloc : memref<!tpu.dma_semaphore, #tpu.memory_space<semaphore_mem>>
      %dma_start3A_153 = arith.constant 0 : i32
      %dma_start3A_154 = tpu.memref_slice %arg9[%run_scoped3A_66, %dma_start3A_153] : memref<40x128xi32, #tpu.memory_space<vmem>> -> memref<1x128xi32, #tpu.memory_space<vmem>>
      %dma_start3A_155 = tpu.memref_squeeze %dma_start3A_154 : memref<1x128xi32, #tpu.memory_space<vmem>> -> memref<128xi32, #tpu.memory_space<vmem>>
      %dma_start3A_156 = arith.constant 0 : i32
      %dma_start3A_157 = arith.constant 0 : i32
      %dma_start3A_158 = tpu.memref_slice %arg7[%dma_start3A_156, %dma_start3A_157] : memref<10240x128xf32, #tpu.memory_space<vmem_shared>> -> memref<10240x128xf32, #tpu.memory_space<vmem_shared>>
      tpu.enqueue_indirect_dma source(%arg10 : memref<128x128xf32, #tpu.memory_space<vmem>>) target(%dma_start3A_158 : memref<10240x128xf32, #tpu.memory_space<vmem_shared>>) offsets(%dma_start3A_155 : memref<128xi32, #tpu.memory_space<vmem>>) semaphore(%run_scoped3A_152 : memref<!tpu.dma_semaphore, #tpu.memory_space<semaphore_mem>>) {add = true}
      %dma_wait3A_159 = arith.constant 0 : i32
      %dma_wait3A_160 = tpu.memref_slice %arg9[%run_scoped3A_66, %dma_wait3A_159] : memref<40x128xi32, #tpu.memory_space<vmem>> -> memref<1x128xi32, #tpu.memory_space<vmem>>
      %dma_wait3A_161 = tpu.memref_squeeze %dma_wait3A_160 : memref<1x128xi32, #tpu.memory_space<vmem>> -> memref<128xi32, #tpu.memory_space<vmem>>
      %dma_wait3A_162 = arith.constant 0 : i32
      %dma_wait3A_163 = arith.constant 0 : i32
      %dma_wait3A_164 = tpu.memref_slice %arg7[%dma_wait3A_162, %dma_wait3A_163] : memref<10240x128xf32, #tpu.memory_space<vmem_shared>> -> memref<10240x128xf32, #tpu.memory_space<vmem_shared>>
      tpu.wait_indirect_dma semaphore(%run_scoped3A_152 : memref<!tpu.dma_semaphore, #tpu.memory_space<semaphore_mem>>) src(%arg10 : memref<128x128xf32, #tpu.memory_space<vmem>>) dst(%dma_wait3A_164 : memref<10240x128xf32, #tpu.memory_space<vmem_shared>>)
      tpu.yield
    }) : () -> ()
    %dma_wait3A_67 = arith.constant 0 : i32
    %dma_wait3A_68 = arith.constant 0 : i32
    %dma_wait3A_69 = tpu.memref_slice %arg3[%dma_wait3A_67, %dma_wait3A_68] : memref<20000x128xf32, #tpu.memory_space<hbm>> -> memref<128x128xf32, #tpu.memory_space<hbm>>
    %dma_wait3A_70 = arith.constant 0 : i32
    %dma_wait3A_71 = arith.constant 0 : i32
    %dma_wait3A_72 = tpu.memref_slice %arg3[%dma_wait3A_70, %dma_wait3A_71] : memref<20000x128xf32, #tpu.memory_space<hbm>> -> memref<128x128xf32, #tpu.memory_space<hbm>>
    tpu.wait_dma2 semaphore(%arg13 : memref<!tpu.dma_semaphore, #tpu.memory_space<semaphore_mem>>) src(%dma_wait3A_72 : memref<128x128xf32, #tpu.memory_space<hbm>>) dst(%arg11 : memref<128x128xf32, #tpu.memory_space<vmem>>)
    %run_scoped3A_73 = arith.constant 39 : i32
    "tpu.region"() ({
      %run_scoped3A_152 = tpu.sem_alloc : memref<!tpu.dma_semaphore, #tpu.memory_space<semaphore_mem>>
      %dma_start3A_153 = arith.constant 0 : i32
      %dma_start3A_154 = tpu.memref_slice %arg9[%run_scoped3A_73, %dma_start3A_153] : memref<40x128xi32, #tpu.memory_space<vmem>> -> memref<1x128xi32, #tpu.memory_space<vmem>>
      %dma_start3A_155 = tpu.memref_squeeze %dma_start3A_154 : memref<1x128xi32, #tpu.memory_space<vmem>> -> memref<128xi32, #tpu.memory_space<vmem>>
      %dma_start3A_156 = arith.constant 0 : i32
      %dma_start3A_157 = arith.constant 0 : i32
      %dma_start3A_158 = tpu.memref_slice %arg7[%dma_start3A_156, %dma_start3A_157] : memref<10240x128xf32, #tpu.memory_space<vmem_shared>> -> memref<10240x128xf32, #tpu.memory_space<vmem_shared>>
      tpu.enqueue_indirect_dma source(%arg11 : memref<128x128xf32, #tpu.memory_space<vmem>>) target(%dma_start3A_158 : memref<10240x128xf32, #tpu.memory_space<vmem_shared>>) offsets(%dma_start3A_155 : memref<128xi32, #tpu.memory_space<vmem>>) semaphore(%run_scoped3A_152 : memref<!tpu.dma_semaphore, #tpu.memory_space<semaphore_mem>>) {add = true}
      %dma_wait3A_159 = arith.constant 0 : i32
      %dma_wait3A_160 = tpu.memref_slice %arg9[%run_scoped3A_73, %dma_wait3A_159] : memref<40x128xi32, #tpu.memory_space<vmem>> -> memref<1x128xi32, #tpu.memory_space<vmem>>
      %dma_wait3A_161 = tpu.memref_squeeze %dma_wait3A_160 : memref<1x128xi32, #tpu.memory_space<vmem>> -> memref<128xi32, #tpu.memory_space<vmem>>
      %dma_wait3A_162 = arith.constant 0 : i32
      %dma_wait3A_163 = arith.constant 0 : i32
      %dma_wait3A_164 = tpu.memref_slice %arg7[%dma_wait3A_162, %dma_wait3A_163] : memref<10240x128xf32, #tpu.memory_space<vmem_shared>> -> memref<10240x128xf32, #tpu.memory_space<vmem_shared>>
      tpu.wait_indirect_dma semaphore(%run_scoped3A_152 : memref<!tpu.dma_semaphore, #tpu.memory_space<semaphore_mem>>) src(%arg11 : memref<128x128xf32, #tpu.memory_space<vmem>>) dst(%dma_wait3A_164 : memref<10240x128xf32, #tpu.memory_space<vmem_shared>>)
      tpu.yield
    }) : () -> ()
    %add3A_74 = arith.constant 80 : i32
    %add3A_75 = arith.addi %mul3A_5, %add3A_74 : i32
    "tpu.region"() ({
      %run_scoped3A_152 = tpu.sem_alloc : memref<!tpu.dma_semaphore, #tpu.memory_space<semaphore_mem>>
      %dma_start3A_153 = arith.constant 0 : i32
      %dma_start3A_154 = tpu.memref_slice %arg4[%arg0, %add3A_75, %dma_start3A_153] : memref<2x2560x128xi32, #tpu.memory_space<hbm>> -> memref<1x40x128xi32, #tpu.memory_space<hbm>>
      %dma_start3A_155 = tpu.memref_squeeze %dma_start3A_154 : memref<1x40x128xi32, #tpu.memory_space<hbm>> -> memref<40x128xi32, #tpu.memory_space<hbm>>
      %dma_start3A_156 = arith.constant 0 : i32
      %dma_start3A_157 = tpu.memref_slice %arg4[%arg0, %add3A_75, %dma_start3A_156] : memref<2x2560x128xi32, #tpu.memory_space<hbm>> -> memref<1x40x128xi32, #tpu.memory_space<hbm>>
      %dma_start3A_158 = tpu.memref_squeeze %dma_start3A_157 : memref<1x40x128xi32, #tpu.memory_space<hbm>> -> memref<40x128xi32, #tpu.memory_space<hbm>>
      tpu.enqueue_dma source(%dma_start3A_158 : memref<40x128xi32, #tpu.memory_space<hbm>>) target(%arg8 : memref<40x128xi32, #tpu.memory_space<vmem>>) target_semaphore(%run_scoped3A_152 : memref<!tpu.dma_semaphore, #tpu.memory_space<semaphore_mem>>)
      %dma_wait3A_159 = arith.constant 0 : i32
      %dma_wait3A_160 = tpu.memref_slice %arg4[%arg0, %add3A_75, %dma_wait3A_159] : memref<2x2560x128xi32, #tpu.memory_space<hbm>> -> memref<1x40x128xi32, #tpu.memory_space<hbm>>
      %dma_wait3A_161 = tpu.memref_squeeze %dma_wait3A_160 : memref<1x40x128xi32, #tpu.memory_space<hbm>> -> memref<40x128xi32, #tpu.memory_space<hbm>>
      %dma_wait3A_162 = arith.constant 0 : i32
      %dma_wait3A_163 = tpu.memref_slice %arg4[%arg0, %add3A_75, %dma_wait3A_162] : memref<2x2560x128xi32, #tpu.memory_space<hbm>> -> memref<1x40x128xi32, #tpu.memory_space<hbm>>
      %dma_wait3A_164 = tpu.memref_squeeze %dma_wait3A_163 : memref<1x40x128xi32, #tpu.memory_space<hbm>> -> memref<40x128xi32, #tpu.memory_space<hbm>>
      tpu.wait_dma2 semaphore(%run_scoped3A_152 : memref<!tpu.dma_semaphore, #tpu.memory_space<semaphore_mem>>) src(%dma_wait3A_164 : memref<40x128xi32, #tpu.memory_space<hbm>>) dst(%arg8 : memref<40x128xi32, #tpu.memory_space<vmem>>)
      tpu.yield
    }) : () -> ()
    "tpu.region"() ({
      %run_scoped3A_152 = tpu.sem_alloc : memref<!tpu.dma_semaphore, #tpu.memory_space<semaphore_mem>>
      %dma_start3A_153 = arith.constant 0 : i32
      %dma_start3A_154 = tpu.memref_slice %arg5[%add3A_75, %dma_start3A_153] : memref<2560x128xi32, #tpu.memory_space<hbm>> -> memref<40x128xi32, #tpu.memory_space<hbm>>
      %dma_start3A_155 = arith.constant 0 : i32
      %dma_start3A_156 = tpu.memref_slice %arg5[%add3A_75, %dma_start3A_155] : memref<2560x128xi32, #tpu.memory_space<hbm>> -> memref<40x128xi32, #tpu.memory_space<hbm>>
      tpu.enqueue_dma source(%dma_start3A_156 : memref<40x128xi32, #tpu.memory_space<hbm>>) target(%arg9 : memref<40x128xi32, #tpu.memory_space<vmem>>) target_semaphore(%run_scoped3A_152 : memref<!tpu.dma_semaphore, #tpu.memory_space<semaphore_mem>>)
      %dma_wait3A_157 = arith.constant 0 : i32
      %dma_wait3A_158 = tpu.memref_slice %arg5[%add3A_75, %dma_wait3A_157] : memref<2560x128xi32, #tpu.memory_space<hbm>> -> memref<40x128xi32, #tpu.memory_space<hbm>>
      %dma_wait3A_159 = arith.constant 0 : i32
      %dma_wait3A_160 = tpu.memref_slice %arg5[%add3A_75, %dma_wait3A_159] : memref<2560x128xi32, #tpu.memory_space<hbm>> -> memref<40x128xi32, #tpu.memory_space<hbm>>
      tpu.wait_dma2 semaphore(%run_scoped3A_152 : memref<!tpu.dma_semaphore, #tpu.memory_space<semaphore_mem>>) src(%dma_wait3A_160 : memref<40x128xi32, #tpu.memory_space<hbm>>) dst(%arg9 : memref<40x128xi32, #tpu.memory_space<vmem>>)
      tpu.yield
    }) : () -> ()
    %dma_start3A_76 = arith.constant 0 : i32
    %dma_start3A_77 = arith.constant 0 : i32
    %dma_start3A_78 = tpu.memref_slice %arg8[%dma_start3A_76, %dma_start3A_77] : memref<40x128xi32, #tpu.memory_space<vmem>> -> memref<1x128xi32, #tpu.memory_space<vmem>>
    %dma_start3A_79 = tpu.memref_squeeze %dma_start3A_78 : memref<1x128xi32, #tpu.memory_space<vmem>> -> memref<128xi32, #tpu.memory_space<vmem>>
    %dma_start3A_80 = arith.constant 0 : i32
    %dma_start3A_81 = arith.constant 0 : i32
    %dma_start3A_82 = tpu.memref_slice %arg3[%dma_start3A_80, %dma_start3A_81] : memref<20000x128xf32, #tpu.memory_space<hbm>> -> memref<20000x128xf32, #tpu.memory_space<hbm>>
    tpu.enqueue_indirect_dma source(%dma_start3A_82 : memref<20000x128xf32, #tpu.memory_space<hbm>>) target(%arg10 : memref<128x128xf32, #tpu.memory_space<vmem>>) offsets(%dma_start3A_79 : memref<128xi32, #tpu.memory_space<vmem>>) semaphore(%arg12 : memref<!tpu.dma_semaphore, #tpu.memory_space<semaphore_mem>>)
    %dma_start3A_83 = arith.constant 1 : i32
    %dma_start3A_84 = arith.constant 0 : i32
    %dma_start3A_85 = tpu.memref_slice %arg8[%dma_start3A_83, %dma_start3A_84] : memref<40x128xi32, #tpu.memory_space<vmem>> -> memref<1x128xi32, #tpu.memory_space<vmem>>
    %dma_start3A_86 = tpu.memref_squeeze %dma_start3A_85 : memref<1x128xi32, #tpu.memory_space<vmem>> -> memref<128xi32, #tpu.memory_space<vmem>>
    %dma_start3A_87 = arith.constant 0 : i32
    %dma_start3A_88 = arith.constant 0 : i32
    %dma_start3A_89 = tpu.memref_slice %arg3[%dma_start3A_87, %dma_start3A_88] : memref<20000x128xf32, #tpu.memory_space<hbm>> -> memref<20000x128xf32, #tpu.memory_space<hbm>>
    tpu.enqueue_indirect_dma source(%dma_start3A_89 : memref<20000x128xf32, #tpu.memory_space<hbm>>) target(%arg11 : memref<128x128xf32, #tpu.memory_space<vmem>>) offsets(%dma_start3A_86 : memref<128xi32, #tpu.memory_space<vmem>>) semaphore(%arg13 : memref<!tpu.dma_semaphore, #tpu.memory_space<semaphore_mem>>)
    %scan3A_90 = arith.constant 0 : i32
    %scan3A_91 = arith.constant 0 : i32
    %scan3A_92 = arith.constant 19 : i32
    %scan3A_93 = arith.addi %scan3A_91, %scan3A_92 : i32
    %scan3A_94 = arith.constant 1 : i32
    scf.for %scan3A_152 = %scan3A_91 to %scan3A_93 step %scan3A_94  : i32 {
      %mul3A_153 = arith.constant 2 : i32
      %mul3A_154 = arith.muli %scan3A_152, %mul3A_153 : i32
      %dma_wait3A_155 = arith.constant 0 : i32
      %dma_wait3A_156 = arith.constant 0 : i32
      %dma_wait3A_157 = tpu.memref_slice %arg3[%dma_wait3A_155, %dma_wait3A_156] : memref<20000x128xf32, #tpu.memory_space<hbm>> -> memref<128x128xf32, #tpu.memory_space<hbm>>
      %dma_wait3A_158 = arith.constant 0 : i32
      %dma_wait3A_159 = arith.constant 0 : i32
      %dma_wait3A_160 = tpu.memref_slice %arg3[%dma_wait3A_158, %dma_wait3A_159] : memref<20000x128xf32, #tpu.memory_space<hbm>> -> memref<128x128xf32, #tpu.memory_space<hbm>>
      tpu.wait_dma2 semaphore(%arg12 : memref<!tpu.dma_semaphore, #tpu.memory_space<semaphore_mem>>) src(%dma_wait3A_160 : memref<128x128xf32, #tpu.memory_space<hbm>>) dst(%arg10 : memref<128x128xf32, #tpu.memory_space<vmem>>)
      %add3A_161 = arith.constant 0 : i32
      %add3A_162 = arith.addi %mul3A_154, %add3A_161 : i32
      "tpu.region"() ({
        %run_scoped3A_191 = tpu.sem_alloc : memref<!tpu.dma_semaphore, #tpu.memory_space<semaphore_mem>>
        %dma_start3A_192 = arith.constant 0 : i32
        %dma_start3A_193 = tpu.memref_slice %arg9[%add3A_162, %dma_start3A_192] : memref<40x128xi32, #tpu.memory_space<vmem>> -> memref<1x128xi32, #tpu.memory_space<vmem>>
        %dma_start3A_194 = tpu.memref_squeeze %dma_start3A_193 : memref<1x128xi32, #tpu.memory_space<vmem>> -> memref<128xi32, #tpu.memory_space<vmem>>
        %dma_start3A_195 = arith.constant 0 : i32
        %dma_start3A_196 = arith.constant 0 : i32
        %dma_start3A_197 = tpu.memref_slice %arg7[%dma_start3A_195, %dma_start3A_196] : memref<10240x128xf32, #tpu.memory_space<vmem_shared>> -> memref<10240x128xf32, #tpu.memory_space<vmem_shared>>
        tpu.enqueue_indirect_dma source(%arg10 : memref<128x128xf32, #tpu.memory_space<vmem>>) target(%dma_start3A_197 : memref<10240x128xf32, #tpu.memory_space<vmem_shared>>) offsets(%dma_start3A_194 : memref<128xi32, #tpu.memory_space<vmem>>) semaphore(%run_scoped3A_191 : memref<!tpu.dma_semaphore, #tpu.memory_space<semaphore_mem>>) {add = true}
        %dma_wait3A_198 = arith.constant 0 : i32
        %dma_wait3A_199 = tpu.memref_slice %arg9[%add3A_162, %dma_wait3A_198] : memref<40x128xi32, #tpu.memory_space<vmem>> -> memref<1x128xi32, #tpu.memory_space<vmem>>
        %dma_wait3A_200 = tpu.memref_squeeze %dma_wait3A_199 : memref<1x128xi32, #tpu.memory_space<vmem>> -> memref<128xi32, #tpu.memory_space<vmem>>
        %dma_wait3A_201 = arith.constant 0 : i32
        %dma_wait3A_202 = arith.constant 0 : i32
        %dma_wait3A_203 = tpu.memref_slice %arg7[%dma_wait3A_201, %dma_wait3A_202] : memref<10240x128xf32, #tpu.memory_space<vmem_shared>> -> memref<10240x128xf32, #tpu.memory_space<vmem_shared>>
        tpu.wait_indirect_dma semaphore(%run_scoped3A_191 : memref<!tpu.dma_semaphore, #tpu.memory_space<semaphore_mem>>) src(%arg10 : memref<128x128xf32, #tpu.memory_space<vmem>>) dst(%dma_wait3A_203 : memref<10240x128xf32, #tpu.memory_space<vmem_shared>>)
        tpu.yield
      }) : () -> ()
      %add3A_163 = arith.constant 2 : i32
      %add3A_164 = arith.addi %mul3A_154, %add3A_163 : i32
      %add3A_165 = arith.constant 0 : i32
      %add3A_166 = arith.addi %add3A_164, %add3A_165 : i32
      %dma_start3A_167 = arith.constant 0 : i32
      %dma_start3A_168 = tpu.memref_slice %arg8[%add3A_166, %dma_start3A_167] : memref<40x128xi32, #tpu.memory_space<vmem>> -> memref<1x128xi32, #tpu.memory_space<vmem>>
      %dma_start3A_169 = tpu.memref_squeeze %dma_start3A_168 : memref<1x128xi32, #tpu.memory_space<vmem>> -> memref<128xi32, #tpu.memory_space<vmem>>
      %dma_start3A_170 = arith.constant 0 : i32
      %dma_start3A_171 = arith.constant 0 : i32
      %dma_start3A_172 = tpu.memref_slice %arg3[%dma_start3A_170, %dma_start3A_171] : memref<20000x128xf32, #tpu.memory_space<hbm>> -> memref<20000x128xf32, #tpu.memory_space<hbm>>
      tpu.enqueue_indirect_dma source(%dma_start3A_172 : memref<20000x128xf32, #tpu.memory_space<hbm>>) target(%arg10 : memref<128x128xf32, #tpu.memory_space<vmem>>) offsets(%dma_start3A_169 : memref<128xi32, #tpu.memory_space<vmem>>) semaphore(%arg12 : memref<!tpu.dma_semaphore, #tpu.memory_space<semaphore_mem>>)
      %dma_wait3A_173 = arith.constant 0 : i32
      %dma_wait3A_174 = arith.constant 0 : i32
      %dma_wait3A_175 = tpu.memref_slice %arg3[%dma_wait3A_173, %dma_wait3A_174] : memref<20000x128xf32, #tpu.memory_space<hbm>> -> memref<128x128xf32, #tpu.memory_space<hbm>>
      %dma_wait3A_176 = arith.constant 0 : i32
      %dma_wait3A_177 = arith.constant 0 : i32
      %dma_wait3A_178 = tpu.memref_slice %arg3[%dma_wait3A_176, %dma_wait3A_177] : memref<20000x128xf32, #tpu.memory_space<hbm>> -> memref<128x128xf32, #tpu.memory_space<hbm>>
      tpu.wait_dma2 semaphore(%arg13 : memref<!tpu.dma_semaphore, #tpu.memory_space<semaphore_mem>>) src(%dma_wait3A_178 : memref<128x128xf32, #tpu.memory_space<hbm>>) dst(%arg11 : memref<128x128xf32, #tpu.memory_space<vmem>>)
      %add3A_179 = arith.constant 1 : i32
      %add3A_180 = arith.addi %mul3A_154, %add3A_179 : i32
      "tpu.region"() ({
        %run_scoped3A_191 = tpu.sem_alloc : memref<!tpu.dma_semaphore, #tpu.memory_space<semaphore_mem>>
        %dma_start3A_192 = arith.constant 0 : i32
        %dma_start3A_193 = tpu.memref_slice %arg9[%add3A_180, %dma_start3A_192] : memref<40x128xi32, #tpu.memory_space<vmem>> -> memref<1x128xi32, #tpu.memory_space<vmem>>
        %dma_start3A_194 = tpu.memref_squeeze %dma_start3A_193 : memref<1x128xi32, #tpu.memory_space<vmem>> -> memref<128xi32, #tpu.memory_space<vmem>>
        %dma_start3A_195 = arith.constant 0 : i32
        %dma_start3A_196 = arith.constant 0 : i32
        %dma_start3A_197 = tpu.memref_slice %arg7[%dma_start3A_195, %dma_start3A_196] : memref<10240x128xf32, #tpu.memory_space<vmem_shared>> -> memref<10240x128xf32, #tpu.memory_space<vmem_shared>>
        tpu.enqueue_indirect_dma source(%arg11 : memref<128x128xf32, #tpu.memory_space<vmem>>) target(%dma_start3A_197 : memref<10240x128xf32, #tpu.memory_space<vmem_shared>>) offsets(%dma_start3A_194 : memref<128xi32, #tpu.memory_space<vmem>>) semaphore(%run_scoped3A_191 : memref<!tpu.dma_semaphore, #tpu.memory_space<semaphore_mem>>) {add = true}
        %dma_wait3A_198 = arith.constant 0 : i32
        %dma_wait3A_199 = tpu.memref_slice %arg9[%add3A_180, %dma_wait3A_198] : memref<40x128xi32, #tpu.memory_space<vmem>> -> memref<1x128xi32, #tpu.memory_space<vmem>>
        %dma_wait3A_200 = tpu.memref_squeeze %dma_wait3A_199 : memref<1x128xi32, #tpu.memory_space<vmem>> -> memref<128xi32, #tpu.memory_space<vmem>>
        %dma_wait3A_201 = arith.constant 0 : i32
        %dma_wait3A_202 = arith.constant 0 : i32
        %dma_wait3A_203 = tpu.memref_slice %arg7[%dma_wait3A_201, %dma_wait3A_202] : memref<10240x128xf32, #tpu.memory_space<vmem_shared>> -> memref<10240x128xf32, #tpu.memory_space<vmem_shared>>
        tpu.wait_indirect_dma semaphore(%run_scoped3A_191 : memref<!tpu.dma_semaphore, #tpu.memory_space<semaphore_mem>>) src(%arg11 : memref<128x128xf32, #tpu.memory_space<vmem>>) dst(%dma_wait3A_203 : memref<10240x128xf32, #tpu.memory_space<vmem_shared>>)
        tpu.yield
      }) : () -> ()
      %add3A_181 = arith.constant 2 : i32
      %add3A_182 = arith.addi %mul3A_154, %add3A_181 : i32
      %add3A_183 = arith.constant 1 : i32
      %add3A_184 = arith.addi %add3A_182, %add3A_183 : i32
      %dma_start3A_185 = arith.constant 0 : i32
      %dma_start3A_186 = tpu.memref_slice %arg8[%add3A_184, %dma_start3A_185] : memref<40x128xi32, #tpu.memory_space<vmem>> -> memref<1x128xi32, #tpu.memory_space<vmem>>
      %dma_start3A_187 = tpu.memref_squeeze %dma_start3A_186 : memref<1x128xi32, #tpu.memory_space<vmem>> -> memref<128xi32, #tpu.memory_space<vmem>>
      %dma_start3A_188 = arith.constant 0 : i32
      %dma_start3A_189 = arith.constant 0 : i32
      %dma_start3A_190 = tpu.memref_slice %arg3[%dma_start3A_188, %dma_start3A_189] : memref<20000x128xf32, #tpu.memory_space<hbm>> -> memref<20000x128xf32, #tpu.memory_space<hbm>>
      tpu.enqueue_indirect_dma source(%dma_start3A_190 : memref<20000x128xf32, #tpu.memory_space<hbm>>) target(%arg11 : memref<128x128xf32, #tpu.memory_space<vmem>>) offsets(%dma_start3A_187 : memref<128xi32, #tpu.memory_space<vmem>>) semaphore(%arg13 : memref<!tpu.dma_semaphore, #tpu.memory_space<semaphore_mem>>)
    }
    %scan3A_95 = arith.constant 19 : i32
    %dma_wait3A_96 = arith.constant 0 : i32
    %dma_wait3A_97 = arith.constant 0 : i32
    %dma_wait3A_98 = tpu.memref_slice %arg3[%dma_wait3A_96, %dma_wait3A_97] : memref<20000x128xf32, #tpu.memory_space<hbm>> -> memref<128x128xf32, #tpu.memory_space<hbm>>
    %dma_wait3A_99 = arith.constant 0 : i32
    %dma_wait3A_100 = arith.constant 0 : i32
    %dma_wait3A_101 = tpu.memref_slice %arg3[%dma_wait3A_99, %dma_wait3A_100] : memref<20000x128xf32, #tpu.memory_space<hbm>> -> memref<128x128xf32, #tpu.memory_space<hbm>>
    tpu.wait_dma2 semaphore(%arg12 : memref<!tpu.dma_semaphore, #tpu.memory_space<semaphore_mem>>) src(%dma_wait3A_101 : memref<128x128xf32, #tpu.memory_space<hbm>>) dst(%arg10 : memref<128x128xf32, #tpu.memory_space<vmem>>)
    %run_scoped3A_102 = arith.constant 38 : i32
    "tpu.region"() ({
      %run_scoped3A_152 = tpu.sem_alloc : memref<!tpu.dma_semaphore, #tpu.memory_space<semaphore_mem>>
      %dma_start3A_153 = arith.constant 0 : i32
      %dma_start3A_154 = tpu.memref_slice %arg9[%run_scoped3A_102, %dma_start3A_153] : memref<40x128xi32, #tpu.memory_space<vmem>> -> memref<1x128xi32, #tpu.memory_space<vmem>>
      %dma_start3A_155 = tpu.memref_squeeze %dma_start3A_154 : memref<1x128xi32, #tpu.memory_space<vmem>> -> memref<128xi32, #tpu.memory_space<vmem>>
      %dma_start3A_156 = arith.constant 0 : i32
      %dma_start3A_157 = arith.constant 0 : i32
      %dma_start3A_158 = tpu.memref_slice %arg7[%dma_start3A_156, %dma_start3A_157] : memref<10240x128xf32, #tpu.memory_space<vmem_shared>> -> memref<10240x128xf32, #tpu.memory_space<vmem_shared>>
      tpu.enqueue_indirect_dma source(%arg10 : memref<128x128xf32, #tpu.memory_space<vmem>>) target(%dma_start3A_158 : memref<10240x128xf32, #tpu.memory_space<vmem_shared>>) offsets(%dma_start3A_155 : memref<128xi32, #tpu.memory_space<vmem>>) semaphore(%run_scoped3A_152 : memref<!tpu.dma_semaphore, #tpu.memory_space<semaphore_mem>>) {add = true}
      %dma_wait3A_159 = arith.constant 0 : i32
      %dma_wait3A_160 = tpu.memref_slice %arg9[%run_scoped3A_102, %dma_wait3A_159] : memref<40x128xi32, #tpu.memory_space<vmem>> -> memref<1x128xi32, #tpu.memory_space<vmem>>
      %dma_wait3A_161 = tpu.memref_squeeze %dma_wait3A_160 : memref<1x128xi32, #tpu.memory_space<vmem>> -> memref<128xi32, #tpu.memory_space<vmem>>
      %dma_wait3A_162 = arith.constant 0 : i32
      %dma_wait3A_163 = arith.constant 0 : i32
      %dma_wait3A_164 = tpu.memref_slice %arg7[%dma_wait3A_162, %dma_wait3A_163] : memref<10240x128xf32, #tpu.memory_space<vmem_shared>> -> memref<10240x128xf32, #tpu.memory_space<vmem_shared>>
      tpu.wait_indirect_dma semaphore(%run_scoped3A_152 : memref<!tpu.dma_semaphore, #tpu.memory_space<semaphore_mem>>) src(%arg10 : memref<128x128xf32, #tpu.memory_space<vmem>>) dst(%dma_wait3A_164 : memref<10240x128xf32, #tpu.memory_space<vmem_shared>>)
      tpu.yield
    }) : () -> ()
    %dma_wait3A_103 = arith.constant 0 : i32
    %dma_wait3A_104 = arith.constant 0 : i32
    %dma_wait3A_105 = tpu.memref_slice %arg3[%dma_wait3A_103, %dma_wait3A_104] : memref<20000x128xf32, #tpu.memory_space<hbm>> -> memref<128x128xf32, #tpu.memory_space<hbm>>
    %dma_wait3A_106 = arith.constant 0 : i32
    %dma_wait3A_107 = arith.constant 0 : i32
    %dma_wait3A_108 = tpu.memref_slice %arg3[%dma_wait3A_106, %dma_wait3A_107] : memref<20000x128xf32, #tpu.memory_space<hbm>> -> memref<128x128xf32, #tpu.memory_space<hbm>>
    tpu.wait_dma2 semaphore(%arg13 : memref<!tpu.dma_semaphore, #tpu.memory_space<semaphore_mem>>) src(%dma_wait3A_108 : memref<128x128xf32, #tpu.memory_space<hbm>>) dst(%arg11 : memref<128x128xf32, #tpu.memory_space<vmem>>)
    %run_scoped3A_109 = arith.constant 39 : i32
    "tpu.region"() ({
      %run_scoped3A_152 = tpu.sem_alloc : memref<!tpu.dma_semaphore, #tpu.memory_space<semaphore_mem>>
      %dma_start3A_153 = arith.constant 0 : i32
      %dma_start3A_154 = tpu.memref_slice %arg9[%run_scoped3A_109, %dma_start3A_153] : memref<40x128xi32, #tpu.memory_space<vmem>> -> memref<1x128xi32, #tpu.memory_space<vmem>>
      %dma_start3A_155 = tpu.memref_squeeze %dma_start3A_154 : memref<1x128xi32, #tpu.memory_space<vmem>> -> memref<128xi32, #tpu.memory_space<vmem>>
      %dma_start3A_156 = arith.constant 0 : i32
      %dma_start3A_157 = arith.constant 0 : i32
      %dma_start3A_158 = tpu.memref_slice %arg7[%dma_start3A_156, %dma_start3A_157] : memref<10240x128xf32, #tpu.memory_space<vmem_shared>> -> memref<10240x128xf32, #tpu.memory_space<vmem_shared>>
      tpu.enqueue_indirect_dma source(%arg11 : memref<128x128xf32, #tpu.memory_space<vmem>>) target(%dma_start3A_158 : memref<10240x128xf32, #tpu.memory_space<vmem_shared>>) offsets(%dma_start3A_155 : memref<128xi32, #tpu.memory_space<vmem>>) semaphore(%run_scoped3A_152 : memref<!tpu.dma_semaphore, #tpu.memory_space<semaphore_mem>>) {add = true}
      %dma_wait3A_159 = arith.constant 0 : i32
      %dma_wait3A_160 = tpu.memref_slice %arg9[%run_scoped3A_109, %dma_wait3A_159] : memref<40x128xi32, #tpu.memory_space<vmem>> -> memref<1x128xi32, #tpu.memory_space<vmem>>
      %dma_wait3A_161 = tpu.memref_squeeze %dma_wait3A_160 : memref<1x128xi32, #tpu.memory_space<vmem>> -> memref<128xi32, #tpu.memory_space<vmem>>
      %dma_wait3A_162 = arith.constant 0 : i32
      %dma_wait3A_163 = arith.constant 0 : i32
      %dma_wait3A_164 = tpu.memref_slice %arg7[%dma_wait3A_162, %dma_wait3A_163] : memref<10240x128xf32, #tpu.memory_space<vmem_shared>> -> memref<10240x128xf32, #tpu.memory_space<vmem_shared>>
      tpu.wait_indirect_dma semaphore(%run_scoped3A_152 : memref<!tpu.dma_semaphore, #tpu.memory_space<semaphore_mem>>) src(%arg11 : memref<128x128xf32, #tpu.memory_space<vmem>>) dst(%dma_wait3A_164 : memref<10240x128xf32, #tpu.memory_space<vmem_shared>>)
      tpu.yield
    }) : () -> ()
    %add3A_110 = arith.constant 120 : i32
    %add3A_111 = arith.addi %mul3A_5, %add3A_110 : i32
    "tpu.region"() ({
      %run_scoped3A_152 = tpu.sem_alloc : memref<!tpu.dma_semaphore, #tpu.memory_space<semaphore_mem>>
      %dma_start3A_153 = arith.constant 0 : i32
      %dma_start3A_154 = tpu.memref_slice %arg4[%arg0, %add3A_111, %dma_start3A_153] : memref<2x2560x128xi32, #tpu.memory_space<hbm>> -> memref<1x40x128xi32, #tpu.memory_space<hbm>>
      %dma_start3A_155 = tpu.memref_squeeze %dma_start3A_154 : memref<1x40x128xi32, #tpu.memory_space<hbm>> -> memref<40x128xi32, #tpu.memory_space<hbm>>
      %dma_start3A_156 = arith.constant 0 : i32
      %dma_start3A_157 = tpu.memref_slice %arg4[%arg0, %add3A_111, %dma_start3A_156] : memref<2x2560x128xi32, #tpu.memory_space<hbm>> -> memref<1x40x128xi32, #tpu.memory_space<hbm>>
      %dma_start3A_158 = tpu.memref_squeeze %dma_start3A_157 : memref<1x40x128xi32, #tpu.memory_space<hbm>> -> memref<40x128xi32, #tpu.memory_space<hbm>>
      tpu.enqueue_dma source(%dma_start3A_158 : memref<40x128xi32, #tpu.memory_space<hbm>>) target(%arg8 : memref<40x128xi32, #tpu.memory_space<vmem>>) target_semaphore(%run_scoped3A_152 : memref<!tpu.dma_semaphore, #tpu.memory_space<semaphore_mem>>)
      %dma_wait3A_159 = arith.constant 0 : i32
      %dma_wait3A_160 = tpu.memref_slice %arg4[%arg0, %add3A_111, %dma_wait3A_159] : memref<2x2560x128xi32, #tpu.memory_space<hbm>> -> memref<1x40x128xi32, #tpu.memory_space<hbm>>
      %dma_wait3A_161 = tpu.memref_squeeze %dma_wait3A_160 : memref<1x40x128xi32, #tpu.memory_space<hbm>> -> memref<40x128xi32, #tpu.memory_space<hbm>>
      %dma_wait3A_162 = arith.constant 0 : i32
      %dma_wait3A_163 = tpu.memref_slice %arg4[%arg0, %add3A_111, %dma_wait3A_162] : memref<2x2560x128xi32, #tpu.memory_space<hbm>> -> memref<1x40x128xi32, #tpu.memory_space<hbm>>
      %dma_wait3A_164 = tpu.memref_squeeze %dma_wait3A_163 : memref<1x40x128xi32, #tpu.memory_space<hbm>> -> memref<40x128xi32, #tpu.memory_space<hbm>>
      tpu.wait_dma2 semaphore(%run_scoped3A_152 : memref<!tpu.dma_semaphore, #tpu.memory_space<semaphore_mem>>) src(%dma_wait3A_164 : memref<40x128xi32, #tpu.memory_space<hbm>>) dst(%arg8 : memref<40x128xi32, #tpu.memory_space<vmem>>)
      tpu.yield
    }) : () -> ()
    "tpu.region"() ({
      %run_scoped3A_152 = tpu.sem_alloc : memref<!tpu.dma_semaphore, #tpu.memory_space<semaphore_mem>>
      %dma_start3A_153 = arith.constant 0 : i32
      %dma_start3A_154 = tpu.memref_slice %arg5[%add3A_111, %dma_start3A_153] : memref<2560x128xi32, #tpu.memory_space<hbm>> -> memref<40x128xi32, #tpu.memory_space<hbm>>
      %dma_start3A_155 = arith.constant 0 : i32
      %dma_start3A_156 = tpu.memref_slice %arg5[%add3A_111, %dma_start3A_155] : memref<2560x128xi32, #tpu.memory_space<hbm>> -> memref<40x128xi32, #tpu.memory_space<hbm>>
      tpu.enqueue_dma source(%dma_start3A_156 : memref<40x128xi32, #tpu.memory_space<hbm>>) target(%arg9 : memref<40x128xi32, #tpu.memory_space<vmem>>) target_semaphore(%run_scoped3A_152 : memref<!tpu.dma_semaphore, #tpu.memory_space<semaphore_mem>>)
      %dma_wait3A_157 = arith.constant 0 : i32
      %dma_wait3A_158 = tpu.memref_slice %arg5[%add3A_111, %dma_wait3A_157] : memref<2560x128xi32, #tpu.memory_space<hbm>> -> memref<40x128xi32, #tpu.memory_space<hbm>>
      %dma_wait3A_159 = arith.constant 0 : i32
      %dma_wait3A_160 = tpu.memref_slice %arg5[%add3A_111, %dma_wait3A_159] : memref<2560x128xi32, #tpu.memory_space<hbm>> -> memref<40x128xi32, #tpu.memory_space<hbm>>
      tpu.wait_dma2 semaphore(%run_scoped3A_152 : memref<!tpu.dma_semaphore, #tpu.memory_space<semaphore_mem>>) src(%dma_wait3A_160 : memref<40x128xi32, #tpu.memory_space<hbm>>) dst(%arg9 : memref<40x128xi32, #tpu.memory_space<vmem>>)
      tpu.yield
    }) : () -> ()
    %dma_start3A_112 = arith.constant 0 : i32
    %dma_start3A_113 = arith.constant 0 : i32
    %dma_start3A_114 = tpu.memref_slice %arg8[%dma_start3A_112, %dma_start3A_113] : memref<40x128xi32, #tpu.memory_space<vmem>> -> memref<1x128xi32, #tpu.memory_space<vmem>>
    %dma_start3A_115 = tpu.memref_squeeze %dma_start3A_114 : memref<1x128xi32, #tpu.memory_space<vmem>> -> memref<128xi32, #tpu.memory_space<vmem>>
    %dma_start3A_116 = arith.constant 0 : i32
    %dma_start3A_117 = arith.constant 0 : i32
    %dma_start3A_118 = tpu.memref_slice %arg3[%dma_start3A_116, %dma_start3A_117] : memref<20000x128xf32, #tpu.memory_space<hbm>> -> memref<20000x128xf32, #tpu.memory_space<hbm>>
    tpu.enqueue_indirect_dma source(%dma_start3A_118 : memref<20000x128xf32, #tpu.memory_space<hbm>>) target(%arg10 : memref<128x128xf32, #tpu.memory_space<vmem>>) offsets(%dma_start3A_115 : memref<128xi32, #tpu.memory_space<vmem>>) semaphore(%arg12 : memref<!tpu.dma_semaphore, #tpu.memory_space<semaphore_mem>>)
    %dma_start3A_119 = arith.constant 1 : i32
    %dma_start3A_120 = arith.constant 0 : i32
    %dma_start3A_121 = tpu.memref_slice %arg8[%dma_start3A_119, %dma_start3A_120] : memref<40x128xi32, #tpu.memory_space<vmem>> -> memref<1x128xi32, #tpu.memory_space<vmem>>
    %dma_start3A_122 = tpu.memref_squeeze %dma_start3A_121 : memref<1x128xi32, #tpu.memory_space<vmem>> -> memref<128xi32, #tpu.memory_space<vmem>>
    %dma_start3A_123 = arith.constant 0 : i32
    %dma_start3A_124 = arith.constant 0 : i32
    %dma_start3A_125 = tpu.memref_slice %arg3[%dma_start3A_123, %dma_start3A_124] : memref<20000x128xf32, #tpu.memory_space<hbm>> -> memref<20000x128xf32, #tpu.memory_space<hbm>>
    tpu.enqueue_indirect_dma source(%dma_start3A_125 : memref<20000x128xf32, #tpu.memory_space<hbm>>) target(%arg11 : memref<128x128xf32, #tpu.memory_space<vmem>>) offsets(%dma_start3A_122 : memref<128xi32, #tpu.memory_space<vmem>>) semaphore(%arg13 : memref<!tpu.dma_semaphore, #tpu.memory_space<semaphore_mem>>)
    %scan3A_126 = arith.constant 0 : i32
    %scan3A_127 = arith.constant 0 : i32
    %scan3A_128 = arith.constant 19 : i32
    %scan3A_129 = arith.addi %scan3A_127, %scan3A_128 : i32
    %scan3A_130 = arith.constant 1 : i32
    scf.for %scan3A_152 = %scan3A_127 to %scan3A_129 step %scan3A_130  : i32 {
      %mul3A_153 = arith.constant 2 : i32
      %mul3A_154 = arith.muli %scan3A_152, %mul3A_153 : i32
      %dma_wait3A_155 = arith.constant 0 : i32
      %dma_wait3A_156 = arith.constant 0 : i32
      %dma_wait3A_157 = tpu.memref_slice %arg3[%dma_wait3A_155, %dma_wait3A_156] : memref<20000x128xf32, #tpu.memory_space<hbm>> -> memref<128x128xf32, #tpu.memory_space<hbm>>
      %dma_wait3A_158 = arith.constant 0 : i32
      %dma_wait3A_159 = arith.constant 0 : i32
      %dma_wait3A_160 = tpu.memref_slice %arg3[%dma_wait3A_158, %dma_wait3A_159] : memref<20000x128xf32, #tpu.memory_space<hbm>> -> memref<128x128xf32, #tpu.memory_space<hbm>>
      tpu.wait_dma2 semaphore(%arg12 : memref<!tpu.dma_semaphore, #tpu.memory_space<semaphore_mem>>) src(%dma_wait3A_160 : memref<128x128xf32, #tpu.memory_space<hbm>>) dst(%arg10 : memref<128x128xf32, #tpu.memory_space<vmem>>)
      %add3A_161 = arith.constant 0 : i32
      %add3A_162 = arith.addi %mul3A_154, %add3A_161 : i32
      "tpu.region"() ({
        %run_scoped3A_191 = tpu.sem_alloc : memref<!tpu.dma_semaphore, #tpu.memory_space<semaphore_mem>>
        %dma_start3A_192 = arith.constant 0 : i32
        %dma_start3A_193 = tpu.memref_slice %arg9[%add3A_162, %dma_start3A_192] : memref<40x128xi32, #tpu.memory_space<vmem>> -> memref<1x128xi32, #tpu.memory_space<vmem>>
        %dma_start3A_194 = tpu.memref_squeeze %dma_start3A_193 : memref<1x128xi32, #tpu.memory_space<vmem>> -> memref<128xi32, #tpu.memory_space<vmem>>
        %dma_start3A_195 = arith.constant 0 : i32
        %dma_start3A_196 = arith.constant 0 : i32
        %dma_start3A_197 = tpu.memref_slice %arg7[%dma_start3A_195, %dma_start3A_196] : memref<10240x128xf32, #tpu.memory_space<vmem_shared>> -> memref<10240x128xf32, #tpu.memory_space<vmem_shared>>
        tpu.enqueue_indirect_dma source(%arg10 : memref<128x128xf32, #tpu.memory_space<vmem>>) target(%dma_start3A_197 : memref<10240x128xf32, #tpu.memory_space<vmem_shared>>) offsets(%dma_start3A_194 : memref<128xi32, #tpu.memory_space<vmem>>) semaphore(%run_scoped3A_191 : memref<!tpu.dma_semaphore, #tpu.memory_space<semaphore_mem>>) {add = true}
        %dma_wait3A_198 = arith.constant 0 : i32
        %dma_wait3A_199 = tpu.memref_slice %arg9[%add3A_162, %dma_wait3A_198] : memref<40x128xi32, #tpu.memory_space<vmem>> -> memref<1x128xi32, #tpu.memory_space<vmem>>
        %dma_wait3A_200 = tpu.memref_squeeze %dma_wait3A_199 : memref<1x128xi32, #tpu.memory_space<vmem>> -> memref<128xi32, #tpu.memory_space<vmem>>
        %dma_wait3A_201 = arith.constant 0 : i32
        %dma_wait3A_202 = arith.constant 0 : i32
        %dma_wait3A_203 = tpu.memref_slice %arg7[%dma_wait3A_201, %dma_wait3A_202] : memref<10240x128xf32, #tpu.memory_space<vmem_shared>> -> memref<10240x128xf32, #tpu.memory_space<vmem_shared>>
        tpu.wait_indirect_dma semaphore(%run_scoped3A_191 : memref<!tpu.dma_semaphore, #tpu.memory_space<semaphore_mem>>) src(%arg10 : memref<128x128xf32, #tpu.memory_space<vmem>>) dst(%dma_wait3A_203 : memref<10240x128xf32, #tpu.memory_space<vmem_shared>>)
        tpu.yield
      }) : () -> ()
      %add3A_163 = arith.constant 2 : i32
      %add3A_164 = arith.addi %mul3A_154, %add3A_163 : i32
      %add3A_165 = arith.constant 0 : i32
      %add3A_166 = arith.addi %add3A_164, %add3A_165 : i32
      %dma_start3A_167 = arith.constant 0 : i32
      %dma_start3A_168 = tpu.memref_slice %arg8[%add3A_166, %dma_start3A_167] : memref<40x128xi32, #tpu.memory_space<vmem>> -> memref<1x128xi32, #tpu.memory_space<vmem>>
      %dma_start3A_169 = tpu.memref_squeeze %dma_start3A_168 : memref<1x128xi32, #tpu.memory_space<vmem>> -> memref<128xi32, #tpu.memory_space<vmem>>
      %dma_start3A_170 = arith.constant 0 : i32
      %dma_start3A_171 = arith.constant 0 : i32
      %dma_start3A_172 = tpu.memref_slice %arg3[%dma_start3A_170, %dma_start3A_171] : memref<20000x128xf32, #tpu.memory_space<hbm>> -> memref<20000x128xf32, #tpu.memory_space<hbm>>
      tpu.enqueue_indirect_dma source(%dma_start3A_172 : memref<20000x128xf32, #tpu.memory_space<hbm>>) target(%arg10 : memref<128x128xf32, #tpu.memory_space<vmem>>) offsets(%dma_start3A_169 : memref<128xi32, #tpu.memory_space<vmem>>) semaphore(%arg12 : memref<!tpu.dma_semaphore, #tpu.memory_space<semaphore_mem>>)
      %dma_wait3A_173 = arith.constant 0 : i32
      %dma_wait3A_174 = arith.constant 0 : i32
      %dma_wait3A_175 = tpu.memref_slice %arg3[%dma_wait3A_173, %dma_wait3A_174] : memref<20000x128xf32, #tpu.memory_space<hbm>> -> memref<128x128xf32, #tpu.memory_space<hbm>>
      %dma_wait3A_176 = arith.constant 0 : i32
      %dma_wait3A_177 = arith.constant 0 : i32
      %dma_wait3A_178 = tpu.memref_slice %arg3[%dma_wait3A_176, %dma_wait3A_177] : memref<20000x128xf32, #tpu.memory_space<hbm>> -> memref<128x128xf32, #tpu.memory_space<hbm>>
      tpu.wait_dma2 semaphore(%arg13 : memref<!tpu.dma_semaphore, #tpu.memory_space<semaphore_mem>>) src(%dma_wait3A_178 : memref<128x128xf32, #tpu.memory_space<hbm>>) dst(%arg11 : memref<128x128xf32, #tpu.memory_space<vmem>>)
      %add3A_179 = arith.constant 1 : i32
      %add3A_180 = arith.addi %mul3A_154, %add3A_179 : i32
      "tpu.region"() ({
        %run_scoped3A_191 = tpu.sem_alloc : memref<!tpu.dma_semaphore, #tpu.memory_space<semaphore_mem>>
        %dma_start3A_192 = arith.constant 0 : i32
        %dma_start3A_193 = tpu.memref_slice %arg9[%add3A_180, %dma_start3A_192] : memref<40x128xi32, #tpu.memory_space<vmem>> -> memref<1x128xi32, #tpu.memory_space<vmem>>
        %dma_start3A_194 = tpu.memref_squeeze %dma_start3A_193 : memref<1x128xi32, #tpu.memory_space<vmem>> -> memref<128xi32, #tpu.memory_space<vmem>>
        %dma_start3A_195 = arith.constant 0 : i32
        %dma_start3A_196 = arith.constant 0 : i32
        %dma_start3A_197 = tpu.memref_slice %arg7[%dma_start3A_195, %dma_start3A_196] : memref<10240x128xf32, #tpu.memory_space<vmem_shared>> -> memref<10240x128xf32, #tpu.memory_space<vmem_shared>>
        tpu.enqueue_indirect_dma source(%arg11 : memref<128x128xf32, #tpu.memory_space<vmem>>) target(%dma_start3A_197 : memref<10240x128xf32, #tpu.memory_space<vmem_shared>>) offsets(%dma_start3A_194 : memref<128xi32, #tpu.memory_space<vmem>>) semaphore(%run_scoped3A_191 : memref<!tpu.dma_semaphore, #tpu.memory_space<semaphore_mem>>) {add = true}
        %dma_wait3A_198 = arith.constant 0 : i32
        %dma_wait3A_199 = tpu.memref_slice %arg9[%add3A_180, %dma_wait3A_198] : memref<40x128xi32, #tpu.memory_space<vmem>> -> memref<1x128xi32, #tpu.memory_space<vmem>>
        %dma_wait3A_200 = tpu.memref_squeeze %dma_wait3A_199 : memref<1x128xi32, #tpu.memory_space<vmem>> -> memref<128xi32, #tpu.memory_space<vmem>>
        %dma_wait3A_201 = arith.constant 0 : i32
        %dma_wait3A_202 = arith.constant 0 : i32
        %dma_wait3A_203 = tpu.memref_slice %arg7[%dma_wait3A_201, %dma_wait3A_202] : memref<10240x128xf32, #tpu.memory_space<vmem_shared>> -> memref<10240x128xf32, #tpu.memory_space<vmem_shared>>
        tpu.wait_indirect_dma semaphore(%run_scoped3A_191 : memref<!tpu.dma_semaphore, #tpu.memory_space<semaphore_mem>>) src(%arg11 : memref<128x128xf32, #tpu.memory_space<vmem>>) dst(%dma_wait3A_203 : memref<10240x128xf32, #tpu.memory_space<vmem_shared>>)
        tpu.yield
      }) : () -> ()
      %add3A_181 = arith.constant 2 : i32
      %add3A_182 = arith.addi %mul3A_154, %add3A_181 : i32
      %add3A_183 = arith.constant 1 : i32
      %add3A_184 = arith.addi %add3A_182, %add3A_183 : i32
      %dma_start3A_185 = arith.constant 0 : i32
      %dma_start3A_186 = tpu.memref_slice %arg8[%add3A_184, %dma_start3A_185] : memref<40x128xi32, #tpu.memory_space<vmem>> -> memref<1x128xi32, #tpu.memory_space<vmem>>
      %dma_start3A_187 = tpu.memref_squeeze %dma_start3A_186 : memref<1x128xi32, #tpu.memory_space<vmem>> -> memref<128xi32, #tpu.memory_space<vmem>>
      %dma_start3A_188 = arith.constant 0 : i32
      %dma_start3A_189 = arith.constant 0 : i32
      %dma_start3A_190 = tpu.memref_slice %arg3[%dma_start3A_188, %dma_start3A_189] : memref<20000x128xf32, #tpu.memory_space<hbm>> -> memref<20000x128xf32, #tpu.memory_space<hbm>>
      tpu.enqueue_indirect_dma source(%dma_start3A_190 : memref<20000x128xf32, #tpu.memory_space<hbm>>) target(%arg11 : memref<128x128xf32, #tpu.memory_space<vmem>>) offsets(%dma_start3A_187 : memref<128xi32, #tpu.memory_space<vmem>>) semaphore(%arg13 : memref<!tpu.dma_semaphore, #tpu.memory_space<semaphore_mem>>)
    }
    %scan3A_131 = arith.constant 19 : i32
    %dma_wait3A_132 = arith.constant 0 : i32
    %dma_wait3A_133 = arith.constant 0 : i32
    %dma_wait3A_134 = tpu.memref_slice %arg3[%dma_wait3A_132, %dma_wait3A_133] : memref<20000x128xf32, #tpu.memory_space<hbm>> -> memref<128x128xf32, #tpu.memory_space<hbm>>
    %dma_wait3A_135 = arith.constant 0 : i32
    %dma_wait3A_136 = arith.constant 0 : i32
    %dma_wait3A_137 = tpu.memref_slice %arg3[%dma_wait3A_135, %dma_wait3A_136] : memref<20000x128xf32, #tpu.memory_space<hbm>> -> memref<128x128xf32, #tpu.memory_space<hbm>>
    tpu.wait_dma2 semaphore(%arg12 : memref<!tpu.dma_semaphore, #tpu.memory_space<semaphore_mem>>) src(%dma_wait3A_137 : memref<128x128xf32, #tpu.memory_space<hbm>>) dst(%arg10 : memref<128x128xf32, #tpu.memory_space<vmem>>)
    %run_scoped3A_138 = arith.constant 38 : i32
    "tpu.region"() ({
      %run_scoped3A_152 = tpu.sem_alloc : memref<!tpu.dma_semaphore, #tpu.memory_space<semaphore_mem>>
      %dma_start3A_153 = arith.constant 0 : i32
      %dma_start3A_154 = tpu.memref_slice %arg9[%run_scoped3A_138, %dma_start3A_153] : memref<40x128xi32, #tpu.memory_space<vmem>> -> memref<1x128xi32, #tpu.memory_space<vmem>>
      %dma_start3A_155 = tpu.memref_squeeze %dma_start3A_154 : memref<1x128xi32, #tpu.memory_space<vmem>> -> memref<128xi32, #tpu.memory_space<vmem>>
      %dma_start3A_156 = arith.constant 0 : i32
      %dma_start3A_157 = arith.constant 0 : i32
      %dma_start3A_158 = tpu.memref_slice %arg7[%dma_start3A_156, %dma_start3A_157] : memref<10240x128xf32, #tpu.memory_space<vmem_shared>> -> memref<10240x128xf32, #tpu.memory_space<vmem_shared>>
      tpu.enqueue_indirect_dma source(%arg10 : memref<128x128xf32, #tpu.memory_space<vmem>>) target(%dma_start3A_158 : memref<10240x128xf32, #tpu.memory_space<vmem_shared>>) offsets(%dma_start3A_155 : memref<128xi32, #tpu.memory_space<vmem>>) semaphore(%run_scoped3A_152 : memref<!tpu.dma_semaphore, #tpu.memory_space<semaphore_mem>>) {add = true}
      %dma_wait3A_159 = arith.constant 0 : i32
      %dma_wait3A_160 = tpu.memref_slice %arg9[%run_scoped3A_138, %dma_wait3A_159] : memref<40x128xi32, #tpu.memory_space<vmem>> -> memref<1x128xi32, #tpu.memory_space<vmem>>
      %dma_wait3A_161 = tpu.memref_squeeze %dma_wait3A_160 : memref<1x128xi32, #tpu.memory_space<vmem>> -> memref<128xi32, #tpu.memory_space<vmem>>
      %dma_wait3A_162 = arith.constant 0 : i32
      %dma_wait3A_163 = arith.constant 0 : i32
      %dma_wait3A_164 = tpu.memref_slice %arg7[%dma_wait3A_162, %dma_wait3A_163] : memref<10240x128xf32, #tpu.memory_space<vmem_shared>> -> memref<10240x128xf32, #tpu.memory_space<vmem_shared>>
      tpu.wait_indirect_dma semaphore(%run_scoped3A_152 : memref<!tpu.dma_semaphore, #tpu.memory_space<semaphore_mem>>) src(%arg10 : memref<128x128xf32, #tpu.memory_space<vmem>>) dst(%dma_wait3A_164 : memref<10240x128xf32, #tpu.memory_space<vmem_shared>>)
      tpu.yield
    }) : () -> ()
    %dma_wait3A_139 = arith.constant 0 : i32
    %dma_wait3A_140 = arith.constant 0 : i32
    %dma_wait3A_141 = tpu.memref_slice %arg3[%dma_wait3A_139, %dma_wait3A_140] : memref<20000x128xf32, #tpu.memory_space<hbm>> -> memref<128x128xf32, #tpu.memory_space<hbm>>
    %dma_wait3A_142 = arith.constant 0 : i32
    %dma_wait3A_143 = arith.constant 0 : i32
    %dma_wait3A_144 = tpu.memref_slice %arg3[%dma_wait3A_142, %dma_wait3A_143] : memref<20000x128xf32, #tpu.memory_space<hbm>> -> memref<128x128xf32, #tpu.memory_space<hbm>>
    tpu.wait_dma2 semaphore(%arg13 : memref<!tpu.dma_semaphore, #tpu.memory_space<semaphore_mem>>) src(%dma_wait3A_144 : memref<128x128xf32, #tpu.memory_space<hbm>>) dst(%arg11 : memref<128x128xf32, #tpu.memory_space<vmem>>)
    %run_scoped3A_145 = arith.constant 39 : i32
    "tpu.region"() ({
      %run_scoped3A_152 = tpu.sem_alloc : memref<!tpu.dma_semaphore, #tpu.memory_space<semaphore_mem>>
      %dma_start3A_153 = arith.constant 0 : i32
      %dma_start3A_154 = tpu.memref_slice %arg9[%run_scoped3A_145, %dma_start3A_153] : memref<40x128xi32, #tpu.memory_space<vmem>> -> memref<1x128xi32, #tpu.memory_space<vmem>>
      %dma_start3A_155 = tpu.memref_squeeze %dma_start3A_154 : memref<1x128xi32, #tpu.memory_space<vmem>> -> memref<128xi32, #tpu.memory_space<vmem>>
      %dma_start3A_156 = arith.constant 0 : i32
      %dma_start3A_157 = arith.constant 0 : i32
      %dma_start3A_158 = tpu.memref_slice %arg7[%dma_start3A_156, %dma_start3A_157] : memref<10240x128xf32, #tpu.memory_space<vmem_shared>> -> memref<10240x128xf32, #tpu.memory_space<vmem_shared>>
      tpu.enqueue_indirect_dma source(%arg11 : memref<128x128xf32, #tpu.memory_space<vmem>>) target(%dma_start3A_158 : memref<10240x128xf32, #tpu.memory_space<vmem_shared>>) offsets(%dma_start3A_155 : memref<128xi32, #tpu.memory_space<vmem>>) semaphore(%run_scoped3A_152 : memref<!tpu.dma_semaphore, #tpu.memory_space<semaphore_mem>>) {add = true}
      %dma_wait3A_159 = arith.constant 0 : i32
      %dma_wait3A_160 = tpu.memref_slice %arg9[%run_scoped3A_145, %dma_wait3A_159] : memref<40x128xi32, #tpu.memory_space<vmem>> -> memref<1x128xi32, #tpu.memory_space<vmem>>
      %dma_wait3A_161 = tpu.memref_squeeze %dma_wait3A_160 : memref<1x128xi32, #tpu.memory_space<vmem>> -> memref<128xi32, #tpu.memory_space<vmem>>
      %dma_wait3A_162 = arith.constant 0 : i32
      %dma_wait3A_163 = arith.constant 0 : i32
      %dma_wait3A_164 = tpu.memref_slice %arg7[%dma_wait3A_162, %dma_wait3A_163] : memref<10240x128xf32, #tpu.memory_space<vmem_shared>> -> memref<10240x128xf32, #tpu.memory_space<vmem_shared>>
      tpu.wait_indirect_dma semaphore(%run_scoped3A_152 : memref<!tpu.dma_semaphore, #tpu.memory_space<semaphore_mem>>) src(%arg11 : memref<128x128xf32, #tpu.memory_space<vmem>>) dst(%dma_wait3A_164 : memref<10240x128xf32, #tpu.memory_space<vmem_shared>>)
      tpu.yield
    }) : () -> ()
    %barrier3A = arith.constant 0 : index
    tpu.barrier barrier_id(%barrier3A)
    %scan3A_146 = arith.constant 0 : i32
    %scan3A_147 = arith.constant 0 : i32
    %scan3A_148 = arith.constant 5 : i32
    %scan3A_149 = arith.addi %scan3A_147, %scan3A_148 : i32
    %scan3A_150 = arith.constant 1 : i32
    scf.for %scan3A_152 = %scan3A_147 to %scan3A_149 step %scan3A_150  : i32 {
      %mul3A_153 = arith.constant 640 : i32
      %mul3A_154 = arith.muli %arg1, %mul3A_153 : i32
      %mul3A_155 = arith.constant 128 : i32
      %mul3A_156 = arith.muli %scan3A_152, %mul3A_155 : i32
      %add3A_157 = arith.addi %mul3A_154, %mul3A_156 : i32
      "tpu.region"() ({
        %run_scoped3A_158 = tpu.sem_alloc : memref<!tpu.dma_semaphore, #tpu.memory_space<semaphore_mem>>
        %dma_start3A_159 = arith.constant 0 : i32
        %dma_start3A_160 = tpu.memref_slice %arg7[%add3A_157, %dma_start3A_159] : memref<10240x128xf32, #tpu.memory_space<vmem_shared>> -> memref<128x128xf32, #tpu.memory_space<vmem_shared>>
        %dma_start3A_161 = arith.constant 0 : i32
        %dma_start3A_162 = tpu.memref_slice %arg7[%add3A_157, %dma_start3A_161] : memref<10240x128xf32, #tpu.memory_space<vmem_shared>> -> memref<128x128xf32, #tpu.memory_space<vmem_shared>>
        tpu.enqueue_dma source(%dma_start3A_162 : memref<128x128xf32, #tpu.memory_space<vmem_shared>>) target(%arg10 : memref<128x128xf32, #tpu.memory_space<vmem>>) target_semaphore(%run_scoped3A_158 : memref<!tpu.dma_semaphore, #tpu.memory_space<semaphore_mem>>)
        %dma_wait3A_163 = arith.constant 0 : i32
        %dma_wait3A_164 = tpu.memref_slice %arg7[%add3A_157, %dma_wait3A_163] : memref<10240x128xf32, #tpu.memory_space<vmem_shared>> -> memref<128x128xf32, #tpu.memory_space<vmem_shared>>
        %dma_wait3A_165 = arith.constant 0 : i32
        %dma_wait3A_166 = tpu.memref_slice %arg7[%add3A_157, %dma_wait3A_165] : memref<10240x128xf32, #tpu.memory_space<vmem_shared>> -> memref<128x128xf32, #tpu.memory_space<vmem_shared>>
        tpu.wait_dma2 semaphore(%run_scoped3A_158 : memref<!tpu.dma_semaphore, #tpu.memory_space<semaphore_mem>>) src(%dma_wait3A_166 : memref<128x128xf32, #tpu.memory_space<vmem_shared>>) dst(%arg10 : memref<128x128xf32, #tpu.memory_space<vmem>>)
        tpu.yield
      }) : () -> ()
      "tpu.region"() ({
        %run_scoped3A_158 = tpu.sem_alloc : memref<!tpu.dma_semaphore, #tpu.memory_space<semaphore_mem>>
        %dma_start3A_159 = arith.constant 0 : i32
        %dma_start3A_160 = tpu.memref_slice %arg6[%arg0, %add3A_157, %dma_start3A_159] : memref<2x10240x128xf32, #tpu.memory_space<hbm>> -> memref<1x128x128xf32, #tpu.memory_space<hbm>>
        %dma_start3A_161 = tpu.memref_squeeze %dma_start3A_160 : memref<1x128x128xf32, #tpu.memory_space<hbm>> -> memref<128x128xf32, #tpu.memory_space<hbm>>
        %dma_start3A_162 = arith.constant 0 : i32
        %dma_start3A_163 = tpu.memref_slice %arg6[%arg0, %add3A_157, %dma_start3A_162] : memref<2x10240x128xf32, #tpu.memory_space<hbm>> -> memref<1x128x128xf32, #tpu.memory_space<hbm>>
        %dma_start3A_164 = tpu.memref_squeeze %dma_start3A_163 : memref<1x128x128xf32, #tpu.memory_space<hbm>> -> memref<128x128xf32, #tpu.memory_space<hbm>>
        tpu.enqueue_dma source(%arg10 : memref<128x128xf32, #tpu.memory_space<vmem>>) target(%dma_start3A_164 : memref<128x128xf32, #tpu.memory_space<hbm>>) target_semaphore(%run_scoped3A_158 : memref<!tpu.dma_semaphore, #tpu.memory_space<semaphore_mem>>)
        %dma_wait3A_165 = arith.constant 0 : i32
        %dma_wait3A_166 = tpu.memref_slice %arg6[%arg0, %add3A_157, %dma_wait3A_165] : memref<2x10240x128xf32, #tpu.memory_space<hbm>> -> memref<1x128x128xf32, #tpu.memory_space<hbm>>
        %dma_wait3A_167 = tpu.memref_squeeze %dma_wait3A_166 : memref<1x128x128xf32, #tpu.memory_space<hbm>> -> memref<128x128xf32, #tpu.memory_space<hbm>>
        %dma_wait3A_168 = arith.constant 0 : i32
        %dma_wait3A_169 = tpu.memref_slice %arg6[%arg0, %add3A_157, %dma_wait3A_168] : memref<2x10240x128xf32, #tpu.memory_space<hbm>> -> memref<1x128x128xf32, #tpu.memory_space<hbm>>
        %dma_wait3A_170 = tpu.memref_squeeze %dma_wait3A_169 : memref<1x128x128xf32, #tpu.memory_space<hbm>> -> memref<128x128xf32, #tpu.memory_space<hbm>>
        tpu.wait_dma2 semaphore(%run_scoped3A_158 : memref<!tpu.dma_semaphore, #tpu.memory_space<semaphore_mem>>) src(%arg10 : memref<128x128xf32, #tpu.memory_space<vmem>>) dst(%dma_wait3A_170 : memref<128x128xf32, #tpu.memory_space<hbm>>)
        tpu.yield
      }) : () -> ()
    }
    %scan3A_151 = arith.constant 5 : i32
    return
  }
}

module attributes {stable_mosaic.version = 14 : i64} {
  func.func @_tc0_body(%arg0: i32, %arg1: memref<2000x128xf32, #tpu.memory_space<vmem>>, %arg2: memref<2000x128xf32, #tpu.memory_space<vmem>>, %arg3: memref<128x128xf32, #tpu.memory_space<vmem>>, %arg4: memref<128x128xf32, #tpu.memory_space<vmem>>, %arg5: memref<2000x128xf32, #tpu.memory_space<vmem>>, %arg6: memref<2000x128xf32, #tpu.memory_space<vmem>>) attributes {dimension_semantics = [#tpu.dimension_semantics<arbitrary>], iteration_bounds = array<i64: 5>, scalar_prefetch = 0 : i64, scratch_operands = 0 : i64, tpu.core_type = #tpu.core_type<tc>, window_params = [{transform_indices = @transform_0, window_bounds = array<i64: 2000, 128>}, {transform_indices = @transform_1, window_bounds = array<i64: 2000, 128>}, {pipeline_mode = #tpu.pipeline_mode<synchronous>, transform_indices = @transform_2, window_bounds = array<i64: 128, 128>}, {pipeline_mode = #tpu.pipeline_mode<synchronous>, transform_indices = @transform_3, window_bounds = array<i64: 128, 128>}, {transform_indices = @transform_4, window_bounds = array<i64: 2000, 128>}, {transform_indices = @transform_5, window_bounds = array<i64: 2000, 128>}]} {
    %get3A = arith.constant 0 : index
    %get3A_0 = arith.constant 0 : index
    %get3A_1 = vector.load %arg1[%get3A, %get3A_0] : memref<2000x128xf32, #tpu.memory_space<vmem>>, vector<2000x128xf32>
    %get3A_2 = arith.constant 0 : index
    %get3A_3 = arith.constant 0 : index
    %get3A_4 = vector.load %arg3[%get3A_2, %get3A_3] : memref<128x128xf32, #tpu.memory_space<vmem>>, vector<128x128xf32>
    %dot_general3A = arith.constant dense<0.000000e+00> : vector<2000x128xf32>
    %dot_general3A_5 = tpu.matmul %get3A_1, %get3A_4, %dot_general3A {dimension_numbers = #tpu.dot_dimension_numbers<[1], [0], [0], [1], [0, 0, 1, 1], [], []>, transpose_lhs_hint = false} : vector<2000x128xf32>, vector<128x128xf32>, vector<2000x128xf32> -> vector<2000x128xf32>
    %swap3A = arith.constant 0 : index
    %swap3A_6 = arith.constant 0 : index
    %swap3A_7 = vector.load %arg5[%swap3A, %swap3A_6] : memref<2000x128xf32, #tpu.memory_space<vmem>>, vector<2000x128xf32>
    tpu.vector_store %arg5[%swap3A, %swap3A_6], %dot_general3A_5 {strides = array<i32>} : memref<2000x128xf32, #tpu.memory_space<vmem>>, vector<2000x128xf32>,
    %get3A_8 = arith.constant 0 : index
    %get3A_9 = arith.constant 0 : index
    %get3A_10 = vector.load %arg2[%get3A_8, %get3A_9] : memref<2000x128xf32, #tpu.memory_space<vmem>>, vector<2000x128xf32>
    %get3A_11 = arith.constant 0 : index
    %get3A_12 = arith.constant 0 : index
    %get3A_13 = vector.load %arg4[%get3A_11, %get3A_12] : memref<128x128xf32, #tpu.memory_space<vmem>>, vector<128x128xf32>
    %dot_general3A_14 = arith.constant dense<0.000000e+00> : vector<2000x128xf32>
    %dot_general3A_15 = tpu.matmul %get3A_10, %get3A_13, %dot_general3A_14 {dimension_numbers = #tpu.dot_dimension_numbers<[1], [0], [0], [1], [0, 0, 1, 1], [], []>, transpose_lhs_hint = false} : vector<2000x128xf32>, vector<128x128xf32>, vector<2000x128xf32> -> vector<2000x128xf32>
    %swap3A_16 = arith.constant 0 : index
    %swap3A_17 = arith.constant 0 : index
    %swap3A_18 = vector.load %arg6[%swap3A_16, %swap3A_17] : memref<2000x128xf32, #tpu.memory_space<vmem>>, vector<2000x128xf32>
    tpu.vector_store %arg6[%swap3A_16, %swap3A_17], %dot_general3A_15 {strides = array<i32>} : memref<2000x128xf32, #tpu.memory_space<vmem>>, vector<2000x128xf32>,
    return
  }
  func.func @transform_0(%arg0: i32) -> (i32, i32) {
    %c0_i32 = arith.constant 0 : i32
    %c0_i32_0 = arith.constant 0 : i32
    return %arg0, %c0_i32 : i32, i32
  }
  func.func @transform_1(%arg0: i32) -> (i32, i32) {
    %c0_i32 = arith.constant 0 : i32
    %c0_i32_0 = arith.constant 0 : i32
    return %arg0, %c0_i32 : i32, i32
  }
  func.func @transform_2(%arg0: i32) -> (i32, i32) {
    %c0_i32 = arith.constant 0 : i32
    %c0_i32_0 = arith.constant 0 : i32
    %c0_i32_1 = arith.constant 0 : i32
    return %c0_i32, %c0_i32_0 : i32, i32
  }
  func.func @transform_3(%arg0: i32) -> (i32, i32) {
    %c0_i32 = arith.constant 0 : i32
    %c0_i32_0 = arith.constant 0 : i32
    %c0_i32_1 = arith.constant 0 : i32
    return %c0_i32, %c0_i32_0 : i32, i32
  }
  func.func @transform_4(%arg0: i32) -> (i32, i32) {
    %c0_i32 = arith.constant 0 : i32
    %c0_i32_0 = arith.constant 0 : i32
    return %arg0, %c0_i32 : i32, i32
  }
  func.func @transform_5(%arg0: i32) -> (i32, i32) {
    %c0_i32 = arith.constant 0 : i32
    %c0_i32_0 = arith.constant 0 : i32
    return %arg0, %c0_i32 : i32, i32
  }
}

module attributes {stable_mosaic.version = 14 : i64} {
  func.func @_tc1_body(%arg0: i32, %arg1: memref<2000x128xf32, #tpu.memory_space<vmem>>, %arg2: memref<2000x128xf32, #tpu.memory_space<vmem>>, %arg3: memref<1x2000x128xf32, #tpu.memory_space<vmem>>, %arg4: memref<1x2000x128xf32, #tpu.memory_space<vmem>>, %arg5: memref<2000x128xf32, #tpu.memory_space<vmem>>, %arg6: memref<2000x128xf32, #tpu.memory_space<vmem>>, %arg7: memref<2000x128xf32, #tpu.memory_space<vmem>>) attributes {dimension_semantics = [#tpu.dimension_semantics<arbitrary>], iteration_bounds = array<i64: 5>, scalar_prefetch = 0 : i64, scratch_operands = 0 : i64, tpu.core_type = #tpu.core_type<tc>, window_params = [{transform_indices = @transform_0, window_bounds = array<i64: 2000, 128>}, {transform_indices = @transform_1, window_bounds = array<i64: 2000, 128>}, {transform_indices = @transform_2, window_bounds = array<i64: 1, 2000, 128>}, {transform_indices = @transform_3, window_bounds = array<i64: 1, 2000, 128>}, {transform_indices = @transform_4, window_bounds = array<i64: 2000, 128>}, {transform_indices = @transform_5, window_bounds = array<i64: 2000, 128>}, {transform_indices = @transform_6, window_bounds = array<i64: 2000, 128>}]} {
    %get3A = arith.constant 0 : index
    %get3A_0 = arith.constant 0 : index
    %get3A_1 = arith.constant 0 : index
    %get3A_2 = vector.load %arg3[%get3A, %get3A_0, %get3A_1] : memref<1x2000x128xf32, #tpu.memory_space<vmem>>, vector<1x2000x128xf32>
    %get3A_3 = vector.shape_cast %get3A_2 : vector<1x2000x128xf32> to vector<2000x128xf32>
    %slice3A = vector.extract_strided_slice %get3A_3 {offsets = [0, 0], sizes = [2000, 1], strides = [1, 1]} : vector<2000x128xf32> to vector<2000x1xf32>
    %get3A_4 = arith.constant 0 : index
    %get3A_5 = arith.constant 0 : index
    %get3A_6 = arith.constant 0 : index
    %get3A_7 = vector.load %arg4[%get3A_4, %get3A_5, %get3A_6] : memref<1x2000x128xf32, #tpu.memory_space<vmem>>, vector<1x2000x128xf32>
    %get3A_8 = vector.shape_cast %get3A_7 : vector<1x2000x128xf32> to vector<2000x128xf32>
    %slice3A_9 = vector.extract_strided_slice %get3A_8 {offsets = [0, 0], sizes = [2000, 1], strides = [1, 1]} : vector<2000x128xf32> to vector<2000x1xf32>
    %add3A = arith.addf %slice3A, %slice3A_9 : vector<2000x1xf32>
    %add3A_10 = arith.constant 1.000000e+00 : f32
    %add3A_11 = vector.broadcast %add3A_10 : f32 to vector<2000x1xf32>
    %add3A_12 = arith.addf %add3A, %add3A_11 : vector<2000x1xf32>
    %rsqrt3A = math.rsqrt %add3A_12 : vector<2000x1xf32>
    %get3A_13 = arith.constant 0 : index
    %get3A_14 = arith.constant 0 : index
    %get3A_15 = vector.load %arg1[%get3A_13, %get3A_14] : memref<2000x128xf32, #tpu.memory_space<vmem>>, vector<2000x128xf32>
    %mul3A = vector.broadcast %rsqrt3A : vector<2000x1xf32> to vector<2000x128xf32>
    %mul3A_16 = arith.mulf %mul3A, %get3A_15 : vector<2000x128xf32>
    %swap3A = arith.constant 0 : index
    %swap3A_17 = arith.constant 0 : index
    %swap3A_18 = vector.load %arg5[%swap3A, %swap3A_17] : memref<2000x128xf32, #tpu.memory_space<vmem>>, vector<2000x128xf32>
    tpu.vector_store %arg5[%swap3A, %swap3A_17], %mul3A_16 {strides = array<i32>} : memref<2000x128xf32, #tpu.memory_space<vmem>>, vector<2000x128xf32>,
    %get3A_19 = arith.constant 0 : index
    %get3A_20 = arith.constant 0 : index
    %get3A_21 = vector.load %arg2[%get3A_19, %get3A_20] : memref<2000x128xf32, #tpu.memory_space<vmem>>, vector<2000x128xf32>
    %mul3A_22 = vector.broadcast %rsqrt3A : vector<2000x1xf32> to vector<2000x128xf32>
    %mul3A_23 = arith.mulf %mul3A_22, %get3A_21 : vector<2000x128xf32>
    %swap3A_24 = arith.constant 0 : index
    %swap3A_25 = arith.constant 0 : index
    %swap3A_26 = vector.load %arg6[%swap3A_24, %swap3A_25] : memref<2000x128xf32, #tpu.memory_space<vmem>>, vector<2000x128xf32>
    tpu.vector_store %arg6[%swap3A_24, %swap3A_25], %mul3A_23 {strides = array<i32>} : memref<2000x128xf32, #tpu.memory_space<vmem>>, vector<2000x128xf32>,
    %broadcast_in_dim3A = vector.shape_cast %rsqrt3A : vector<2000x1xf32> to vector<2000x1xf32>
    %broadcast_in_dim3A_27 = vector.broadcast %broadcast_in_dim3A : vector<2000x1xf32> to vector<2000x128xf32>
    %swap3A_28 = arith.constant 0 : index
    %swap3A_29 = arith.constant 0 : index
    %swap3A_30 = vector.load %arg7[%swap3A_28, %swap3A_29] : memref<2000x128xf32, #tpu.memory_space<vmem>>, vector<2000x128xf32>
    tpu.vector_store %arg7[%swap3A_28, %swap3A_29], %broadcast_in_dim3A_27 {strides = array<i32>} : memref<2000x128xf32, #tpu.memory_space<vmem>>, vector<2000x128xf32>,
    return
  }
  func.func @transform_0(%arg0: i32) -> (i32, i32) {
    %c0_i32 = arith.constant 0 : i32
    %c0_i32_0 = arith.constant 0 : i32
    return %arg0, %c0_i32 : i32, i32
  }
  func.func @transform_1(%arg0: i32) -> (i32, i32) {
    %c0_i32 = arith.constant 0 : i32
    %c0_i32_0 = arith.constant 0 : i32
    return %arg0, %c0_i32 : i32, i32
  }
  func.func @transform_2(%arg0: i32) -> (i32, i32, i32) {
    %c0_i32 = arith.constant 0 : i32
    %c0_i32_0 = arith.constant 0 : i32
    %c0_i32_1 = arith.constant 0 : i32
    return %c0_i32, %arg0, %c0_i32_0 : i32, i32, i32
  }
  func.func @transform_3(%arg0: i32) -> (i32, i32, i32) {
    %c1_i32 = arith.constant 1 : i32
    %c0_i32 = arith.constant 0 : i32
    %c0_i32_0 = arith.constant 0 : i32
    return %c1_i32, %arg0, %c0_i32 : i32, i32, i32
  }
  func.func @transform_4(%arg0: i32) -> (i32, i32) {
    %c0_i32 = arith.constant 0 : i32
    %c0_i32_0 = arith.constant 0 : i32
    return %arg0, %c0_i32 : i32, i32
  }
  func.func @transform_5(%arg0: i32) -> (i32, i32) {
    %c0_i32 = arith.constant 0 : i32
    %c0_i32_0 = arith.constant 0 : i32
    return %arg0, %c0_i32 : i32, i32
  }
  func.func @transform_6(%arg0: i32) -> (i32, i32) {
    %c0_i32 = arith.constant 0 : i32
    %c0_i32_0 = arith.constant 0 : i32
    return %arg0, %c0_i32 : i32, i32
  }
}

module attributes {stable_mosaic.version = 14 : i64} {
  func.func @_tc2_body(%arg0: i32, %arg1: memref<1x2000x128xf32, #tpu.memory_space<vmem>>, %arg2: memref<1x2000x128xf32, #tpu.memory_space<vmem>>, %arg3: memref<2000x128xf32, #tpu.memory_space<vmem>>, %arg4: memref<2000x128xf32, #tpu.memory_space<vmem>>, %arg5: memref<2000x128xf32, #tpu.memory_space<vmem>>, %arg6: memref<1x128xf32, #tpu.memory_space<vmem>>, %arg7: memref<1x128xf32, #tpu.memory_space<vmem>>, %arg8: memref<128x128xf32, #tpu.memory_space<vmem>>, %arg9: memref<2000x128xf32, #tpu.memory_space<vmem>>) attributes {dimension_semantics = [#tpu.dimension_semantics<arbitrary>], iteration_bounds = array<i64: 5>, scalar_prefetch = 0 : i64, scratch_operands = 0 : i64, tpu.core_type = #tpu.core_type<tc>, window_params = [{transform_indices = @transform_0, window_bounds = array<i64: 1, 2000, 128>}, {transform_indices = @transform_1, window_bounds = array<i64: 1, 2000, 128>}, {transform_indices = @transform_2, window_bounds = array<i64: 2000, 128>}, {transform_indices = @transform_3, window_bounds = array<i64: 2000, 128>}, {transform_indices = @transform_4, window_bounds = array<i64: 2000, 128>}, {pipeline_mode = #tpu.pipeline_mode<synchronous>, transform_indices = @transform_5, window_bounds = array<i64: 1, 128>}, {pipeline_mode = #tpu.pipeline_mode<synchronous>, transform_indices = @transform_6, window_bounds = array<i64: 1, 128>}, {pipeline_mode = #tpu.pipeline_mode<synchronous>, transform_indices = @transform_7, window_bounds = array<i64: 128, 128>}, {transform_indices = @transform_8, window_bounds = array<i64: 2000, 128>}]} {
    %get3A = arith.constant 0 : index
    %get3A_0 = arith.constant 0 : index
    %get3A_1 = vector.load %arg5[%get3A, %get3A_0] : memref<2000x128xf32, #tpu.memory_space<vmem>>, vector<2000x128xf32>
    %get3A_2 = arith.constant 0 : index
    %get3A_3 = arith.constant 0 : index
    %get3A_4 = arith.constant 0 : index
    %get3A_5 = vector.load %arg1[%get3A_2, %get3A_3, %get3A_4] : memref<1x2000x128xf32, #tpu.memory_space<vmem>>, vector<1x2000x128xf32>
    %get3A_6 = vector.shape_cast %get3A_5 : vector<1x2000x128xf32> to vector<2000x128xf32>
    %get3A_7 = arith.constant 0 : index
    %get3A_8 = arith.constant 0 : index
    %get3A_9 = vector.load %arg3[%get3A_7, %get3A_8] : memref<2000x128xf32, #tpu.memory_space<vmem>>, vector<2000x128xf32>
    %add3A = arith.addf %get3A_6, %get3A_9 : vector<2000x128xf32>
    %mul3A = arith.mulf %get3A_1, %add3A : vector<2000x128xf32>
    %get3A_10 = arith.constant 0 : index
    %get3A_11 = arith.constant 0 : index
    %get3A_12 = vector.load %arg6[%get3A_10, %get3A_11] : memref<1x128xf32, #tpu.memory_space<vmem>>, vector<1x128xf32>
    %add3A_13 = vector.broadcast %get3A_12 : vector<1x128xf32> to vector<2000x128xf32>
    %add3A_14 = arith.addf %mul3A, %add3A_13 : vector<2000x128xf32>
    %max3A = arith.constant 0.000000e+00 : f32
    %max3A_15 = vector.broadcast %max3A : f32 to vector<2000x128xf32>
    %max3A_16 = arith.maximumf %add3A_14, %max3A_15 : vector<2000x128xf32>
    %get3A_17 = arith.constant 0 : index
    %get3A_18 = arith.constant 0 : index
    %get3A_19 = arith.constant 0 : index
    %get3A_20 = vector.load %arg2[%get3A_17, %get3A_18, %get3A_19] : memref<1x2000x128xf32, #tpu.memory_space<vmem>>, vector<1x2000x128xf32>
    %get3A_21 = vector.shape_cast %get3A_20 : vector<1x2000x128xf32> to vector<2000x128xf32>
    %get3A_22 = arith.constant 0 : index
    %get3A_23 = arith.constant 0 : index
    %get3A_24 = vector.load %arg4[%get3A_22, %get3A_23] : memref<2000x128xf32, #tpu.memory_space<vmem>>, vector<2000x128xf32>
    %add3A_25 = arith.addf %get3A_21, %get3A_24 : vector<2000x128xf32>
    %mul3A_26 = arith.mulf %get3A_1, %add3A_25 : vector<2000x128xf32>
    %get3A_27 = arith.constant 0 : index
    %get3A_28 = arith.constant 0 : index
    %get3A_29 = vector.load %arg7[%get3A_27, %get3A_28] : memref<1x128xf32, #tpu.memory_space<vmem>>, vector<1x128xf32>
    %add3A_30 = vector.broadcast %get3A_29 : vector<1x128xf32> to vector<2000x128xf32>
    %add3A_31 = arith.addf %mul3A_26, %add3A_30 : vector<2000x128xf32>
    %max3A_32 = arith.constant 0.000000e+00 : f32
    %max3A_33 = vector.broadcast %max3A_32 : f32 to vector<2000x128xf32>
    %max3A_34 = arith.maximumf %add3A_31, %max3A_33 : vector<2000x128xf32>
    %add3A_35 = arith.addf %max3A_16, %max3A_34 : vector<2000x128xf32>
    %get3A_36 = arith.constant 0 : index
    %get3A_37 = arith.constant 0 : index
    %get3A_38 = vector.load %arg8[%get3A_36, %get3A_37] : memref<128x128xf32, #tpu.memory_space<vmem>>, vector<128x128xf32>
    %dot_general3A = arith.constant dense<0.000000e+00> : vector<2000x128xf32>
    %dot_general3A_39 = tpu.matmul %add3A_35, %get3A_38, %dot_general3A {dimension_numbers = #tpu.dot_dimension_numbers<[1], [0], [0], [1], [0, 0, 1, 1], [], []>, transpose_lhs_hint = false} : vector<2000x128xf32>, vector<128x128xf32>, vector<2000x128xf32> -> vector<2000x128xf32>
    %mul3A_40 = arith.mulf %get3A_1, %dot_general3A_39 : vector<2000x128xf32>
    %swap3A = arith.constant 0 : index
    %swap3A_41 = arith.constant 0 : index
    %swap3A_42 = vector.load %arg9[%swap3A, %swap3A_41] : memref<2000x128xf32, #tpu.memory_space<vmem>>, vector<2000x128xf32>
    tpu.vector_store %arg9[%swap3A, %swap3A_41], %mul3A_40 {strides = array<i32>} : memref<2000x128xf32, #tpu.memory_space<vmem>>, vector<2000x128xf32>,
    return
  }
  func.func @transform_0(%arg0: i32) -> (i32, i32, i32) {
    %c0_i32 = arith.constant 0 : i32
    %c0_i32_0 = arith.constant 0 : i32
    %c0_i32_1 = arith.constant 0 : i32
    return %c0_i32, %arg0, %c0_i32_0 : i32, i32, i32
  }
  func.func @transform_1(%arg0: i32) -> (i32, i32, i32) {
    %c1_i32 = arith.constant 1 : i32
    %c0_i32 = arith.constant 0 : i32
    %c0_i32_0 = arith.constant 0 : i32
    return %c1_i32, %arg0, %c0_i32 : i32, i32, i32
  }
  func.func @transform_2(%arg0: i32) -> (i32, i32) {
    %c0_i32 = arith.constant 0 : i32
    %c0_i32_0 = arith.constant 0 : i32
    return %arg0, %c0_i32 : i32, i32
  }
  func.func @transform_3(%arg0: i32) -> (i32, i32) {
    %c0_i32 = arith.constant 0 : i32
    %c0_i32_0 = arith.constant 0 : i32
    return %arg0, %c0_i32 : i32, i32
  }
  func.func @transform_4(%arg0: i32) -> (i32, i32) {
    %c0_i32 = arith.constant 0 : i32
    %c0_i32_0 = arith.constant 0 : i32
    return %arg0, %c0_i32 : i32, i32
  }
  func.func @transform_5(%arg0: i32) -> (i32, i32) {
    %c0_i32 = arith.constant 0 : i32
    %c0_i32_0 = arith.constant 0 : i32
    %c0_i32_1 = arith.constant 0 : i32
    return %c0_i32, %c0_i32_0 : i32, i32
  }
  func.func @transform_6(%arg0: i32) -> (i32, i32) {
    %c0_i32 = arith.constant 0 : i32
    %c0_i32_0 = arith.constant 0 : i32
    %c0_i32_1 = arith.constant 0 : i32
    return %c0_i32, %c0_i32_0 : i32, i32
  }
  func.func @transform_7(%arg0: i32) -> (i32, i32) {
    %c0_i32 = arith.constant 0 : i32
    %c0_i32_0 = arith.constant 0 : i32
    %c0_i32_1 = arith.constant 0 : i32
    return %c0_i32, %c0_i32_0 : i32, i32
  }
  func.func @transform_8(%arg0: i32) -> (i32, i32) {
    %c0_i32 = arith.constant 0 : i32
    %c0_i32_0 = arith.constant 0 : i32
    return %arg0, %c0_i32 : i32, i32
  }
}

module attributes {stable_mosaic.version = 14 : i64} {
  func.func @_tc3_body(%arg0: i32, %arg1: memref<1x2000x128xf32, #tpu.memory_space<vmem>>, %arg2: memref<1x2000x128xf32, #tpu.memory_space<vmem>>, %arg3: memref<2000x128xf32, #tpu.memory_space<vmem>>, %arg4: memref<2000x128xf32, #tpu.memory_space<vmem>>, %arg5: memref<1x128xf32, #tpu.memory_space<vmem>>, %arg6: memref<2000x128xf32, #tpu.memory_space<vmem>>) attributes {dimension_semantics = [#tpu.dimension_semantics<arbitrary>], iteration_bounds = array<i64: 5>, scalar_prefetch = 0 : i64, scratch_operands = 0 : i64, tpu.core_type = #tpu.core_type<tc>, window_params = [{transform_indices = @transform_0, window_bounds = array<i64: 1, 2000, 128>}, {transform_indices = @transform_1, window_bounds = array<i64: 1, 2000, 128>}, {transform_indices = @transform_2, window_bounds = array<i64: 2000, 128>}, {transform_indices = @transform_3, window_bounds = array<i64: 2000, 128>}, {pipeline_mode = #tpu.pipeline_mode<synchronous>, transform_indices = @transform_4, window_bounds = array<i64: 1, 128>}, {transform_indices = @transform_5, window_bounds = array<i64: 2000, 128>}]} {
    %get3A = arith.constant 0 : index
    %get3A_0 = arith.constant 0 : index
    %get3A_1 = vector.load %arg4[%get3A, %get3A_0] : memref<2000x128xf32, #tpu.memory_space<vmem>>, vector<2000x128xf32>
    %get3A_2 = arith.constant 0 : index
    %get3A_3 = arith.constant 0 : index
    %get3A_4 = arith.constant 0 : index
    %get3A_5 = vector.load %arg1[%get3A_2, %get3A_3, %get3A_4] : memref<1x2000x128xf32, #tpu.memory_space<vmem>>, vector<1x2000x128xf32>
    %get3A_6 = vector.shape_cast %get3A_5 : vector<1x2000x128xf32> to vector<2000x128xf32>
    %get3A_7 = arith.constant 0 : index
    %get3A_8 = arith.constant 0 : index
    %get3A_9 = arith.constant 0 : index
    %get3A_10 = vector.load %arg2[%get3A_7, %get3A_8, %get3A_9] : memref<1x2000x128xf32, #tpu.memory_space<vmem>>, vector<1x2000x128xf32>
    %get3A_11 = vector.shape_cast %get3A_10 : vector<1x2000x128xf32> to vector<2000x128xf32>
    %add3A = arith.addf %get3A_6, %get3A_11 : vector<2000x128xf32>
    %get3A_12 = arith.constant 0 : index
    %get3A_13 = arith.constant 0 : index
    %get3A_14 = vector.load %arg3[%get3A_12, %get3A_13] : memref<2000x128xf32, #tpu.memory_space<vmem>>, vector<2000x128xf32>
    %add3A_15 = arith.addf %add3A, %get3A_14 : vector<2000x128xf32>
    %mul3A = arith.mulf %get3A_1, %add3A_15 : vector<2000x128xf32>
    %get3A_16 = arith.constant 0 : index
    %get3A_17 = arith.constant 0 : index
    %get3A_18 = vector.load %arg5[%get3A_16, %get3A_17] : memref<1x128xf32, #tpu.memory_space<vmem>>, vector<1x128xf32>
    %add3A_19 = vector.broadcast %get3A_18 : vector<1x128xf32> to vector<2000x128xf32>
    %add3A_20 = arith.addf %mul3A, %add3A_19 : vector<2000x128xf32>
    %swap3A = arith.constant 0 : index
    %swap3A_21 = arith.constant 0 : index
    %swap3A_22 = vector.load %arg6[%swap3A, %swap3A_21] : memref<2000x128xf32, #tpu.memory_space<vmem>>, vector<2000x128xf32>
    tpu.vector_store %arg6[%swap3A, %swap3A_21], %add3A_20 {strides = array<i32>} : memref<2000x128xf32, #tpu.memory_space<vmem>>, vector<2000x128xf32>,
    return
  }
  func.func @transform_0(%arg0: i32) -> (i32, i32, i32) {
    %c0_i32 = arith.constant 0 : i32
    %c0_i32_0 = arith.constant 0 : i32
    %c0_i32_1 = arith.constant 0 : i32
    return %c0_i32, %arg0, %c0_i32_0 : i32, i32, i32
  }
  func.func @transform_1(%arg0: i32) -> (i32, i32, i32) {
    %c1_i32 = arith.constant 1 : i32
    %c0_i32 = arith.constant 0 : i32
    %c0_i32_0 = arith.constant 0 : i32
    return %c1_i32, %arg0, %c0_i32 : i32, i32, i32
  }
  func.func @transform_2(%arg0: i32) -> (i32, i32) {
    %c0_i32 = arith.constant 0 : i32
    %c0_i32_0 = arith.constant 0 : i32
    return %arg0, %c0_i32 : i32, i32
  }
  func.func @transform_3(%arg0: i32) -> (i32, i32) {
    %c0_i32 = arith.constant 0 : i32
    %c0_i32_0 = arith.constant 0 : i32
    return %arg0, %c0_i32 : i32, i32
  }
  func.func @transform_4(%arg0: i32) -> (i32, i32) {
    %c0_i32 = arith.constant 0 : i32
    %c0_i32_0 = arith.constant 0 : i32
    %c0_i32_1 = arith.constant 0 : i32
    return %c0_i32, %c0_i32_0 : i32, i32
  }
  func.func @transform_5(%arg0: i32) -> (i32, i32) {
    %c0_i32 = arith.constant 0 : i32
    %c0_i32_0 = arith.constant 0 : i32
    return %arg0, %c0_i32 : i32, i32
  }
}

</mosaic_0001>

<sc_bundles>
// kernel: kernel.12.cloned.1.call-start
scs
__scs_entry_jumppad:
0x0: {  	(pc) =	sbr.rel $0x88, $3  }
0x1: {  	(tag) =	ssettag $0x0;
	lr =	simm.s32 $0x1  }
0x2: {  	[smem:$0x3F98] =	sst lr;
	_ =	strace $0xD0000000  }
0x3: {  	_ = 	snop  }
0x4: {  	_ = 	snop  }
0x5: {  	_ = 	snop  }
0x6: {  	_ = 	snop  }
0x7: {  	_ = 	snop  }
__scs_overlays_trampoline_lowered:
0x8: {  	[smem:$0x3FA7] =	sst s0  }
0x9: {  	[smem:$0x3FA8] =	sst s1  }
0xa: {  	[smem:$0x3FA9] =	sst s2  }
0xb: {  	[smem:$0x3FAA] =	sst s3  }
0xc: {  	[smem:$0x3FAB] =	sst s4  }
0xd: {  	[smem:$0x3FAC] =	sst s5  }
0xe: {  	[smem:$0x3FAD] =	sst s6  }
0xf: {  	[smem:$0x3FAE] =	sst s7  }
0x10: {  	[smem:$0x3FAF] =	sst s8  }
0x11: {  	[smem:$0x3FB0] =	sst s9;
	s0 =	simm.s32 @!p0 $0x0  }
0x12: {  	s1 =	sld [smem:$0x3F96];
	s0 =	simm.s32 @p0 $0x1  }
0x13: {  	[smem:$0x3FB1] =	sst s0;
	s0 =	simm.s32 @!p1 $0x0  }
0x14: {  	s2 =	sld [smem:$0x3F95];
	s0 =	simm.s32 @p1 $0x1  }
0x15: {  	[smem:$0x3FB2] =	sst s0;
	s0 =	simm.s32 @!p2 $0x0  }
0x16: {  	s3 =	sld [smem:$0x3FDB];
	s0 =	simm.s32 @p2 $0x1  }
0x17: {  	s4 =	simm.s32 $0x1BF5;
	[smem:$0x3FB4] =	sst s0  }
0x18: {  	s0 =	sld [smem:$0x3F97];
	_ =	swait.ge [sflag:s4], $0x0  }
0x19: {  	s7 =	sld [smem:$0x3F98]  }
0x1a: {  	s8 =	sadd.s32 $0xFFFFE003, lr  }
0x1b: {  	s9 =	sadd.s32 $0xFFFFFEF7, lr;
	s5 =	simm.s32 $0xFFFFFFFF;
	p2 =	slt.u32 s8, $0xFFFFF086  }
0x1c: {  	p1 =	slt.u32 s9, $0xF7A;
	s5 =	simm.s32 @!p2 $0x0  }
0x1d: {  	s5 =	simm.s32 @p1 $0x1;
	p0 =	seq.s32 s7, s2  }
0x1e: {  	s7 =	smul.u32 @!p0 $0xF7A, s2;
	p2 =	seq.s32 @!p0 s5, $0x0  }
0x1f: {  	s9 =	smul.u32 $0xF7A, s1;
	s8 =	simm.s32 @!p0 $0x1BF5;
	p2 =	por !p2, p0  }
0x20: {  	[sflag:s8] =	ssyncset.s32 @!p0 $0xFFFFF086;
	s6 =	sadd.s32 @!p0 s3, s7;
	s7 =	simm.s32 @!p0 $0x108  }
0x21: {  	s3 =	sadd.s32 s3, s9;
	s6 =	sadd.s32 @!p0 $0x88, s6;
	s7 =	simm.s32 @p2 $0x1082  }
0x22: {  	[simem:s7], [sflag:s8] =	dma.local @!p0 [hbm:s6], $0xF7A  }
0x23: {  	s9 =	sor.u32 $0xD0000000, s2;
	s6 =	simm.s32 $0x108;
	_ =	swait.ge @!p0 [sflag:s8], $0x0  }
0x24: {  	s3 =	sadd.s32 $0x88, s3;
	s6 =	simm.s32 @!p1 $0x1082;
	[sflag:s4] =	ssyncset.s32 $0xFFFFF086  }
0x25: {  	[simem:s6], [sflag:s4] =	dma.local [hbm:s3], $0xF7A  }
0x26: {  	[smem:$0x3F98] =	sst s1;
	(tag) =	ssettag s2;
	_ =	strace s9  }
0x27: {  	s1 =	sld [smem:$0x3FA8]  }
0x28: {  	s2 =	sld [smem:$0x3FA9]  }
0x29: {  	s4 =	sld [smem:$0x3FAB]  }
0x2a: {  	p0 =	seq.s32 s5, $0x0;
	s5 =	sld [smem:$0x3FAC]  }
0x2b: {  	s6 =	sld [smem:$0x3FAD]  }
0x2c: {  	s7 =	sld [smem:$0x3FAE]  }
0x2d: {  	s3 =	simm.s32 $0x108;
	s8 =	sld [smem:$0x3FAF]  }
0x2e: {  	s3 =	simm.s32 @!p0 $0x1082;
	s9 =	sld [smem:$0x3FB0]  }
0x2f: {  	lr =	sadd.s32 s0, s3;
	s0 =	sld [smem:$0x3FA7]  }
0x30: {  	s3 =	sld [smem:$0x3FAA]  }
0x31: {  	[smem:$0x3FB3] =	sst s10  }
0x32: {  	s10 =	sld [smem:$0x3FB1];
	_ =	sdelay $0x3  }
0x33: {  	p0 =	seq.s32 s10, $0x1;
	s10 =	sld [smem:$0x3FB3];
	_ =	sdelay $0x3  }
0x34: {  	[smem:$0x3FB3] =	sst s10  }
0x35: {  	s10 =	sld [smem:$0x3FB2];
	_ =	sdelay $0x3  }
0x36: {  	p1 =	seq.s32 s10, $0x1;
	s10 =	sld [smem:$0x3FB3];
	_ =	sdelay $0x3  }
0x37: {  	[smem:$0x3FB3] =	sst s10  }
0x38: {  	s10 =	sld [smem:$0x3FB4]  }
0x39: {  	_ = 	snop;
	(pc) =	sbr.ind lr, $3  }
0x3a: {  	_ = 	snop  }
0x3b: {  	_ = 	snop  }
0x3c: {  	p2 =	seq.s32 s10, $0x1;
	s10 =	sld [smem:$0x3FB3]  }
0x3d: {  	_ =	shalt  }
0x3e: {  	_ =	shalt  }
0x3f: {  	_ =	shalt  }
0x40: {  	_ =	shalt  }
0x41: {  	_ =	shalt  }
0x42: {  	_ =	shalt  }
0x43: {  	_ =	shalt  }
0x44: {  	_ =	shalt  }
0x45: {  	_ =	shalt  }
0x46: {  	_ =	shalt  }
0x47: {  	_ =	shalt  }
0x48: {  	_ =	shalt  }
0x49: {  	_ =	shalt  }
0x4a: {  	_ =	shalt  }
0x4b: {  	_ =	shalt  }
0x4c: {  	_ =	shalt  }
0x4d: {  	_ =	shalt  }
0x4e: {  	_ =	shalt  }
0x4f: {  	_ =	shalt  }
0x50: {  	_ =	shalt  }
0x51: {  	_ =	shalt  }
0x52: {  	_ =	shalt  }
0x53: {  	_ =	shalt  }
0x54: {  	_ =	shalt  }
0x55: {  	_ =	shalt  }
0x56: {  	_ =	shalt  }
0x57: {  	_ =	shalt  }
0x58: {  	_ =	shalt  }
0x59: {  	_ =	shalt  }
0x5a: {  	_ =	shalt  }
0x5b: {  	_ =	shalt  }
0x5c: {  	_ =	shalt  }
0x5d: {  	_ =	shalt  }
0x5e: {  	_ =	shalt  }
0x5f: {  	_ =	shalt  }
0x60: {  	_ =	shalt  }
0x61: {  	_ =	shalt  }
0x62: {  	_ =	shalt  }
0x63: {  	_ =	shalt  }
0x64: {  	_ =	shalt  }
0x65: {  	_ =	shalt  }
0x66: {  	_ =	shalt  }
0x67: {  	_ =	shalt  }
0x68: {  	_ =	shalt  }
0x69: {  	_ =	shalt  }
0x6a: {  	_ =	shalt  }
0x6b: {  	_ =	shalt  }
0x6c: {  	_ =	shalt  }
0x6d: {  	_ =	shalt  }
0x6e: {  	_ =	shalt  }
0x6f: {  	_ =	shalt  }
0x70: {  	_ =	shalt  }
0x71: {  	_ =	shalt  }
0x72: {  	_ =	shalt  }
0x73: {  	_ =	shalt  }
0x74: {  	_ =	shalt  }
0x75: {  	_ =	shalt  }
0x76: {  	_ =	shalt  }
0x77: {  	_ =	shalt  }
0x78: {  	_ =	shalt  }
0x79: {  	_ =	shalt  }
0x7a: {  	_ =	shalt  }
0x7b: {  	_ =	shalt  }
0x7c: {  	_ =	shalt  }
0x7d: {  	_ =	shalt  }
0x7e: {  	_ =	shalt  }
0x7f: {  	_ =	shalt  }
0x80: {  	_ =	shalt  }
0x81: {  	_ =	shalt  }
0x82: {  	_ =	shalt  }
0x83: {  	_ =	shalt  }
0x84: {  	_ =	shalt  }
0x85: {  	_ =	shalt  }
0x86: {  	_ =	shalt  }
0x87: {  	_ =	shalt  }
.Lfunc_end0:
.L_simem_size_0:
called_computation.1_lowered:
.L_overlay_start_0:
0x88: {  	s2 =	sld [smem:$0x3FD9]  }
0x89: {  	s3 =	sld [smem:$0x3FFE];
	_ =	sdelay $0x1  }
0x8a: {  	s1 =	srdreg.scid  }
0x8b: {  	s0 =	sand.u32 $0x1, s1  }
0x8c: {  	s16 =	sshll.u32 s0, $0xA;
	s2 =	sadd.s32 s3, s2  }
0x8d: {  	s2 =	sadd.s32 s2, s16  }
0x8e: {  	[smem:$0x3FBF] =	sst s2  }
0x8f: {  	_ = 	snop  }
0x90: {  	(tm) =	ssettm $0x1  }
0x91: {  	s17 =	sld [smem:$0x3FFB];
	_ =	sdelay $0x3  }
0x92: {  	_ =	strace s17  }
0x93: {  	s2 =	sld [smem:$0x3FFC];
	_ =	sdelay $0x3  }
0x94: {  	_ =	strace s2  }
0x95: {  	s2 =	sld [smem:$0x3FFD];
	_ =	sdelay $0x3  }
0x96: {  	_ =	strace s2  }
0x97: {  	_ =	strace $0x8FFFFFFF  }
0x98: {  	s18 =	sld [smem:$0x3FDB];
	_ =	sdelay $0x1  }
0x99: {  	s19 =	simm.s32 $_scs_section_size  }
0x9a: {  	s4 =	simm.s32 $_size__tile_overlayer_lowered;
	s5 =	simm.s32 $_tile_overlayer_lowered  }
0x9b: {  	s22 =	simm.s32 $0x1BFF;
	s21 =	sshll.u32 s5, $0x1;
	s2 =	sadd.s32 s19, s18  }
0x9c: {  	s6 =	simm.s32 $0x0;
	s20 =	sshll.u32 s4, $0x1;
	s4 =	sadd.s32 s21, s2  }
0x9d: {  	[timem:s6], [sflag:s22] =	dma.local [hbm:s4], s20  }
0x9e: {  	_ =	swait.ge [sflag:s22], s20  }
0x9f: {  	s3 =	ssub.s32 $0x0, s20;
	[sflag:s22] =	ssyncset.done $0x0  }
0xa0: {  	[sflag:s22] =	ssyncadd.s32 s3;
	_ =	sdelay $0x1  }
0xa1: {  	s23 =	simm.s32 $0x1B8B  }
0xa2: {  	_ =	swait.ge [sflag:s23], $0x1  }
0xa3: {  	[sflag:s23] =	ssyncset.done $0x0  }
0xa4: {  	s25 =	simm.s32 $0x1B8E;
	s24 =	sld [smem:$0x3FFE];
	[sflag:s23] =	ssyncadd.s32 $0xFFFFFFFF  }
0xa5: {  	s26 =	simm.s32 $execute0_lowered;
	[smem:$0x3FD2] =	sst s25  }
0xa6: {  	s4 =	sshll.u32 s26, $0x1;
	_ =	strace $0x80000049;
	[dreg:$0x1] =	wrdreg $0xFFFFFFFF  }
0xa7: {  	s28 =	simm.s32 $_size_execute0_lowered;
	s2 =	sadd.s32 s2, s4;
	[dreg:$0x0] =	wrdreg $0x0  }
0xa8: {  	s4 =	sshll.u32 s28, $0x1;
	[dreg:$0x2] =	wrdreg s2  }
0xa9: {  	[dreg:$0x3] =	wrdreg s4  }
0xaa: {  	[dreg:$0x4] =	wrdreg $0xC0  }
0xab: {  	_ =	task [dreg:s6], $0x5FFFF  }
0xac: {  	[dreg:$0x1] =	wrdreg $0xFFFFFFFF  }
0xad: {  	[dreg:$0x0] =	wrdreg $0x60  }
0xae: {  	[dreg:$0x2] =	wrdreg s24  }
0xaf: {  	[dreg:$0x3] =	wrdreg $0x0  }
0xb0: {  	[dreg:$0x4] =	wrdreg $0x9  }
0xb1: {  	_ =	task.clear_ibuf [dreg:s6], $0x5FFFF;
	_ =	strace $0x90000049  }
0xb2: {  	s29 =	simm.s32 $0x9;
	_ =	strace $0x8000004B  }
0xb3: {  	_ =	swait.ge [sflag:s29], $0x1  }
0xb4: {  	[sflag:s29] =	ssyncadd.s32 $0xFFFFFFFF  }
0xb5: {  	_ =	strace $0x9000004B  }
0xb6: {  	_ =	sfence  }
0xb7: {  	s30 =	sld [smem:$0x0];
	_ =	sdelay $0x2  }
0xb8: {  	s31 =	sshll.u32 s1, $0xD;
	s1 =	sshrl.u32 s1, $0x2  }
0xb9: {  	s3 =	sand.u32 $0x4000, s31;
	s1 =	sadd.s32 s1, s30  }
0xba: {  	s0 =	sor.u32 s3, s0;
	s1 =	sshll.u32 s1, $0x11  }
0xbb: {  	s0 =	sor.u32 s1, s0  }
0xbc: {  	s0 =	sadd.s32 $0x8F2B, s0  }
0xbd: {  	[sflag:s0] =	ssyncadd.remote.s32 $0x1  }
0xbe: {  	_ =	sfence.sel $0xFFFF  }
0xbf: {  	[dreg:$0x0] =	wrdreg $0xFFFFFFFF;
	(pc) =	sbr.abs _section_cstart, $3  }
0xc0: {  	[dreg:$0x1] =	wrdreg $0xFFFFFFFF  }
0xc1: {  	_ =	task.clear_ibuf [dreg:s6], $0x2FFFF;
	_ =	strace $0x9FFFFFFF  }
0xc2: {  	(tm) =	ssettm $0x7FFFFFFF  }
0xc3: {  	_ =	shalt  }
tec
execute0_lowered:
.L_overlay_start_1:
0x0: {  	(tag) =	ssettag $0x1  }
0x1: {  	s0 =	rddreg [dreg:$0x0]  }
0x2: {  	s1 =	rddreg [dreg:$0x1];
	s2 =	simm.s32 $0x0;
	s30 =	srdreg.scid  }
0x3: {  	s15 =	stileid.u32;
	s28 =	simm.s32 $0x16780;
	s29 =	simm.s32 $0x0  }
0x4: {  	[smem:$0x7FF] =	sst s2;
	s3 =	sadd.s32 $0x17400, s0;
	s4 =	smul.u32 $0x50000, s15  }
0x5: {  	s5 =	sadd.s32 $0x17600, s0;
	s7 =	sadd.s32 $0x67E00, s0;
	s11 =	smul.u32 $0x5000, s15  }
0x6: {  	s9 =	sadd.s32 $0xD400, s0;
	s0 =	sadd.s32 $0x7BE00, s0;
	s20 =	smul.u32 $0x14000, s15  }
0x7: {  	_ =	strace $0x8000004A;
	[dreg:$0x3] =	wrdreg s3;
	s3 =	sand.u32 $0x1, s30  }
0x8: {  	s6 =	ssub.s32 $0x2, s3;
	s8 =	smul.u32 $0x50000, s3;
	s4 =	sshrl.u32 s4, $0x2  }
0x9: {  	s12 =	sadd.s32 $0x1400, s11;
	s13 =	sshrl.u32 s11, $0x3;
	s18 =	sadd.s32 $0x2800, s11  }
0xa: {  	s3 =	smul.u32 $0x140000, s3;
	s25 =	sadd.s32 $0x4000, s20;
	s10 =	sshrl.u32 s6, $0x1  }
0xb: {  	s13 =	sadd.s32 s9, s13;
	s17 =	sshrl.u32 s12, $0x3;
	s10 =	ssub.s32 s6, s10  }
0xc: {  	s6 =	sadd.s32 s4, s1;
	s31 =	sadd.s32 s11, s8;
	s14 =	sadd.s32 s8, s12  }
0xd: {  	[dreg:$0x5] =	wrdreg s13;
	s19 =	sadd.s32 s8, s18;
	s11 =	sadd.s32 $0x3C00, s11  }
0xe: {  	s12 =	sshrl.u32 s18, $0x3;
	s24 =	sadd.s32 s3, s20;
	s30 =	sadd.s32 s3, s25  }
0xf: {  	s4 =	sshrl.u32 s31, $0x3;
	s16 =	sshrl.u32 s14, $0x3;
	s8 =	sadd.s32 s8, s11  }
0x10: {  	s21 =	sadd.s32 s9, s12;
	s23 =	sshrl.u32 s11, $0x3;
	s26 =	sshrl.u32 s24, $0x3  }
0x11: {  	s31 =	smax.u32 s10, $0x1;
	s10 =	sshrl.u32 s30, $0x3;
	s11 =	sadd.s32 $0x8000, s20  }
0x12: {  	s12 =	sadd.s32 $0xC000, s20;
	s18 =	sadd.s32 $0x1000, s6;
	[dreg:$0x9] =	wrdreg s21  }
0x13: {  	s24 =	sadd.s32 $0x3000, s6;
	s30 =	sadd.s32 $0x6000, s6;
	[dreg:$0xc] =	wrdreg s31  }
0x14: {  	s13 =	sadd.s32 $0x10000, s6;
	s4 =	sadd.s32 s7, s4;
	[dreg:$0x12] =	wrdreg s18  }
0x15: {  	s8 =	sshrl.u32 s8, $0x3;
	s14 =	sadd.s32 s3, s11;
	[dreg:$0x18] =	wrdreg s24  }
0x16: {  	s15 =	sadd.s32 s3, s12;
	s21 =	sadd.s32 s12, s1;
	[dreg:$0x1b] =	wrdreg s30  }
0x17: {  	s31 =	sadd.s32 $0x7000, s6;
	s12 =	sadd.s32 $0xF000, s6;
	s18 =	simm.s32 $0x3  }
0x18: {  	s24 =	simm.s32 $0x1;
	[dreg:$0x4] =	wrdreg s4;
	s4 =	sadd.s32 s7, s16  }
0x19: {  	s22 =	sadd.s32 s7, s8;
	s16 =	sadd.s32 $0x10000, s20;
	[dreg:$0x15] =	wrdreg s21  }
0x1a: {  	s20 =	sadd.s32 s11, s1;
	[dreg:$0x1c] =	wrdreg s31;
	s8 =	sadd.s32 $0xB000, s6  }
0x1b: {  	s11 =	sadd.s32 $0xE000, s6;
	s21 =	simm.s32 $0x80;
	[dreg:$0x6] =	wrdreg s4  }
0x1c: {  	s4 =	sadd.s32 s9, s17;
	[dreg:$0xa] =	wrdreg s22;
	s3 =	sadd.s32 s3, s16  }
0x1d: {  	[dreg:$0x14] =	wrdreg s20;
	s22 =	sadd.s32 s16, s1;
	s16 =	sadd.s32 $0x13000, s6  }
0x1e: {  	s20 =	simm.s32 $0x15400;
	[dreg:$0x7] =	wrdreg s4;
	s4 =	sshrl.u32 s19, $0x3  }
0x1f: {  	s3 =	sshrl.u32 s3, $0x3;
	s19 =	sadd.s32 s25, s1;
	[dreg:$0x16] =	wrdreg s22  }
0x20: {  	s25 =	sadd.s32 $0x4000, s6;
	s22 =	simm.s32 $0x14080;
	[dreg:$0x13] =	wrdreg s19  }
0x21: {  	s4 =	sadd.s32 s7, s4;
	[dreg:$0x19] =	wrdreg s25;
	s7 =	sadd.s32 $0xA000, s6  }
0x22: {  	s19 =	simm.s32 $0x14000;
	[dreg:$0x8] =	wrdreg s4;
	s4 =	sadd.s32 s9, s23  }
0x23: {  	s25 =	simm.s32 $0x2;
	s23 =	sadd.s32 $0x2000, s6;
	[dreg:$0xb] =	wrdreg s4  }
0x24: {  	s9 =	sshrl.u32 s14, $0x3;
	s4 =	sadd.s32 s0, s26;
	[dreg:$0x17] =	wrdreg s23  }
0x25: {  	s14 =	sadd.s32 $0x11000, s6;
	s9 =	sadd.s32 s0, s9;
	[dreg:$0xd] =	wrdreg s4  }
0x26: {  	s26 =	sadd.s32 $0x5000, s6;
	s23 =	simm.s32 $0x1A800;
	[dreg:$0xf] =	wrdreg s9  }
0x27: {  	s4 =	sadd.s32 s0, s10;
	s10 =	sshrl.u32 s15, $0x3;
	[dreg:$0x1a] =	wrdreg s26  }
0x28: {  	s9 =	sadd.s32 $0xC000, s6;
	s15 =	sadd.s32 $0x12000, s6;
	s26 =	simm.s32 $0x16700  }
0x29: {  	[dreg:$0xe] =	wrdreg s4;
	s17 =	sadd.s32 s0, s10;
	s0 =	sadd.s32 s0, s3  }
0x2a: {  	s3 =	sadd.s32 $0x8000, s6;
	s4 =	sadd.s32 $0x9000, s6;
	[dreg:$0x10] =	wrdreg s17  }
0x2b: {  	s10 =	sadd.s32 $0xD000, s6;
	[dreg:$0x11] =	wrdreg s0;
	s17 =	simm.s32 $0x16800  }
.LBB2_1:
0x2c: {  	s0 =	rddreg [dreg:$0x3]  }
0x2d: {  	[tilespmem:s17], [sflag:$0x3] =	stream.linear.gather [hbm4b:s0+s2], $0x1000, $0x38;
	[tilespmem:$0x1E800] =	vst v63  }
0x2e: {  	_ =	swait.ge [sflag:s18], $0x1000  }
0x2f: {  	[sflag:s18] =	ssyncset.done $0x0  }
0x30: {  	[sflag:s18] =	ssyncadd.s32 $0xFFFFF000  }
0x31: {  	[spmem:s6] =	stream.linear.scatter [tilespmem:s17], [sflag:$0x3], $0x1000, $0x38;
	[tilespmem:$0x1E800] =	vst v63  }
0x32: {  	_ =	swait.ge [sflag:s18], $0x1000  }
0x33: {  	[sflag:s18] =	ssyncset.done $0x0  }
0x34: {  	s0 =	rddreg [dreg:$0x12];
	[sflag:s18] =	ssyncadd.s32 $0xFFFFF000  }
0x35: {  	[spmem:s0] =	stream.linear.scatter [tilespmem:s17], [sflag:$0x3], $0x1000, $0x38;
	[tilespmem:$0x1E800] =	vst v63  }
0x36: {  	_ =	swait.ge [sflag:s18], $0x1000  }
0x37: {  	[sflag:s18] =	ssyncset.done $0x0  }
0x38: {  	s0 =	rddreg [dreg:$0x17];
	[sflag:s18] =	ssyncadd.s32 $0xFFFFF000  }
0x39: {  	[spmem:s0] =	stream.linear.scatter [tilespmem:s17], [sflag:$0x3], $0x1000, $0x38;
	[tilespmem:$0x1E800] =	vst v63  }
0x3a: {  	_ =	swait.ge [sflag:s18], $0x1000  }
0x3b: {  	[sflag:s18] =	ssyncset.done $0x0  }
0x3c: {  	s0 =	rddreg [dreg:$0x18];
	[sflag:s18] =	ssyncadd.s32 $0xFFFFF000  }
0x3d: {  	[spmem:s0] =	stream.linear.scatter [tilespmem:s17], [sflag:$0x3], $0x1000, $0x38;
	[tilespmem:$0x1E800] =	vst v63  }
0x3e: {  	_ =	swait.ge [sflag:s18], $0x1000  }
0x3f: {  	[sflag:s18] =	ssyncset.done $0x0  }
0x40: {  	s0 =	rddreg [dreg:$0x19];
	[sflag:s18] =	ssyncadd.s32 $0xFFFFF000  }
0x41: {  	[spmem:s0] =	stream.linear.scatter [tilespmem:s17], [sflag:$0x3], $0x1000, $0x38;
	[tilespmem:$0x1E800] =	vst v63  }
0x42: {  	_ =	swait.ge [sflag:s18], $0x1000  }
0x43: {  	[sflag:s18] =	ssyncset.done $0x0  }
0x44: {  	s0 =	rddreg [dreg:$0x1a];
	[sflag:s18] =	ssyncadd.s32 $0xFFFFF000  }
0x45: {  	[spmem:s0] =	stream.linear.scatter [tilespmem:s17], [sflag:$0x3], $0x1000, $0x38;
	[tilespmem:$0x1E800] =	vst v63  }
0x46: {  	_ =	swait.ge [sflag:s18], $0x1000  }
0x47: {  	[sflag:s18] =	ssyncset.done $0x0  }
0x48: {  	s0 =	rddreg [dreg:$0x1b];
	[sflag:s18] =	ssyncadd.s32 $0xFFFFF000  }
0x49: {  	[spmem:s0] =	stream.linear.scatter [tilespmem:s17], [sflag:$0x3], $0x1000, $0x38;
	[tilespmem:$0x1E800] =	vst v63  }
0x4a: {  	_ =	swait.ge [sflag:s18], $0x1000  }
0x4b: {  	[sflag:s18] =	ssyncset.done $0x0  }
0x4c: {  	s0 =	rddreg [dreg:$0x1c];
	[sflag:s18] =	ssyncadd.s32 $0xFFFFF000  }
0x4d: {  	[spmem:s0] =	stream.linear.scatter [tilespmem:s17], [sflag:$0x3], $0x1000, $0x38;
	[tilespmem:$0x1E800] =	vst v63  }
0x4e: {  	_ =	swait.ge [sflag:s18], $0x1000  }
0x4f: {  	[sflag:s18] =	ssyncset.done $0x0  }
0x50: {  	[sflag:s18] =	ssyncadd.s32 $0xFFFFF000  }
0x51: {  	[spmem:s3] =	stream.linear.scatter [tilespmem:s17], [sflag:$0x3], $0x1000, $0x38;
	[tilespmem:$0x1E800] =	vst v63  }
0x52: {  	_ =	swait.ge [sflag:s18], $0x1000  }
0x53: {  	[sflag:s18] =	ssyncset.done $0x0  }
0x54: {  	[sflag:s18] =	ssyncadd.s32 $0xFFFFF000  }
0x55: {  	[spmem:s4] =	stream.linear.scatter [tilespmem:s17], [sflag:$0x3], $0x1000, $0x38;
	[tilespmem:$0x1E800] =	vst v63  }
0x56: {  	_ =	swait.ge [sflag:s18], $0x1000  }
0x57: {  	[sflag:s18] =	ssyncset.done $0x0  }
0x58: {  	[sflag:s18] =	ssyncadd.s32 $0xFFFFF000  }
0x59: {  	[spmem:s7] =	stream.linear.scatter [tilespmem:s17], [sflag:$0x3], $0x1000, $0x38;
	[tilespmem:$0x1E800] =	vst v63  }
0x5a: {  	_ =	swait.ge [sflag:s18], $0x1000  }
0x5b: {  	[sflag:s18] =	ssyncset.done $0x0  }
0x5c: {  	[sflag:s18] =	ssyncadd.s32 $0xFFFFF000  }
0x5d: {  	[spmem:s8] =	stream.linear.scatter [tilespmem:s17], [sflag:$0x3], $0x1000, $0x38;
	[tilespmem:$0x1E800] =	vst v63  }
0x5e: {  	_ =	swait.ge [sflag:s18], $0x1000  }
0x5f: {  	[sflag:s18] =	ssyncset.done $0x0  }
0x60: {  	[sflag:s18] =	ssyncadd.s32 $0xFFFFF000  }
0x61: {  	[spmem:s9] =	stream.linear.scatter [tilespmem:s17], [sflag:$0x3], $0x1000, $0x38;
	[tilespmem:$0x1E800] =	vst v63  }
0x62: {  	_ =	swait.ge [sflag:s18], $0x1000  }
0x63: {  	[sflag:s18] =	ssyncset.done $0x0  }
0x64: {  	[sflag:s18] =	ssyncadd.s32 $0xFFFFF000  }
0x65: {  	[spmem:s10] =	stream.linear.scatter [tilespmem:s17], [sflag:$0x3], $0x1000, $0x38;
	[tilespmem:$0x1E800] =	vst v63  }
0x66: {  	_ =	swait.ge [sflag:s18], $0x1000  }
0x67: {  	[sflag:s18] =	ssyncset.done $0x0  }
0x68: {  	[sflag:s18] =	ssyncadd.s32 $0xFFFFF000  }
0x69: {  	[spmem:s11] =	stream.linear.scatter [tilespmem:s17], [sflag:$0x3], $0x1000, $0x38;
	[tilespmem:$0x1E800] =	vst v63  }
0x6a: {  	_ =	swait.ge [sflag:s18], $0x1000  }
0x6b: {  	[sflag:s18] =	ssyncset.done $0x0  }
0x6c: {  	[sflag:s18] =	ssyncadd.s32 $0xFFFFF000  }
0x6d: {  	[spmem:s12] =	stream.linear.scatter [tilespmem:s17], [sflag:$0x3], $0x1000, $0x38;
	[tilespmem:$0x1E800] =	vst v63  }
0x6e: {  	_ =	swait.ge [sflag:s18], $0x1000  }
0x6f: {  	[sflag:s18] =	ssyncset.done $0x0  }
0x70: {  	[sflag:s18] =	ssyncadd.s32 $0xFFFFF000  }
0x71: {  	[spmem:s13] =	stream.linear.scatter [tilespmem:s17], [sflag:$0x3], $0x1000, $0x38;
	[tilespmem:$0x1E800] =	vst v63  }
0x72: {  	_ =	swait.ge [sflag:s18], $0x1000  }
0x73: {  	[sflag:s18] =	ssyncset.done $0x0  }
0x74: {  	[sflag:s18] =	ssyncadd.s32 $0xFFFFF000  }
0x75: {  	[spmem:s14] =	stream.linear.scatter [tilespmem:s17], [sflag:$0x3], $0x1000, $0x38;
	[tilespmem:$0x1E800] =	vst v63  }
0x76: {  	_ =	swait.ge [sflag:s18], $0x1000  }
0x77: {  	[sflag:s18] =	ssyncset.done $0x0  }
0x78: {  	[sflag:s18] =	ssyncadd.s32 $0xFFFFF000  }
0x79: {  	[spmem:s15] =	stream.linear.scatter [tilespmem:s17], [sflag:$0x3], $0x1000, $0x38;
	[tilespmem:$0x1E800] =	vst v63  }
0x7a: {  	_ =	swait.ge [sflag:s18], $0x1000  }
0x7b: {  	[sflag:s18] =	ssyncset.done $0x0  }
0x7c: {  	[sflag:s18] =	ssyncadd.s32 $0xFFFFF000  }
0x7d: {  	[spmem:s16] =	stream.linear.scatter [tilespmem:s17], [sflag:$0x3], $0x1000, $0x38;
	[tilespmem:$0x1E800] =	vst v63  }
0x7e: {  	_ =	swait.ge [sflag:s18], $0x1000  }
0x7f: {  	[sflag:s18] =	ssyncset.done $0x0  }
0x80: {  	s0 =	rddreg [dreg:$0x4];
	[sflag:s18] =	ssyncadd.s32 $0xFFFFF000  }
0x81: {  	[tilespmem:s19], [sflag:$0x3] =	stream.linear.gather [hbm4b:s0+s2], $0x1400, $0x38;
	[tilespmem:$0x1E800] =	vst v63  }
0x82: {  	_ =	swait.ge [sflag:s18], $0x1400  }
0x83: {  	[sflag:s18] =	ssyncset.done $0x0  }
0x84: {  	s0 =	rddreg [dreg:$0x5];
	[sflag:s18] =	ssyncadd.s32 $0xFFFFEC00  }
0x85: {  	[tilespmem:s20], [sflag:$0x3] =	stream.linear.gather [hbm4b:s0+s2], $0x1400, $0x38;
	[tilespmem:$0x1E800] =	vst v63  }
0x86: {  	_ =	swait.ge [sflag:s18], $0x1400  }
0x87: {  	[sflag:s18] =	ssyncset.done $0x0  }
0x88: {  	[sflag:s18] =	ssyncadd.s32 $0xFFFFEC00  }
0x89: {  	[tilespmem:s17], [sflag:$0x1] =	stream.indirect.gather [hbm4b:s5+s21], $0x80, s19, s21, $0xb8;
	[tilespmem:$0x1E800] =	vst v63  }
0x8a: {  	_ = 	snop  }
0x8b: {  	[tilespmem:s23], [sflag:$0x2] =	stream.indirect.gather [hbm4b:s5+s21], $0x80, s22, s21, $0xb8;
	[tilespmem:$0x1E800] =	vst v63  }
0x8c: {  	_ =	swait.ge [sflag:s24], $0x4000  }
0x8d: {  	[sflag:s24] =	ssyncset.done $0x0  }
0x8e: {  	s30 =	simm.s32 $0x15400;
	[sflag:s24] =	ssyncadd.s32 $0xFFFFC000  }
0x8f: {  	[spmem:s1] =	stream.indirect.scatter.add.f32 [tilespmem:s17], [sflag:$0x3], $0x80, s30, s21, $0xb8;
	[tilespmem:$0x1E800] =	vst v63  }
0x90: {  	_ =	swait.ge [sflag:s18], $0x4000  }
0x91: {  	[sflag:s18] =	ssyncset.done $0x0  }
0x92: {  	s30 =	simm.s32 $0x14100;
	[sflag:s18] =	ssyncadd.s32 $0xFFFFC000  }
0x93: {  	[tilespmem:s17], [sflag:$0x1] =	stream.indirect.gather [hbm4b:s5+s21], $0x80, s30, s21, $0xb8;
	[tilespmem:$0x1E800] =	vst v63  }
0x94: {  	_ =	swait.ge [sflag:s25], $0x4000  }
0x95: {  	[sflag:s25] =	ssyncset.done $0x0  }
0x96: {  	s30 =	simm.s32 $0x15480;
	[sflag:s25] =	ssyncadd.s32 $0xFFFFC000  }
0x97: {  	[spmem:s1] =	stream.indirect.scatter.add.f32 [tilespmem:s23], [sflag:$0x3], $0x80, s30, s21, $0xb8;
	[tilespmem:$0x1E800] =	vst v63  }
0x98: {  	_ =	swait.ge [sflag:s18], $0x4000  }
0x99: {  	[sflag:s18] =	ssyncset.done $0x0  }
0x9a: {  	s31 =	simm.s32 $0x14180;
	s30 =	simm.s32 $0x400;
	[sflag:s18] =	ssyncadd.s32 $0xFFFFC000  }
.LBB2_2:
0x9b: {  	[tilespmem:s23], [sflag:$0x2] =	stream.indirect.gather [hbm4b:s5+s21], $0x80, s31, s21, $0xb8;
	[tilespmem:$0x1E800] =	vst v63  }
0x9c: {  	s31 =	smov.u32 s30  }
0x9d: {  	p0 =	sne.s32 s30, $0x4800;
	s30 =	sadd.s32 $0x400, s30;
	_ =	swait.ge [sflag:s24], $0x4000  }
0x9e: {  	s31 =	sshra.s32 s31, $0x2;
	[sflag:s24] =	ssyncset.done $0x0  }
0x9f: {  	s0 =	sadd.s32 $0x15400, s31;
	[sflag:s24] =	ssyncadd.s32 $0xFFFFC000  }
0xa0: {  	[spmem:s1] =	stream.indirect.scatter.add.f32 [tilespmem:s17], [sflag:$0x3], $0x80, s0, s21, $0xb8;
	[tilespmem:$0x1E800] =	vst v63  }
0xa1: {  	_ =	swait.ge [sflag:s18], $0x4000  }
0xa2: {  	[sflag:s18] =	ssyncset.done $0x0  }
0xa3: {  	s0 =	sadd.s32 $0x14100, s31;
	[sflag:s18] =	ssyncadd.s32 $0xFFFFC000  }
0xa4: {  	[tilespmem:s17], [sflag:$0x1] =	stream.indirect.gather [hbm4b:s5+s21], $0x80, s0, s21, $0xb8;
	[tilespmem:$0x1E800] =	vst v63  }
0xa5: {  	_ =	swait.ge [sflag:s25], $0x4000  }
0xa6: {  	[sflag:s25] =	ssyncset.done $0x0  }
.Ltmp0:
0xa7: {  	s0 =	sadd.s32 $0x15480, s31;
	[sflag:s25] =	ssyncadd.s32 $0xFFFFC000;
	(pc) =	sbr.rel @p0 .LBB2_2-.Ltmp0, $4  }
0xa8: {  	[spmem:s1] =	stream.indirect.scatter.add.f32 [tilespmem:s23], [sflag:$0x3], $0x80, s0, s21, $0xb8;
	[tilespmem:$0x1E800] =	vst v63  }
0xa9: {  	_ =	swait.ge [sflag:s18], $0x4000  }
0xaa: {  	[sflag:s18] =	ssyncset.done $0x0  }
0xab: {  	s31 =	sadd.s32 $0x14180, s31;
	[sflag:s18] =	ssyncadd.s32 $0xFFFFC000  }
0xac: {  	[tilespmem:s23], [sflag:$0x2] =	stream.indirect.gather [hbm4b:s5+s21], $0x80, s31, s21, $0xb8;
	[tilespmem:$0x1E800] =	vst v63  }
0xad: {  	_ =	swait.ge [sflag:s24], $0x4000  }
0xae: {  	[sflag:s24] =	ssyncset.done $0x0  }
0xaf: {  	[sflag:s24] =	ssyncadd.s32 $0xFFFFC000  }
0xb0: {  	[spmem:s1] =	stream.indirect.scatter.add.f32 [tilespmem:s17], [sflag:$0x3], $0x80, s26, s21, $0xb8;
	[tilespmem:$0x1E800] =	vst v63  }
0xb1: {  	_ =	swait.ge [sflag:s18], $0x4000  }
0xb2: {  	[sflag:s18] =	ssyncset.done $0x0  }
0xb3: {  	[sflag:s18] =	ssyncadd.s32 $0xFFFFC000  }
0xb4: {  	_ =	swait.ge [sflag:s25], $0x4000  }
0xb5: {  	[sflag:s25] =	ssyncset.done $0x0  }
0xb6: {  	[sflag:s25] =	ssyncadd.s32 $0xFFFFC000  }
0xb7: {  	[spmem:s1] =	stream.indirect.scatter.add.f32 [tilespmem:s23], [sflag:$0x3], $0x80, s28, s21, $0xb8;
	[tilespmem:$0x1E800] =	vst v63  }
0xb8: {  	_ =	swait.ge [sflag:s18], $0x4000  }
0xb9: {  	[sflag:s18] =	ssyncset.done $0x0  }
0xba: {  	s0 =	simm.s32 $0x0;
	s30 =	rddreg [dreg:$0x6];
	[sflag:s18] =	ssyncadd.s32 $0xFFFFC000  }
0xbb: {  	[tilespmem:s19], [sflag:$0x3] =	stream.linear.gather [hbm4b:s30+s0], $0x1400, $0x38;
	[tilespmem:$0x1E800] =	vst v63  }
0xbc: {  	_ =	swait.ge [sflag:s18], $0x1400  }
0xbd: {  	[sflag:s18] =	ssyncset.done $0x0  }
0xbe: {  	s30 =	rddreg [dreg:$0x7];
	[sflag:s18] =	ssyncadd.s32 $0xFFFFEC00  }
0xbf: {  	[tilespmem:s20], [sflag:$0x3] =	stream.linear.gather [hbm4b:s30+s0], $0x1400, $0x38;
	[tilespmem:$0x1E800] =	vst v63  }
0xc0: {  	_ =	swait.ge [sflag:s18], $0x1400  }
0xc1: {  	[sflag:s18] =	ssyncset.done $0x0  }
0xc2: {  	[sflag:s18] =	ssyncadd.s32 $0xFFFFEC00  }
0xc3: {  	[tilespmem:s17], [sflag:$0x1] =	stream.indirect.gather [hbm4b:s5+s21], $0x80, s19, s21, $0xb8;
	[tilespmem:$0x1E800] =	vst v63  }
0xc4: {  	_ = 	snop  }
0xc5: {  	[tilespmem:s23], [sflag:$0x2] =	stream.indirect.gather [hbm4b:s5+s21], $0x80, s22, s21, $0xb8;
	[tilespmem:$0x1E800] =	vst v63  }
0xc6: {  	_ =	swait.ge [sflag:s24], $0x4000  }
0xc7: {  	[sflag:s24] =	ssyncset.done $0x0  }
0xc8: {  	s0 =	simm.s32 $0x15400;
	[sflag:s24] =	ssyncadd.s32 $0xFFFFC000  }
0xc9: {  	[spmem:s1] =	stream.indirect.scatter.add.f32 [tilespmem:s17], [sflag:$0x3], $0x80, s0, s21, $0xb8;
	[tilespmem:$0x1E800] =	vst v63  }
0xca: {  	_ =	swait.ge [sflag:s18], $0x4000  }
0xcb: {  	[sflag:s18] =	ssyncset.done $0x0  }
0xcc: {  	s0 =	simm.s32 $0x14100;
	[sflag:s18] =	ssyncadd.s32 $0xFFFFC000  }
0xcd: {  	[tilespmem:s17], [sflag:$0x1] =	stream.indirect.gather [hbm4b:s5+s21], $0x80, s0, s21, $0xb8;
	[tilespmem:$0x1E800] =	vst v63  }
0xce: {  	_ =	swait.ge [sflag:s25], $0x4000  }
0xcf: {  	[sflag:s25] =	ssyncset.done $0x0  }
0xd0: {  	s0 =	simm.s32 $0x15480;
	[sflag:s25] =	ssyncadd.s32 $0xFFFFC000  }
0xd1: {  	[spmem:s1] =	stream.indirect.scatter.add.f32 [tilespmem:s23], [sflag:$0x3], $0x80, s0, s21, $0xb8;
	[tilespmem:$0x1E800] =	vst v63  }
0xd2: {  	_ =	swait.ge [sflag:s18], $0x4000  }
0xd3: {  	[sflag:s18] =	ssyncset.done $0x0  }
0xd4: {  	s31 =	simm.s32 $0x14180;
	s30 =	simm.s32 $0x400;
	[sflag:s18] =	ssyncadd.s32 $0xFFFFC000  }
.LBB2_4:
0xd5: {  	[tilespmem:s23], [sflag:$0x2] =	stream.indirect.gather [hbm4b:s5+s21], $0x80, s31, s21, $0xb8;
	[tilespmem:$0x1E800] =	vst v63  }
0xd6: {  	s0 =	smov.u32 s30  }
0xd7: {  	p0 =	sne.s32 s30, $0x4800;
	s30 =	sadd.s32 $0x400, s30;
	_ =	swait.ge [sflag:s24], $0x4000  }
0xd8: {  	s0 =	sshra.s32 s0, $0x2;
	[sflag:s24] =	ssyncset.done $0x0  }
0xd9: {  	s31 =	sadd.s32 $0x15400, s0;
	[sflag:s24] =	ssyncadd.s32 $0xFFFFC000  }
0xda: {  	[spmem:s1] =	stream.indirect.scatter.add.f32 [tilespmem:s17], [sflag:$0x3], $0x80, s31, s21, $0xb8;
	[tilespmem:$0x1E800] =	vst v63  }
0xdb: {  	_ =	swait.ge [sflag:s18], $0x4000  }
0xdc: {  	[sflag:s18] =	ssyncset.done $0x0  }
0xdd: {  	s31 =	sadd.s32 $0x14100, s0;
	[sflag:s18] =	ssyncadd.s32 $0xFFFFC000  }
0xde: {  	[tilespmem:s17], [sflag:$0x1] =	stream.indirect.gather [hbm4b:s5+s21], $0x80, s31, s21, $0xb8;
	[tilespmem:$0x1E800] =	vst v63  }
0xdf: {  	_ =	swait.ge [sflag:s25], $0x4000  }
0xe0: {  	[sflag:s25] =	ssyncset.done $0x0  }
.Ltmp1:
0xe1: {  	s31 =	sadd.s32 $0x15480, s0;
	[sflag:s25] =	ssyncadd.s32 $0xFFFFC000;
	(pc) =	sbr.rel @p0 .LBB2_4-.Ltmp1, $4  }
0xe2: {  	[spmem:s1] =	stream.indirect.scatter.add.f32 [tilespmem:s23], [sflag:$0x3], $0x80, s31, s21, $0xb8;
	[tilespmem:$0x1E800] =	vst v63  }
0xe3: {  	_ =	swait.ge [sflag:s18], $0x4000  }
0xe4: {  	[sflag:s18] =	ssyncset.done $0x0  }
0xe5: {  	s31 =	sadd.s32 $0x14180, s0;
	[sflag:s18] =	ssyncadd.s32 $0xFFFFC000  }
0xe6: {  	[tilespmem:s23], [sflag:$0x2] =	stream.indirect.gather [hbm4b:s5+s21], $0x80, s31, s21, $0xb8;
	[tilespmem:$0x1E800] =	vst v63  }
0xe7: {  	_ =	swait.ge [sflag:s24], $0x4000  }
0xe8: {  	[sflag:s24] =	ssyncset.done $0x0  }
0xe9: {  	[sflag:s24] =	ssyncadd.s32 $0xFFFFC000  }
0xea: {  	[spmem:s1] =	stream.indirect.scatter.add.f32 [tilespmem:s17], [sflag:$0x3], $0x80, s26, s21, $0xb8;
	[tilespmem:$0x1E800] =	vst v63  }
0xeb: {  	_ =	swait.ge [sflag:s18], $0x4000  }
0xec: {  	[sflag:s18] =	ssyncset.done $0x0  }
0xed: {  	[sflag:s18] =	ssyncadd.s32 $0xFFFFC000  }
0xee: {  	_ =	swait.ge [sflag:s25], $0x4000  }
0xef: {  	[sflag:s25] =	ssyncset.done $0x0  }
0xf0: {  	[sflag:s25] =	ssyncadd.s32 $0xFFFFC000  }
0xf1: {  	[spmem:s1] =	stream.indirect.scatter.add.f32 [tilespmem:s23], [sflag:$0x3], $0x80, s28, s21, $0xb8;
	[tilespmem:$0x1E800] =	vst v63  }
0xf2: {  	_ =	swait.ge [sflag:s18], $0x4000  }
0xf3: {  	[sflag:s18] =	ssyncset.done $0x0  }
0xf4: {  	s0 =	simm.s32 $0x0;
	s30 =	rddreg [dreg:$0x8];
	[sflag:s18] =	ssyncadd.s32 $0xFFFFC000  }
0xf5: {  	[tilespmem:s19], [sflag:$0x3] =	stream.linear.gather [hbm4b:s30+s0], $0x1400, $0x38;
	[tilespmem:$0x1E800] =	vst v63  }
0xf6: {  	_ =	swait.ge [sflag:s18], $0x1400  }
0xf7: {  	[sflag:s18] =	ssyncset.done $0x0  }
0xf8: {  	s30 =	rddreg [dreg:$0x9];
	[sflag:s18] =	ssyncadd.s32 $0xFFFFEC00  }
0xf9: {  	[tilespmem:s20], [sflag:$0x3] =	stream.linear.gather [hbm4b:s30+s0], $0x1400, $0x38;
	[tilespmem:$0x1E800] =	vst v63  }
0xfa: {  	_ =	swait.ge [sflag:s18], $0x1400  }
0xfb: {  	[sflag:s18] =	ssyncset.done $0x0  }
0xfc: {  	[sflag:s18] =	ssyncadd.s32 $0xFFFFEC00  }
0xfd: {  	[tilespmem:s17], [sflag:$0x1] =	stream.indirect.gather [hbm4b:s5+s21], $0x80, s19, s21, $0xb8;
	[tilespmem:$0x1E800] =	vst v63  }
0xfe: {  	_ = 	snop  }
0xff: {  	[tilespmem:s23], [sflag:$0x2] =	stream.indirect.gather [hbm4b:s5+s21], $0x80, s22, s21, $0xb8;
	[tilespmem:$0x1E800] =	vst v63  }
0x100: {  	_ =	swait.ge [sflag:s24], $0x4000  }
0x101: {  	[sflag:s24] =	ssyncset.done $0x0  }
0x102: {  	s0 =	simm.s32 $0x15400;
	[sflag:s24] =	ssyncadd.s32 $0xFFFFC000  }
0x103: {  	[spmem:s1] =	stream.indirect.scatter.add.f32 [tilespmem:s17], [sflag:$0x3], $0x80, s0, s21, $0xb8;
	[tilespmem:$0x1E800] =	vst v63  }
0x104: {  	_ =	swait.ge [sflag:s18], $0x4000  }
0x105: {  	[sflag:s18] =	ssyncset.done $0x0  }
0x106: {  	s0 =	simm.s32 $0x14100;
	[sflag:s18] =	ssyncadd.s32 $0xFFFFC000  }
0x107: {  	[tilespmem:s17], [sflag:$0x1] =	stream.indirect.gather [hbm4b:s5+s21], $0x80, s0, s21, $0xb8;
	[tilespmem:$0x1E800] =	vst v63  }
0x108: {  	_ =	swait.ge [sflag:s25], $0x4000  }
0x109: {  	[sflag:s25] =	ssyncset.done $0x0  }
0x10a: {  	s0 =	simm.s32 $0x15480;
	[sflag:s25] =	ssyncadd.s32 $0xFFFFC000  }
0x10b: {  	[spmem:s1] =	stream.indirect.scatter.add.f32 [tilespmem:s23], [sflag:$0x3], $0x80, s0, s21, $0xb8;
	[tilespmem:$0x1E800] =	vst v63  }
0x10c: {  	_ =	swait.ge [sflag:s18], $0x4000  }
0x10d: {  	[sflag:s18] =	ssyncset.done $0x0  }
0x10e: {  	s31 =	simm.s32 $0x14180;
	s30 =	simm.s32 $0x400;
	[sflag:s18] =	ssyncadd.s32 $0xFFFFC000  }
.LBB2_6:
0x10f: {  	[tilespmem:s23], [sflag:$0x2] =	stream.indirect.gather [hbm4b:s5+s21], $0x80, s31, s21, $0xb8;
	[tilespmem:$0x1E800] =	vst v63  }
0x110: {  	s0 =	smov.u32 s30  }
0x111: {  	p0 =	sne.s32 s30, $0x4800;
	s30 =	sadd.s32 $0x400, s30;
	_ =	swait.ge [sflag:s24], $0x4000  }
0x112: {  	s0 =	sshra.s32 s0, $0x2;
	[sflag:s24] =	ssyncset.done $0x0  }
0x113: {  	s31 =	sadd.s32 $0x15400, s0;
	[sflag:s24] =	ssyncadd.s32 $0xFFFFC000  }
0x114: {  	[spmem:s1] =	stream.indirect.scatter.add.f32 [tilespmem:s17], [sflag:$0x3], $0x80, s31, s21, $0xb8;
	[tilespmem:$0x1E800] =	vst v63  }
0x115: {  	_ =	swait.ge [sflag:s18], $0x4000  }
0x116: {  	[sflag:s18] =	ssyncset.done $0x0  }
0x117: {  	s31 =	sadd.s32 $0x14100, s0;
	[sflag:s18] =	ssyncadd.s32 $0xFFFFC000  }
0x118: {  	[tilespmem:s17], [sflag:$0x1] =	stream.indirect.gather [hbm4b:s5+s21], $0x80, s31, s21, $0xb8;
	[tilespmem:$0x1E800] =	vst v63  }
0x119: {  	_ =	swait.ge [sflag:s25], $0x4000  }
0x11a: {  	[sflag:s25] =	ssyncset.done $0x0  }
.Ltmp2:
0x11b: {  	s31 =	sadd.s32 $0x15480, s0;
	[sflag:s25] =	ssyncadd.s32 $0xFFFFC000;
	(pc) =	sbr.rel @p0 .LBB2_6-.Ltmp2, $4  }
0x11c: {  	[spmem:s1] =	stream.indirect.scatter.add.f32 [tilespmem:s23], [sflag:$0x3], $0x80, s31, s21, $0xb8;
	[tilespmem:$0x1E800] =	vst v63  }
0x11d: {  	_ =	swait.ge [sflag:s18], $0x4000  }
0x11e: {  	[sflag:s18] =	ssyncset.done $0x0  }
0x11f: {  	s31 =	sadd.s32 $0x14180, s0;
	[sflag:s18] =	ssyncadd.s32 $0xFFFFC000  }
0x120: {  	[tilespmem:s23], [sflag:$0x2] =	stream.indirect.gather [hbm4b:s5+s21], $0x80, s31, s21, $0xb8;
	[tilespmem:$0x1E800] =	vst v63  }
0x121: {  	_ =	swait.ge [sflag:s24], $0x4000  }
0x122: {  	[sflag:s24] =	ssyncset.done $0x0  }
0x123: {  	[sflag:s24] =	ssyncadd.s32 $0xFFFFC000  }
0x124: {  	[spmem:s1] =	stream.indirect.scatter.add.f32 [tilespmem:s17], [sflag:$0x3], $0x80, s26, s21, $0xb8;
	[tilespmem:$0x1E800] =	vst v63  }
0x125: {  	_ =	swait.ge [sflag:s18], $0x4000  }
0x126: {  	[sflag:s18] =	ssyncset.done $0x0  }
0x127: {  	[sflag:s18] =	ssyncadd.s32 $0xFFFFC000  }
0x128: {  	_ =	swait.ge [sflag:s25], $0x4000  }
0x129: {  	[sflag:s25] =	ssyncset.done $0x0  }
0x12a: {  	[sflag:s25] =	ssyncadd.s32 $0xFFFFC000  }
0x12b: {  	[spmem:s1] =	stream.indirect.scatter.add.f32 [tilespmem:s23], [sflag:$0x3], $0x80, s28, s21, $0xb8;
	[tilespmem:$0x1E800] =	vst v63  }
0x12c: {  	_ =	swait.ge [sflag:s18], $0x4000  }
0x12d: {  	[sflag:s18] =	ssyncset.done $0x0  }
0x12e: {  	s0 =	simm.s32 $0x0;
	s30 =	rddreg [dreg:$0xa];
	[sflag:s18] =	ssyncadd.s32 $0xFFFFC000  }
0x12f: {  	[tilespmem:s19], [sflag:$0x3] =	stream.linear.gather [hbm4b:s30+s0], $0x1400, $0x38;
	[tilespmem:$0x1E800] =	vst v63  }
0x130: {  	_ =	swait.ge [sflag:s18], $0x1400  }
0x131: {  	[sflag:s18] =	ssyncset.done $0x0  }
0x132: {  	s30 =	rddreg [dreg:$0xb];
	[sflag:s18] =	ssyncadd.s32 $0xFFFFEC00  }
0x133: {  	[tilespmem:s20], [sflag:$0x3] =	stream.linear.gather [hbm4b:s30+s0], $0x1400, $0x38;
	[tilespmem:$0x1E800] =	vst v63  }
0x134: {  	_ =	swait.ge [sflag:s18], $0x1400  }
0x135: {  	[sflag:s18] =	ssyncset.done $0x0  }
0x136: {  	[sflag:s18] =	ssyncadd.s32 $0xFFFFEC00  }
0x137: {  	[tilespmem:s17], [sflag:$0x1] =	stream.indirect.gather [hbm4b:s5+s21], $0x80, s19, s21, $0xb8;
	[tilespmem:$0x1E800] =	vst v63  }
0x138: {  	_ = 	snop  }
0x139: {  	[tilespmem:s23], [sflag:$0x2] =	stream.indirect.gather [hbm4b:s5+s21], $0x80, s22, s21, $0xb8;
	[tilespmem:$0x1E800] =	vst v63  }
0x13a: {  	_ =	swait.ge [sflag:s24], $0x4000  }
0x13b: {  	[sflag:s24] =	ssyncset.done $0x0  }
0x13c: {  	s0 =	simm.s32 $0x15400;
	[sflag:s24] =	ssyncadd.s32 $0xFFFFC000  }
0x13d: {  	[spmem:s1] =	stream.indirect.scatter.add.f32 [tilespmem:s17], [sflag:$0x3], $0x80, s0, s21, $0xb8;
	[tilespmem:$0x1E800] =	vst v63  }
0x13e: {  	_ =	swait.ge [sflag:s18], $0x4000  }
0x13f: {  	[sflag:s18] =	ssyncset.done $0x0  }
0x140: {  	s0 =	simm.s32 $0x14100;
	[sflag:s18] =	ssyncadd.s32 $0xFFFFC000  }
0x141: {  	[tilespmem:s17], [sflag:$0x1] =	stream.indirect.gather [hbm4b:s5+s21], $0x80, s0, s21, $0xb8;
	[tilespmem:$0x1E800] =	vst v63  }
0x142: {  	_ =	swait.ge [sflag:s25], $0x4000  }
0x143: {  	[sflag:s25] =	ssyncset.done $0x0  }
0x144: {  	s0 =	simm.s32 $0x15480;
	[sflag:s25] =	ssyncadd.s32 $0xFFFFC000  }
0x145: {  	[spmem:s1] =	stream.indirect.scatter.add.f32 [tilespmem:s23], [sflag:$0x3], $0x80, s0, s21, $0xb8;
	[tilespmem:$0x1E800] =	vst v63  }
0x146: {  	_ =	swait.ge [sflag:s18], $0x4000  }
0x147: {  	[sflag:s18] =	ssyncset.done $0x0  }
0x148: {  	s31 =	simm.s32 $0x14180;
	s30 =	simm.s32 $0x400;
	[sflag:s18] =	ssyncadd.s32 $0xFFFFC000  }
.LBB2_8:
0x149: {  	[tilespmem:s23], [sflag:$0x2] =	stream.indirect.gather [hbm4b:s5+s21], $0x80, s31, s21, $0xb8;
	[tilespmem:$0x1E800] =	vst v63  }
0x14a: {  	s0 =	smov.u32 s30  }
0x14b: {  	p0 =	sne.s32 s30, $0x4800;
	s30 =	sadd.s32 $0x400, s30;
	_ =	swait.ge [sflag:s24], $0x4000  }
0x14c: {  	s0 =	sshra.s32 s0, $0x2;
	[sflag:s24] =	ssyncset.done $0x0  }
0x14d: {  	s31 =	sadd.s32 $0x15400, s0;
	[sflag:s24] =	ssyncadd.s32 $0xFFFFC000  }
0x14e: {  	[spmem:s1] =	stream.indirect.scatter.add.f32 [tilespmem:s17], [sflag:$0x3], $0x80, s31, s21, $0xb8;
	[tilespmem:$0x1E800] =	vst v63  }
0x14f: {  	_ =	swait.ge [sflag:s18], $0x4000  }
0x150: {  	[sflag:s18] =	ssyncset.done $0x0  }
0x151: {  	s31 =	sadd.s32 $0x14100, s0;
	[sflag:s18] =	ssyncadd.s32 $0xFFFFC000  }
0x152: {  	[tilespmem:s17], [sflag:$0x1] =	stream.indirect.gather [hbm4b:s5+s21], $0x80, s31, s21, $0xb8;
	[tilespmem:$0x1E800] =	vst v63  }
0x153: {  	_ =	swait.ge [sflag:s25], $0x4000  }
0x154: {  	[sflag:s25] =	ssyncset.done $0x0  }
.Ltmp3:
0x155: {  	s31 =	sadd.s32 $0x15480, s0;
	[sflag:s25] =	ssyncadd.s32 $0xFFFFC000;
	(pc) =	sbr.rel @p0 .LBB2_8-.Ltmp3, $4  }
0x156: {  	[spmem:s1] =	stream.indirect.scatter.add.f32 [tilespmem:s23], [sflag:$0x3], $0x80, s31, s21, $0xb8;
	[tilespmem:$0x1E800] =	vst v63  }
0x157: {  	_ =	swait.ge [sflag:s18], $0x4000  }
0x158: {  	[sflag:s18] =	ssyncset.done $0x0  }
0x159: {  	s31 =	sadd.s32 $0x14180, s0;
	[sflag:s18] =	ssyncadd.s32 $0xFFFFC000  }
0x15a: {  	[tilespmem:s23], [sflag:$0x2] =	stream.indirect.gather [hbm4b:s5+s21], $0x80, s31, s21, $0xb8;
	[tilespmem:$0x1E800] =	vst v63  }
0x15b: {  	_ =	swait.ge [sflag:s24], $0x4000  }
0x15c: {  	[sflag:s24] =	ssyncset.done $0x0  }
0x15d: {  	[sflag:s24] =	ssyncadd.s32 $0xFFFFC000  }
0x15e: {  	[spmem:s1] =	stream.indirect.scatter.add.f32 [tilespmem:s17], [sflag:$0x3], $0x80, s26, s21, $0xb8;
	[tilespmem:$0x1E800] =	vst v63  }
0x15f: {  	_ =	swait.ge [sflag:s18], $0x4000  }
0x160: {  	[sflag:s18] =	ssyncset.done $0x0  }
0x161: {  	[sflag:s18] =	ssyncadd.s32 $0xFFFFC000  }
0x162: {  	_ =	swait.ge [sflag:s25], $0x4000  }
0x163: {  	[sflag:s25] =	ssyncset.done $0x0  }
0x164: {  	[sflag:s25] =	ssyncadd.s32 $0xFFFFC000  }
0x165: {  	[spmem:s1] =	stream.indirect.scatter.add.f32 [tilespmem:s23], [sflag:$0x3], $0x80, s28, s21, $0xb8;
	[tilespmem:$0x1E800] =	vst v63  }
0x166: {  	_ =	swait.ge [sflag:s18], $0x4000  }
0x167: {  	[sflag:s18] =	ssyncset.done $0x0  }
0x168: {  	[sflag:s18] =	ssyncadd.s32 $0xFFFFC000  }
0x169: {  	[bflag:$0x0] =	sbarrier.arrive $0xFFFF  }
0x16a: {  	[tilespmem:s17], [sflag:$0x3] =	stream.linear.gather [spmem:s6], $0x4000, $0x38;
	[tilespmem:$0x1E800] =	vst v63  }
0x16b: {  	_ =	swait.ge [sflag:s18], $0x4000  }
0x16c: {  	[sflag:s18] =	ssyncset.done $0x0  }
0x16d: {  	s0 =	rddreg [dreg:$0xd];
	[sflag:s18] =	ssyncadd.s32 $0xFFFFC000  }
0x16e: {  	[hbm4b:s0+s2] =	stream.linear.scatter [tilespmem:s17], [sflag:$0x3], $0x4000, $0x38;
	[tilespmem:$0x1E800] =	vst v63  }
0x16f: {  	_ =	swait.ge [sflag:s18], $0x4000  }
0x170: {  	[sflag:s18] =	ssyncset.done $0x0  }
0x171: {  	s31 =	rddreg [dreg:$0x13];
	[sflag:s18] =	ssyncadd.s32 $0xFFFFC000  }
0x172: {  	[tilespmem:s17], [sflag:$0x3] =	stream.linear.gather [spmem:s31], $0x4000, $0x38;
	[tilespmem:$0x1E800] =	vst v63  }
0x173: {  	_ =	swait.ge [sflag:s18], $0x4000  }
0x174: {  	[sflag:s18] =	ssyncset.done $0x0  }
0x175: {  	s30 =	rddreg [dreg:$0xe];
	[sflag:s18] =	ssyncadd.s32 $0xFFFFC000  }
0x176: {  	[hbm4b:s30+s2] =	stream.linear.scatter [tilespmem:s17], [sflag:$0x3], $0x4000, $0x38;
	[tilespmem:$0x1E800] =	vst v63  }
0x177: {  	_ =	swait.ge [sflag:s18], $0x4000  }
0x178: {  	[sflag:s18] =	ssyncset.done $0x0  }
0x179: {  	s31 =	rddreg [dreg:$0x14];
	[sflag:s18] =	ssyncadd.s32 $0xFFFFC000  }
0x17a: {  	[tilespmem:s17], [sflag:$0x3] =	stream.linear.gather [spmem:s31], $0x4000, $0x38;
	[tilespmem:$0x1E800] =	vst v63  }
0x17b: {  	_ =	swait.ge [sflag:s18], $0x4000  }
0x17c: {  	[sflag:s18] =	ssyncset.done $0x0  }
0x17d: {  	s30 =	rddreg [dreg:$0xf];
	[sflag:s18] =	ssyncadd.s32 $0xFFFFC000  }
0x17e: {  	[hbm4b:s30+s2] =	stream.linear.scatter [tilespmem:s17], [sflag:$0x3], $0x4000, $0x38;
	[tilespmem:$0x1E800] =	vst v63  }
0x17f: {  	_ =	swait.ge [sflag:s18], $0x4000  }
0x180: {  	[sflag:s18] =	ssyncset.done $0x0  }
0x181: {  	s31 =	rddreg [dreg:$0x15];
	[sflag:s18] =	ssyncadd.s32 $0xFFFFC000  }
0x182: {  	[tilespmem:s17], [sflag:$0x3] =	stream.linear.gather [spmem:s31], $0x4000, $0x38;
	[tilespmem:$0x1E800] =	vst v63  }
0x183: {  	_ =	swait.ge [sflag:s18], $0x4000  }
0x184: {  	[sflag:s18] =	ssyncset.done $0x0  }
0x185: {  	s30 =	rddreg [dreg:$0x10];
	[sflag:s18] =	ssyncadd.s32 $0xFFFFC000  }
0x186: {  	[hbm4b:s30+s2] =	stream.linear.scatter [tilespmem:s17], [sflag:$0x3], $0x4000, $0x38;
	[tilespmem:$0x1E800] =	vst v63  }
0x187: {  	_ =	swait.ge [sflag:s18], $0x4000  }
0x188: {  	[sflag:s18] =	ssyncset.done $0x0  }
0x189: {  	s31 =	rddreg [dreg:$0x16];
	[sflag:s18] =	ssyncadd.s32 $0xFFFFC000  }
0x18a: {  	[tilespmem:s17], [sflag:$0x3] =	stream.linear.gather [spmem:s31], $0x4000, $0x38;
	[tilespmem:$0x1E800] =	vst v63  }
0x18b: {  	_ =	swait.ge [sflag:s18], $0x4000  }
0x18c: {  	[sflag:s18] =	ssyncset.done $0x0  }
0x18d: {  	s30 =	rddreg [dreg:$0x11];
	[sflag:s18] =	ssyncadd.s32 $0xFFFFC000  }
0x18e: {  	[hbm4b:s30+s2] =	stream.linear.scatter [tilespmem:s17], [sflag:$0x3], $0x4000, $0x38;
	[tilespmem:$0x1E800] =	vst v63  }
0x18f: {  	_ =	swait.ge [sflag:s18], $0x4000  }
0x190: {  	s29 =	sadd.s32 $0x1, s29;
	s31 =	rddreg [dreg:$0xc]  }
0x191: {  	p0 =	sne.s32 s29, s31  }
.Ltmp4:
0x192: {  	_ = 	snop;
	(pc) =	sbr.rel @p0 .LBB2_1-.Ltmp4, $3  }
0x193: {  	_ =	sdelay $0x1  }
0x194: {  	[sflag:s18] =	ssyncset.done $0x0  }
0x195: {  	[sflag:s18] =	ssyncadd.s32 $0xFFFFC000  }
0x196: {  	_ =	sfence.sel $0x180000  }
0x197: {  	[bflag:$0x0] =	sbarrier.arrive $0xFFFF  }
0x198: {  	_ =	strace $0x9000004A  }
0x199: {  	s0 =	stileid.u32;
	[bflag:$0x2] =	sbarrier.arrive $0xFFFF  }
0x19a: {  	p0 =	sne.s32 s0, $0x0;
	s0 =	rddreg [dreg:$0x2]  }
0x19b: {  	s0 =	sadd.s32 @!p0 $0x100000, s0  }
0x19c: {  	[sflag:s0] =	ssyncadd.tile.s32 @!p0 $0x1;
	_ =	shalt  }
.Lfunc_end2:
_tile_overlayer_lowered:
.L_overlay_start_2:
0x19d: {  	(tag) =	ssettag $0x2  }
0x19e: {  	s0 =	rddreg [dreg:$0x0];
	s2 =	stileid.u32  }
0x19f: {  	s1 =	rddreg [dreg:$0x1];
	p0 =	sne.s32 s2, $0x0  }
0x1a0: {  	s3 =	rddreg [dreg:$0x2];
	[bflag:$0x3] =	sbarrier.arrive $0xFFFF;
	s2 =	simm.s32 @!p0 $0x1C03  }
0x1a1: {  	[timem:s3], [sflag:s2] =	dma.local @!p0 [hbm:s0], s1  }
0x1a2: {  	s0 =	simm.s32 @!p0 $0x3  }
0x1a3: {  	_ =	swait.ge @!p0 [sflag:s0], s1  }
0x1a4: {  	s1 =	ssub.s32 @!p0 $0x0, s1;
	[sflag:s0] =	ssyncset.done @!p0 $0x0  }
0x1a5: {  	[sflag:s0] =	ssyncadd.s32 @!p0 s1  }
0x1a6: {  	[bflag:$0x3] =	sbarrier.arrive $0xFFFF  }
0x1a7: {  	_ =	shalt  }

// kernel: kernel.15.cloned.1.call-start
scs
__scs_entry_jumppad:
0x0: {  	(pc) =	sbr.rel $0x88, $3  }
0x1: {  	(tag) =	ssettag $0x0;
	lr =	simm.s32 $0x1  }
0x2: {  	[smem:$0x3F98] =	sst lr;
	_ =	strace $0xD0000000  }
0x3: {  	_ = 	snop  }
0x4: {  	_ = 	snop  }
0x5: {  	_ = 	snop  }
0x6: {  	_ = 	snop  }
0x7: {  	_ = 	snop  }
__scs_overlays_trampoline_lowered:
0x8: {  	[smem:$0x3FA7] =	sst s0  }
0x9: {  	[smem:$0x3FA8] =	sst s1  }
0xa: {  	[smem:$0x3FA9] =	sst s2  }
0xb: {  	[smem:$0x3FAA] =	sst s3  }
0xc: {  	[smem:$0x3FAB] =	sst s4  }
0xd: {  	[smem:$0x3FAC] =	sst s5  }
0xe: {  	[smem:$0x3FAD] =	sst s6  }
0xf: {  	[smem:$0x3FAE] =	sst s7  }
0x10: {  	[smem:$0x3FAF] =	sst s8  }
0x11: {  	[smem:$0x3FB0] =	sst s9;
	s0 =	simm.s32 @!p0 $0x0  }
0x12: {  	s1 =	sld [smem:$0x3F96];
	s0 =	simm.s32 @p0 $0x1  }
0x13: {  	[smem:$0x3FB1] =	sst s0;
	s0 =	simm.s32 @!p1 $0x0  }
0x14: {  	s2 =	sld [smem:$0x3F95];
	s0 =	simm.s32 @p1 $0x1  }
0x15: {  	[smem:$0x3FB2] =	sst s0;
	s0 =	simm.s32 @!p2 $0x0  }
0x16: {  	s3 =	sld [smem:$0x3FDB];
	s0 =	simm.s32 @p2 $0x1  }
0x17: {  	s4 =	simm.s32 $0x1BF5;
	[smem:$0x3FB4] =	sst s0  }
0x18: {  	s0 =	sld [smem:$0x3F97];
	_ =	swait.ge [sflag:s4], $0x0  }
0x19: {  	s7 =	sld [smem:$0x3F98]  }
0x1a: {  	s8 =	sadd.s32 $0xFFFFE003, lr  }
0x1b: {  	s9 =	sadd.s32 $0xFFFFFEF7, lr;
	s5 =	simm.s32 $0xFFFFFFFF;
	p2 =	slt.u32 s8, $0xFFFFF086  }
0x1c: {  	p1 =	slt.u32 s9, $0xF7A;
	s5 =	simm.s32 @!p2 $0x0  }
0x1d: {  	s5 =	simm.s32 @p1 $0x1;
	p0 =	seq.s32 s7, s2  }
0x1e: {  	s7 =	smul.u32 @!p0 $0xF7A, s2;
	p2 =	seq.s32 @!p0 s5, $0x0  }
0x1f: {  	s9 =	smul.u32 $0xF7A, s1;
	s8 =	simm.s32 @!p0 $0x1BF5;
	p2 =	por !p2, p0  }
0x20: {  	[sflag:s8] =	ssyncset.s32 @!p0 $0xFFFFF086;
	s6 =	sadd.s32 @!p0 s3, s7;
	s7 =	simm.s32 @!p0 $0x108  }
0x21: {  	s3 =	sadd.s32 s3, s9;
	s6 =	sadd.s32 @!p0 $0x88, s6;
	s7 =	simm.s32 @p2 $0x1082  }
0x22: {  	[simem:s7], [sflag:s8] =	dma.local @!p0 [hbm:s6], $0xF7A  }
0x23: {  	s9 =	sor.u32 $0xD0000000, s2;
	s6 =	simm.s32 $0x108;
	_ =	swait.ge @!p0 [sflag:s8], $0x0  }
0x24: {  	s3 =	sadd.s32 $0x88, s3;
	s6 =	simm.s32 @!p1 $0x1082;
	[sflag:s4] =	ssyncset.s32 $0xFFFFF086  }
0x25: {  	[simem:s6], [sflag:s4] =	dma.local [hbm:s3], $0xF7A  }
0x26: {  	[smem:$0x3F98] =	sst s1;
	(tag) =	ssettag s2;
	_ =	strace s9  }
0x27: {  	s1 =	sld [smem:$0x3FA8]  }
0x28: {  	s2 =	sld [smem:$0x3FA9]  }
0x29: {  	s4 =	sld [smem:$0x3FAB]  }
0x2a: {  	p0 =	seq.s32 s5, $0x0;
	s5 =	sld [smem:$0x3FAC]  }
0x2b: {  	s6 =	sld [smem:$0x3FAD]  }
0x2c: {  	s7 =	sld [smem:$0x3FAE]  }
0x2d: {  	s3 =	simm.s32 $0x108;
	s8 =	sld [smem:$0x3FAF]  }
0x2e: {  	s3 =	simm.s32 @!p0 $0x1082;
	s9 =	sld [smem:$0x3FB0]  }
0x2f: {  	lr =	sadd.s32 s0, s3;
	s0 =	sld [smem:$0x3FA7]  }
0x30: {  	s3 =	sld [smem:$0x3FAA]  }
0x31: {  	[smem:$0x3FB3] =	sst s10  }
0x32: {  	s10 =	sld [smem:$0x3FB1];
	_ =	sdelay $0x3  }
0x33: {  	p0 =	seq.s32 s10, $0x1;
	s10 =	sld [smem:$0x3FB3];
	_ =	sdelay $0x3  }
0x34: {  	[smem:$0x3FB3] =	sst s10  }
0x35: {  	s10 =	sld [smem:$0x3FB2];
	_ =	sdelay $0x3  }
0x36: {  	p1 =	seq.s32 s10, $0x1;
	s10 =	sld [smem:$0x3FB3];
	_ =	sdelay $0x3  }
0x37: {  	[smem:$0x3FB3] =	sst s10  }
0x38: {  	s10 =	sld [smem:$0x3FB4]  }
0x39: {  	_ = 	snop;
	(pc) =	sbr.ind lr, $3  }
0x3a: {  	_ = 	snop  }
0x3b: {  	_ = 	snop  }
0x3c: {  	p2 =	seq.s32 s10, $0x1;
	s10 =	sld [smem:$0x3FB3]  }
0x3d: {  	_ =	shalt  }
0x3e: {  	_ =	shalt  }
0x3f: {  	_ =	shalt  }
0x40: {  	_ =	shalt  }
0x41: {  	_ =	shalt  }
0x42: {  	_ =	shalt  }
0x43: {  	_ =	shalt  }
0x44: {  	_ =	shalt  }
0x45: {  	_ =	shalt  }
0x46: {  	_ =	shalt  }
0x47: {  	_ =	shalt  }
0x48: {  	_ =	shalt  }
0x49: {  	_ =	shalt  }
0x4a: {  	_ =	shalt  }
0x4b: {  	_ =	shalt  }
0x4c: {  	_ =	shalt  }
0x4d: {  	_ =	shalt  }
0x4e: {  	_ =	shalt  }
0x4f: {  	_ =	shalt  }
0x50: {  	_ =	shalt  }
0x51: {  	_ =	shalt  }
0x52: {  	_ =	shalt  }
0x53: {  	_ =	shalt  }
0x54: {  	_ =	shalt  }
0x55: {  	_ =	shalt  }
0x56: {  	_ =	shalt  }
0x57: {  	_ =	shalt  }
0x58: {  	_ =	shalt  }
0x59: {  	_ =	shalt  }
0x5a: {  	_ =	shalt  }
0x5b: {  	_ =	shalt  }
0x5c: {  	_ =	shalt  }
0x5d: {  	_ =	shalt  }
0x5e: {  	_ =	shalt  }
0x5f: {  	_ =	shalt  }
0x60: {  	_ =	shalt  }
0x61: {  	_ =	shalt  }
0x62: {  	_ =	shalt  }
0x63: {  	_ =	shalt  }
0x64: {  	_ =	shalt  }
0x65: {  	_ =	shalt  }
0x66: {  	_ =	shalt  }
0x67: {  	_ =	shalt  }
0x68: {  	_ =	shalt  }
0x69: {  	_ =	shalt  }
0x6a: {  	_ =	shalt  }
0x6b: {  	_ =	shalt  }
0x6c: {  	_ =	shalt  }
0x6d: {  	_ =	shalt  }
0x6e: {  	_ =	shalt  }
0x6f: {  	_ =	shalt  }
0x70: {  	_ =	shalt  }
0x71: {  	_ =	shalt  }
0x72: {  	_ =	shalt  }
0x73: {  	_ =	shalt  }
0x74: {  	_ =	shalt  }
0x75: {  	_ =	shalt  }
0x76: {  	_ =	shalt  }
0x77: {  	_ =	shalt  }
0x78: {  	_ =	shalt  }
0x79: {  	_ =	shalt  }
0x7a: {  	_ =	shalt  }
0x7b: {  	_ =	shalt  }
0x7c: {  	_ =	shalt  }
0x7d: {  	_ =	shalt  }
0x7e: {  	_ =	shalt  }
0x7f: {  	_ =	shalt  }
0x80: {  	_ =	shalt  }
0x81: {  	_ =	shalt  }
0x82: {  	_ =	shalt  }
0x83: {  	_ =	shalt  }
0x84: {  	_ =	shalt  }
0x85: {  	_ =	shalt  }
0x86: {  	_ =	shalt  }
0x87: {  	_ =	shalt  }
.Lfunc_end0:
.L_simem_size_0:
called_computation.2_lowered:
.L_overlay_start_0:
0x88: {  	s2 =	sld [smem:$0x3FD9]  }
0x89: {  	s3 =	sld [smem:$0x3FFE];
	_ =	sdelay $0x1  }
0x8a: {  	s1 =	srdreg.scid  }
0x8b: {  	s0 =	sand.u32 $0x1, s1  }
0x8c: {  	s17 =	sshll.u32 s0, $0xA;
	s2 =	sadd.s32 s3, s2  }
0x8d: {  	s2 =	sadd.s32 s2, s17  }
0x8e: {  	[smem:$0x3FBF] =	sst s2  }
0x8f: {  	_ = 	snop  }
0x90: {  	s2 =	sld [smem:$0x3FD0];
	(tm) =	ssettm $0x1  }
0x91: {  	s18 =	sld [smem:$0x3FFB];
	_ =	sdelay $0x3  }
0x92: {  	_ =	strace s18  }
0x93: {  	s3 =	sld [smem:$0x3FFC];
	_ =	sdelay $0x3  }
0x94: {  	_ =	strace s3  }
0x95: {  	s3 =	sld [smem:$0x3FFD];
	_ =	sdelay $0x3  }
0x96: {  	_ =	strace s3  }
0x97: {  	_ =	strace $0x8FFFFFFF  }
0x98: {  	s19 =	sld [smem:$0x3FDB];
	_ =	sdelay $0x1  }
0x99: {  	s4 =	simm.s32 $_scs_section_size  }
0x9a: {  	s5 =	simm.s32 $_size__tile_overlayer_lowered;
	s6 =	simm.s32 $_tile_overlayer_lowered  }
0x9b: {  	s22 =	simm.s32 $0x1BFF;
	s21 =	sshll.u32 s6, $0x1;
	s3 =	sadd.s32 s4, s19  }
0x9c: {  	s7 =	simm.s32 $0x0;
	s20 =	sshll.u32 s5, $0x1;
	s5 =	sadd.s32 s21, s3  }
0x9d: {  	[timem:s7], [sflag:s22] =	dma.local [hbm:s5], s20  }
0x9e: {  	_ =	swait.ge [sflag:s22], s20  }
0x9f: {  	s4 =	ssub.s32 $0x0, s20;
	[sflag:s22] =	ssyncset.done $0x0  }
0xa0: {  	[sflag:s22] =	ssyncadd.s32 s4;
	_ =	sdelay $0x1  }
0xa1: {  	s23 =	simm.s32 $0x1B8B  }
0xa2: {  	_ =	swait.ge [sflag:s23], $0x1  }
0xa3: {  	[sflag:s23] =	ssyncset.done $0x0  }
0xa4: {  	s25 =	simm.s32 $0x1B8E;
	s24 =	sld [smem:$0x3FFE];
	[sflag:s23] =	ssyncadd.s32 $0xFFFFFFFF  }
0xa5: {  	s26 =	simm.s32 $execute0_lowered;
	[smem:$0x3FD2] =	sst s25  }
0xa6: {  	s5 =	sshll.u32 s26, $0x1;
	_ =	strace $0x8000004C;
	[dreg:$0x1] =	wrdreg $0xFFFFFFFF  }
0xa7: {  	s28 =	simm.s32 $_size_execute0_lowered;
	s3 =	sadd.s32 s3, s5;
	[dreg:$0x0] =	wrdreg $0x0  }
0xa8: {  	s5 =	sshll.u32 s28, $0x1;
	[dreg:$0x2] =	wrdreg s3  }
0xa9: {  	[dreg:$0x3] =	wrdreg s5  }
0xaa: {  	[dreg:$0x4] =	wrdreg $0xC0  }
0xab: {  	_ =	task [dreg:s7], $0x5FFFF  }
0xac: {  	[dreg:$0x1] =	wrdreg $0xFFFFFFFF  }
0xad: {  	[dreg:$0x0] =	wrdreg $0x60  }
0xae: {  	[dreg:$0x2] =	wrdreg s24  }
0xaf: {  	[dreg:$0x3] =	wrdreg s2  }
0xb0: {  	[dreg:$0x4] =	wrdreg $0x0  }
0xb1: {  	[dreg:$0x5] =	wrdreg $0x9  }
0xb2: {  	_ =	task.clear_ibuf [dreg:s7], $0x6FFFF;
	_ =	strace $0x9000004C  }
0xb3: {  	s29 =	simm.s32 $0x9;
	_ =	strace $0x8000004E  }
0xb4: {  	_ =	swait.ge [sflag:s29], $0x1  }
0xb5: {  	[sflag:s29] =	ssyncadd.s32 $0xFFFFFFFF  }
0xb6: {  	_ =	strace $0x9000004E  }
0xb7: {  	_ =	sfence  }
0xb8: {  	s30 =	sld [smem:$0x0];
	_ =	sdelay $0x2  }
0xb9: {  	s31 =	sshll.u32 s1, $0xD;
	s1 =	sshrl.u32 s1, $0x2  }
0xba: {  	s3 =	sand.u32 $0x4000, s31;
	s1 =	sadd.s32 s1, s30  }
0xbb: {  	s0 =	sor.u32 s3, s0;
	s1 =	sshll.u32 s1, $0x11  }
0xbc: {  	s0 =	sor.u32 s1, s0  }
0xbd: {  	s0 =	sadd.s32 $0x8F2B, s0  }
0xbe: {  	[sflag:s0] =	ssyncadd.remote.s32 $0x1  }
0xbf: {  	_ =	sfence.sel $0xFFFF  }
0xc0: {  	[dreg:$0x0] =	wrdreg $0xFFFFFFFF;
	(pc) =	sbr.abs _section_cstart, $3  }
0xc1: {  	[dreg:$0x1] =	wrdreg $0xFFFFFFFF  }
0xc2: {  	_ =	task.clear_ibuf [dreg:s7], $0x2FFFF;
	_ =	strace $0x9FFFFFFF  }
0xc3: {  	(tm) =	ssettm $0x7FFFFFFF  }
tec
execute0_lowered:
.L_overlay_start_1:
0x0: {  	(tag) =	ssettag $0x1  }
0x1: {  	s0 =	rddreg [dreg:$0x0]  }
0x2: {  	s1 =	rddreg [dreg:$0x1]  }
0x3: {  	s2 =	rddreg [dreg:$0x2]  }
0x4: {  	s3 =	simm.s32 $0x0;
	s4 =	srdreg.scid;
	s12 =	stileid.u32  }
0x5: {  	[smem:$0x7FF] =	sst s3;
	s4 =	sand.u32 $0x1, s4;
	s5 =	sadd.s32 $0x17400, s0  }
0x6: {  	s7 =	sadd.s32 $0x3400, s0;
	s6 =	smul.u32 $0x50000, s12;
	s8 =	sadd.s32 $0xD400, s0  }
0x7: {  	s0 =	sadd.s32 $0x17600, s0;
	s22 =	smul.u32 $0x14000, s12;
	_ =	strace $0x8000004D  }
0x8: {  	[dreg:$0x4] =	wrdreg s5;
	s19 =	sshll.u32 s4, $0x4;
	s9 =	ssub.s32 $0x2, s4  }
0x9: {  	s4 =	smul.u32 $0x140000, s4;
	s5 =	sor.u32 s12, s19;
	s11 =	sshrl.u32 s9, $0x1  }
0xa: {  	s6 =	sshrl.u32 s6, $0x2;
	s28 =	sadd.s32 $0x4000, s22;
	s10 =	smul.u32 $0x2800, s5  }
0xb: {  	s16 =	sadd.s32 $0x8000, s22;
	s18 =	sadd.s32 $0xC000, s22;
	s5 =	smul.u32 $0x500, s5  }
0xc: {  	s9 =	ssub.s32 s9, s11;
	s6 =	sadd.s32 s6, s2;
	s12 =	sadd.s32 s4, s22  }
0xd: {  	s13 =	sadd.s32 s4, s28;
	s17 =	sadd.s32 s4, s16;
	s19 =	sadd.s32 s4, s18  }
0xe: {  	s24 =	smax.u32 s9, $0x1;
	s25 =	sadd.s32 $0x1000, s6;
	s26 =	sadd.s32 $0x2000, s6  }
0xf: {  	s11 =	sadd.s32 $0x3000, s6;
	s14 =	sadd.s32 $0x4000, s6;
	[dreg:$0x9] =	wrdreg s24  }
0x10: {  	s9 =	sshrl.u32 s13, $0x3;
	s29 =	sadd.s32 $0x8000, s6;
	[dreg:$0xa] =	wrdreg s25  }
0x11: {  	s30 =	sadd.s32 $0x9000, s6;
	s31 =	sadd.s32 $0xA000, s6;
	[dreg:$0xb] =	wrdreg s26  }
0x12: {  	s13 =	simm.s32 $0x16800;
	s10 =	sshrl.u32 s10, $0x3;
	[dreg:$0xc] =	wrdreg s11  }
0x13: {  	s20 =	sadd.s32 s7, s5;
	s5 =	sadd.s32 s8, s5;
	[dreg:$0xd] =	wrdreg s14  }
0x14: {  	s15 =	sadd.s32 s0, s9;
	s9 =	sshrl.u32 s17, $0x3;
	s24 =	sadd.s32 s18, s2  }
0x15: {  	s26 =	sadd.s32 $0x6000, s6;
	s11 =	sadd.s32 $0x12000, s6;
	[dreg:$0x5] =	wrdreg s20  }
0x16: {  	s14 =	simm.s32 $0x3;
	s17 =	simm.s32 $0x80;
	[dreg:$0x6] =	wrdreg s5  }
0x17: {  	s18 =	simm.s32 $0x14080;
	s10 =	sadd.s32 $0x280, s10;
	[dreg:$0xf] =	wrdreg s15  }
0x18: {  	s5 =	sadd.s32 $0x10000, s22;
	s9 =	sadd.s32 s0, s9;
	[dreg:$0x16] =	wrdreg s24  }
0x19: {  	s20 =	sshrl.u32 s19, $0x3;
	s22 =	sadd.s32 s28, s2;
	[dreg:$0x18] =	wrdreg s26  }
0x1a: {  	s28 =	sadd.s32 $0x7000, s6;
	s15 =	simm.s32 $0x14000;
	s19 =	simm.s32 $0x1A800  }
0x1b: {  	s24 =	simm.s32 $0x0;
	s21 =	sadd.s32 s7, s10;
	[dreg:$0x10] =	wrdreg s9  }
0x1c: {  	s23 =	sadd.s32 s8, s10;
	s8 =	sshrl.u32 s12, $0x3;
	[dreg:$0x14] =	wrdreg s22  }
0x1d: {  	s4 =	sadd.s32 s4, s5;
	s9 =	sadd.s32 s0, s20;
	[dreg:$0x19] =	wrdreg s28  }
0x1e: {  	s25 =	sadd.s32 s5, s2;
	s5 =	sadd.s32 $0xD000, s6;
	[dreg:$0x7] =	wrdreg s21  }
0x1f: {  	s7 =	sadd.s32 $0xE000, s6;
	s10 =	sadd.s32 $0x11000, s6;
	[dreg:$0x8] =	wrdreg s23  }
0x20: {  	s12 =	sadd.s32 $0x13000, s6;
	s20 =	simm.s32 $0x1;
	[dreg:$0x11] =	wrdreg s9  }
0x21: {  	s22 =	simm.s32 $0x16700;
	s8 =	sadd.s32 s0, s8;
	[dreg:$0x17] =	wrdreg s25  }
0x22: {  	s4 =	sshrl.u32 s4, $0x3;
	s21 =	sadd.s32 $0x5000, s6;
	[dreg:$0xe] =	wrdreg s8  }
0x23: {  	s23 =	sadd.s32 s16, s2;
	s9 =	sadd.s32 $0x10000, s6;
	[dreg:$0x13] =	wrdreg s21  }
0x24: {  	s16 =	simm.s32 $0x15400;
	s0 =	sadd.s32 s0, s4;
	[dreg:$0x15] =	wrdreg s23  }
0x25: {  	s4 =	sadd.s32 $0xC000, s6;
	s8 =	sadd.s32 $0xF000, s6;
	s21 =	simm.s32 $0x2  }
0x26: {  	s23 =	simm.s32 $0x16780;
	[dreg:$0x12] =	wrdreg s0;
	s0 =	sadd.s32 $0xB000, s6  }
.LBB2_1:
0x27: {  	s25 =	rddreg [dreg:$0x4]  }
0x28: {  	[tilespmem:s13], [sflag:$0x3] =	stream.linear.gather [hbm4b:s25+s3], $0x1000, $0x38;
	[tilespmem:$0x1E800] =	vst v63  }
0x29: {  	_ =	swait.ge [sflag:s14], $0x1000  }
0x2a: {  	[sflag:s14] =	ssyncset.done $0x0  }
0x2b: {  	[sflag:s14] =	ssyncadd.s32 $0xFFFFF000  }
0x2c: {  	[spmem:s6] =	stream.linear.scatter [tilespmem:s13], [sflag:$0x3], $0x1000, $0x38;
	[tilespmem:$0x1E800] =	vst v63  }
0x2d: {  	_ =	swait.ge [sflag:s14], $0x1000  }
0x2e: {  	[sflag:s14] =	ssyncset.done $0x0  }
0x2f: {  	s26 =	rddreg [dreg:$0xa];
	[sflag:s14] =	ssyncadd.s32 $0xFFFFF000  }
0x30: {  	[spmem:s26] =	stream.linear.scatter [tilespmem:s13], [sflag:$0x3], $0x1000, $0x38;
	[tilespmem:$0x1E800] =	vst v63  }
0x31: {  	_ =	swait.ge [sflag:s14], $0x1000  }
0x32: {  	[sflag:s14] =	ssyncset.done $0x0  }
0x33: {  	s28 =	rddreg [dreg:$0xb];
	[sflag:s14] =	ssyncadd.s32 $0xFFFFF000  }
0x34: {  	[spmem:s28] =	stream.linear.scatter [tilespmem:s13], [sflag:$0x3], $0x1000, $0x38;
	[tilespmem:$0x1E800] =	vst v63  }
0x35: {  	_ =	swait.ge [sflag:s14], $0x1000  }
0x36: {  	[sflag:s14] =	ssyncset.done $0x0  }
0x37: {  	s26 =	rddreg [dreg:$0xc];
	[sflag:s14] =	ssyncadd.s32 $0xFFFFF000  }
0x38: {  	[spmem:s26] =	stream.linear.scatter [tilespmem:s13], [sflag:$0x3], $0x1000, $0x38;
	[tilespmem:$0x1E800] =	vst v63  }
0x39: {  	_ =	swait.ge [sflag:s14], $0x1000  }
0x3a: {  	[sflag:s14] =	ssyncset.done $0x0  }
0x3b: {  	s28 =	rddreg [dreg:$0xd];
	[sflag:s14] =	ssyncadd.s32 $0xFFFFF000  }
0x3c: {  	[spmem:s28] =	stream.linear.scatter [tilespmem:s13], [sflag:$0x3], $0x1000, $0x38;
	[tilespmem:$0x1E800] =	vst v63  }
0x3d: {  	_ =	swait.ge [sflag:s14], $0x1000  }
0x3e: {  	[sflag:s14] =	ssyncset.done $0x0  }
0x3f: {  	s26 =	rddreg [dreg:$0x13];
	[sflag:s14] =	ssyncadd.s32 $0xFFFFF000  }
0x40: {  	[spmem:s26] =	stream.linear.scatter [tilespmem:s13], [sflag:$0x3], $0x1000, $0x38;
	[tilespmem:$0x1E800] =	vst v63  }
0x41: {  	_ =	swait.ge [sflag:s14], $0x1000  }
0x42: {  	[sflag:s14] =	ssyncset.done $0x0  }
0x43: {  	s28 =	rddreg [dreg:$0x18];
	[sflag:s14] =	ssyncadd.s32 $0xFFFFF000  }
0x44: {  	[spmem:s28] =	stream.linear.scatter [tilespmem:s13], [sflag:$0x3], $0x1000, $0x38;
	[tilespmem:$0x1E800] =	vst v63  }
0x45: {  	_ =	swait.ge [sflag:s14], $0x1000  }
0x46: {  	[sflag:s14] =	ssyncset.done $0x0  }
0x47: {  	s26 =	rddreg [dreg:$0x19];
	[sflag:s14] =	ssyncadd.s32 $0xFFFFF000  }
0x48: {  	[spmem:s26] =	stream.linear.scatter [tilespmem:s13], [sflag:$0x3], $0x1000, $0x38;
	[tilespmem:$0x1E800] =	vst v63  }
0x49: {  	_ =	swait.ge [sflag:s14], $0x1000  }
0x4a: {  	[sflag:s14] =	ssyncset.done $0x0  }
0x4b: {  	[sflag:s14] =	ssyncadd.s32 $0xFFFFF000  }
0x4c: {  	[spmem:s29] =	stream.linear.scatter [tilespmem:s13], [sflag:$0x3], $0x1000, $0x38;
	[tilespmem:$0x1E800] =	vst v63  }
0x4d: {  	_ =	swait.ge [sflag:s14], $0x1000  }
0x4e: {  	[sflag:s14] =	ssyncset.done $0x0  }
0x4f: {  	[sflag:s14] =	ssyncadd.s32 $0xFFFFF000  }
0x50: {  	[spmem:s30] =	stream.linear.scatter [tilespmem:s13], [sflag:$0x3], $0x1000, $0x38;
	[tilespmem:$0x1E800] =	vst v63  }
0x51: {  	_ =	swait.ge [sflag:s14], $0x1000  }
0x52: {  	[sflag:s14] =	ssyncset.done $0x0  }
0x53: {  	[sflag:s14] =	ssyncadd.s32 $0xFFFFF000  }
0x54: {  	[spmem:s31] =	stream.linear.scatter [tilespmem:s13], [sflag:$0x3], $0x1000, $0x38;
	[tilespmem:$0x1E800] =	vst v63  }
0x55: {  	_ =	swait.ge [sflag:s14], $0x1000  }
0x56: {  	[sflag:s14] =	ssyncset.done $0x0  }
0x57: {  	[sflag:s14] =	ssyncadd.s32 $0xFFFFF000  }
0x58: {  	[spmem:s0] =	stream.linear.scatter [tilespmem:s13], [sflag:$0x3], $0x1000, $0x38;
	[tilespmem:$0x1E800] =	vst v63  }
0x59: {  	_ =	swait.ge [sflag:s14], $0x1000  }
0x5a: {  	[sflag:s14] =	ssyncset.done $0x0  }
0x5b: {  	[sflag:s14] =	ssyncadd.s32 $0xFFFFF000  }
0x5c: {  	[spmem:s4] =	stream.linear.scatter [tilespmem:s13], [sflag:$0x3], $0x1000, $0x38;
	[tilespmem:$0x1E800] =	vst v63  }
0x5d: {  	_ =	swait.ge [sflag:s14], $0x1000  }
0x5e: {  	[sflag:s14] =	ssyncset.done $0x0  }
0x5f: {  	[sflag:s14] =	ssyncadd.s32 $0xFFFFF000  }
0x60: {  	[spmem:s5] =	stream.linear.scatter [tilespmem:s13], [sflag:$0x3], $0x1000, $0x38;
	[tilespmem:$0x1E800] =	vst v63  }
0x61: {  	_ =	swait.ge [sflag:s14], $0x1000  }
0x62: {  	[sflag:s14] =	ssyncset.done $0x0  }
0x63: {  	[sflag:s14] =	ssyncadd.s32 $0xFFFFF000  }
0x64: {  	[spmem:s7] =	stream.linear.scatter [tilespmem:s13], [sflag:$0x3], $0x1000, $0x38;
	[tilespmem:$0x1E800] =	vst v63  }
0x65: {  	_ =	swait.ge [sflag:s14], $0x1000  }
0x66: {  	[sflag:s14] =	ssyncset.done $0x0  }
0x67: {  	[sflag:s14] =	ssyncadd.s32 $0xFFFFF000  }
0x68: {  	[spmem:s8] =	stream.linear.scatter [tilespmem:s13], [sflag:$0x3], $0x1000, $0x38;
	[tilespmem:$0x1E800] =	vst v63  }
0x69: {  	_ =	swait.ge [sflag:s14], $0x1000  }
0x6a: {  	[sflag:s14] =	ssyncset.done $0x0  }
0x6b: {  	[sflag:s14] =	ssyncadd.s32 $0xFFFFF000  }
0x6c: {  	[spmem:s9] =	stream.linear.scatter [tilespmem:s13], [sflag:$0x3], $0x1000, $0x38;
	[tilespmem:$0x1E800] =	vst v63  }
0x6d: {  	_ =	swait.ge [sflag:s14], $0x1000  }
0x6e: {  	[sflag:s14] =	ssyncset.done $0x0  }
0x6f: {  	[sflag:s14] =	ssyncadd.s32 $0xFFFFF000  }
0x70: {  	[spmem:s10] =	stream.linear.scatter [tilespmem:s13], [sflag:$0x3], $0x1000, $0x38;
	[tilespmem:$0x1E800] =	vst v63  }
0x71: {  	_ =	swait.ge [sflag:s14], $0x1000  }
0x72: {  	[sflag:s14] =	ssyncset.done $0x0  }
0x73: {  	[sflag:s14] =	ssyncadd.s32 $0xFFFFF000  }
0x74: {  	[spmem:s11] =	stream.linear.scatter [tilespmem:s13], [sflag:$0x3], $0x1000, $0x38;
	[tilespmem:$0x1E800] =	vst v63  }
0x75: {  	_ =	swait.ge [sflag:s14], $0x1000  }
0x76: {  	[sflag:s14] =	ssyncset.done $0x0  }
0x77: {  	[sflag:s14] =	ssyncadd.s32 $0xFFFFF000  }
0x78: {  	[spmem:s12] =	stream.linear.scatter [tilespmem:s13], [sflag:$0x3], $0x1000, $0x38;
	[tilespmem:$0x1E800] =	vst v63  }
0x79: {  	_ =	swait.ge [sflag:s14], $0x1000  }
0x7a: {  	[sflag:s14] =	ssyncset.done $0x0  }
0x7b: {  	s28 =	rddreg [dreg:$0x5];
	[sflag:s14] =	ssyncadd.s32 $0xFFFFF000  }
0x7c: {  	[tilespmem:s15], [sflag:$0x3] =	stream.linear.gather [hbm4b:s28+s3], $0x1400, $0x38;
	[tilespmem:$0x1E800] =	vst v63  }
0x7d: {  	_ =	swait.ge [sflag:s14], $0x1400  }
0x7e: {  	[sflag:s14] =	ssyncset.done $0x0  }
0x7f: {  	s26 =	rddreg [dreg:$0x6];
	[sflag:s14] =	ssyncadd.s32 $0xFFFFEC00  }
0x80: {  	[tilespmem:s16], [sflag:$0x3] =	stream.linear.gather [hbm4b:s26+s3], $0x1400, $0x38;
	[tilespmem:$0x1E800] =	vst v63  }
0x81: {  	_ =	swait.ge [sflag:s14], $0x1400  }
0x82: {  	[sflag:s14] =	ssyncset.done $0x0  }
0x83: {  	[sflag:s14] =	ssyncadd.s32 $0xFFFFEC00  }
0x84: {  	[tilespmem:s13], [sflag:$0x1] =	stream.indirect.gather [hbm4b:s1+s17], $0x80, s15, s17, $0xb8;
	[tilespmem:$0x1E800] =	vst v63  }
0x85: {  	_ = 	snop  }
0x86: {  	[tilespmem:s19], [sflag:$0x2] =	stream.indirect.gather [hbm4b:s1+s17], $0x80, s18, s17, $0xb8;
	[tilespmem:$0x1E800] =	vst v63  }
0x87: {  	_ =	swait.ge [sflag:s20], $0x4000  }
0x88: {  	[sflag:s20] =	ssyncset.done $0x0  }
0x89: {  	s28 =	simm.s32 $0x15400;
	[sflag:s20] =	ssyncadd.s32 $0xFFFFC000  }
0x8a: {  	[spmem:s2] =	stream.indirect.scatter.add.f32 [tilespmem:s13], [sflag:$0x3], $0x80, s28, s17, $0xb8;
	[tilespmem:$0x1E800] =	vst v63  }
0x8b: {  	_ =	swait.ge [sflag:s14], $0x4000  }
0x8c: {  	[sflag:s14] =	ssyncset.done $0x0  }
0x8d: {  	s26 =	simm.s32 $0x14100;
	[sflag:s14] =	ssyncadd.s32 $0xFFFFC000  }
0x8e: {  	[tilespmem:s13], [sflag:$0x1] =	stream.indirect.gather [hbm4b:s1+s17], $0x80, s26, s17, $0xb8;
	[tilespmem:$0x1E800] =	vst v63  }
0x8f: {  	_ =	swait.ge [sflag:s21], $0x4000  }
0x90: {  	[sflag:s21] =	ssyncset.done $0x0  }
0x91: {  	s28 =	simm.s32 $0x15480;
	[sflag:s21] =	ssyncadd.s32 $0xFFFFC000  }
0x92: {  	[spmem:s2] =	stream.indirect.scatter.add.f32 [tilespmem:s19], [sflag:$0x3], $0x80, s28, s17, $0xb8;
	[tilespmem:$0x1E800] =	vst v63  }
0x93: {  	_ =	swait.ge [sflag:s14], $0x4000  }
0x94: {  	[sflag:s14] =	ssyncset.done $0x0  }
0x95: {  	s25 =	simm.s32 $0x400;
	s26 =	simm.s32 $0x14180;
	[sflag:s14] =	ssyncadd.s32 $0xFFFFC000  }
.LBB2_2:
0x96: {  	[tilespmem:s19], [sflag:$0x2] =	stream.indirect.gather [hbm4b:s1+s17], $0x80, s26, s17, $0xb8;
	[tilespmem:$0x1E800] =	vst v63  }
0x97: {  	s26 =	smov.u32 s25  }
0x98: {  	p0 =	sne.s32 s25, $0x4800;
	s25 =	sadd.s32 $0x400, s25;
	_ =	swait.ge [sflag:s20], $0x4000  }
0x99: {  	s26 =	sshra.s32 s26, $0x2;
	[sflag:s20] =	ssyncset.done $0x0  }
0x9a: {  	s28 =	sadd.s32 $0x15400, s26;
	[sflag:s20] =	ssyncadd.s32 $0xFFFFC000  }
0x9b: {  	[spmem:s2] =	stream.indirect.scatter.add.f32 [tilespmem:s13], [sflag:$0x3], $0x80, s28, s17, $0xb8;
	[tilespmem:$0x1E800] =	vst v63  }
0x9c: {  	_ =	swait.ge [sflag:s14], $0x4000  }
0x9d: {  	[sflag:s14] =	ssyncset.done $0x0  }
0x9e: {  	s28 =	sadd.s32 $0x14100, s26;
	[sflag:s14] =	ssyncadd.s32 $0xFFFFC000  }
0x9f: {  	[tilespmem:s13], [sflag:$0x1] =	stream.indirect.gather [hbm4b:s1+s17], $0x80, s28, s17, $0xb8;
	[tilespmem:$0x1E800] =	vst v63  }
0xa0: {  	_ =	swait.ge [sflag:s21], $0x4000  }
0xa1: {  	[sflag:s21] =	ssyncset.done $0x0  }
.Ltmp0:
0xa2: {  	s28 =	sadd.s32 $0x15480, s26;
	[sflag:s21] =	ssyncadd.s32 $0xFFFFC000;
	(pc) =	sbr.rel @p0 .LBB2_2-.Ltmp0, $4  }
0xa3: {  	[spmem:s2] =	stream.indirect.scatter.add.f32 [tilespmem:s19], [sflag:$0x3], $0x80, s28, s17, $0xb8;
	[tilespmem:$0x1E800] =	vst v63  }
0xa4: {  	_ =	swait.ge [sflag:s14], $0x4000  }
0xa5: {  	[sflag:s14] =	ssyncset.done $0x0  }
0xa6: {  	s26 =	sadd.s32 $0x14180, s26;
	[sflag:s14] =	ssyncadd.s32 $0xFFFFC000  }
0xa7: {  	[tilespmem:s19], [sflag:$0x2] =	stream.indirect.gather [hbm4b:s1+s17], $0x80, s26, s17, $0xb8;
	[tilespmem:$0x1E800] =	vst v63  }
0xa8: {  	_ =	swait.ge [sflag:s20], $0x4000  }
0xa9: {  	[sflag:s20] =	ssyncset.done $0x0  }
0xaa: {  	[sflag:s20] =	ssyncadd.s32 $0xFFFFC000  }
0xab: {  	[spmem:s2] =	stream.indirect.scatter.add.f32 [tilespmem:s13], [sflag:$0x3], $0x80, s22, s17, $0xb8;
	[tilespmem:$0x1E800] =	vst v63  }
0xac: {  	_ =	swait.ge [sflag:s14], $0x4000  }
0xad: {  	[sflag:s14] =	ssyncset.done $0x0  }
0xae: {  	[sflag:s14] =	ssyncadd.s32 $0xFFFFC000  }
0xaf: {  	_ =	swait.ge [sflag:s21], $0x4000  }
0xb0: {  	[sflag:s21] =	ssyncset.done $0x0  }
0xb1: {  	[sflag:s21] =	ssyncadd.s32 $0xFFFFC000  }
0xb2: {  	[spmem:s2] =	stream.indirect.scatter.add.f32 [tilespmem:s19], [sflag:$0x3], $0x80, s23, s17, $0xb8;
	[tilespmem:$0x1E800] =	vst v63  }
0xb3: {  	_ =	swait.ge [sflag:s14], $0x4000  }
0xb4: {  	[sflag:s14] =	ssyncset.done $0x0  }
0xb5: {  	s25 =	simm.s32 $0x0;
	s28 =	rddreg [dreg:$0x7];
	[sflag:s14] =	ssyncadd.s32 $0xFFFFC000  }
0xb6: {  	[tilespmem:s15], [sflag:$0x3] =	stream.linear.gather [hbm4b:s28+s25], $0x1400, $0x38;
	[tilespmem:$0x1E800] =	vst v63  }
0xb7: {  	_ =	swait.ge [sflag:s14], $0x1400  }
0xb8: {  	[sflag:s14] =	ssyncset.done $0x0  }
0xb9: {  	s28 =	rddreg [dreg:$0x8];
	[sflag:s14] =	ssyncadd.s32 $0xFFFFEC00  }
0xba: {  	[tilespmem:s16], [sflag:$0x3] =	stream.linear.gather [hbm4b:s28+s25], $0x1400, $0x38;
	[tilespmem:$0x1E800] =	vst v63  }
0xbb: {  	_ =	swait.ge [sflag:s14], $0x1400  }
0xbc: {  	[sflag:s14] =	ssyncset.done $0x0  }
0xbd: {  	[sflag:s14] =	ssyncadd.s32 $0xFFFFEC00  }
0xbe: {  	[tilespmem:s13], [sflag:$0x1] =	stream.indirect.gather [hbm4b:s1+s17], $0x80, s15, s17, $0xb8;
	[tilespmem:$0x1E800] =	vst v63  }
0xbf: {  	_ = 	snop  }
0xc0: {  	[tilespmem:s19], [sflag:$0x2] =	stream.indirect.gather [hbm4b:s1+s17], $0x80, s18, s17, $0xb8;
	[tilespmem:$0x1E800] =	vst v63  }
0xc1: {  	_ =	swait.ge [sflag:s20], $0x4000  }
0xc2: {  	[sflag:s20] =	ssyncset.done $0x0  }
0xc3: {  	s28 =	simm.s32 $0x15400;
	[sflag:s20] =	ssyncadd.s32 $0xFFFFC000  }
0xc4: {  	[spmem:s2] =	stream.indirect.scatter.add.f32 [tilespmem:s13], [sflag:$0x3], $0x80, s28, s17, $0xb8;
	[tilespmem:$0x1E800] =	vst v63  }
0xc5: {  	_ =	swait.ge [sflag:s14], $0x4000  }
0xc6: {  	[sflag:s14] =	ssyncset.done $0x0  }
0xc7: {  	s26 =	simm.s32 $0x14100;
	[sflag:s14] =	ssyncadd.s32 $0xFFFFC000  }
0xc8: {  	[tilespmem:s13], [sflag:$0x1] =	stream.indirect.gather [hbm4b:s1+s17], $0x80, s26, s17, $0xb8;
	[tilespmem:$0x1E800] =	vst v63  }
0xc9: {  	_ =	swait.ge [sflag:s21], $0x4000  }
0xca: {  	[sflag:s21] =	ssyncset.done $0x0  }
0xcb: {  	s28 =	simm.s32 $0x15480;
	[sflag:s21] =	ssyncadd.s32 $0xFFFFC000  }
0xcc: {  	[spmem:s2] =	stream.indirect.scatter.add.f32 [tilespmem:s19], [sflag:$0x3], $0x80, s28, s17, $0xb8;
	[tilespmem:$0x1E800] =	vst v63  }
0xcd: {  	_ =	swait.ge [sflag:s14], $0x4000  }
0xce: {  	[sflag:s14] =	ssyncset.done $0x0  }
0xcf: {  	s25 =	simm.s32 $0x400;
	s26 =	simm.s32 $0x14180;
	[sflag:s14] =	ssyncadd.s32 $0xFFFFC000  }
.LBB2_4:
0xd0: {  	[tilespmem:s19], [sflag:$0x2] =	stream.indirect.gather [hbm4b:s1+s17], $0x80, s26, s17, $0xb8;
	[tilespmem:$0x1E800] =	vst v63  }
0xd1: {  	s26 =	smov.u32 s25  }
0xd2: {  	p0 =	sne.s32 s25, $0x4800;
	s25 =	sadd.s32 $0x400, s25;
	_ =	swait.ge [sflag:s20], $0x4000  }
0xd3: {  	s26 =	sshra.s32 s26, $0x2;
	[sflag:s20] =	ssyncset.done $0x0  }
0xd4: {  	s28 =	sadd.s32 $0x15400, s26;
	[sflag:s20] =	ssyncadd.s32 $0xFFFFC000  }
0xd5: {  	[spmem:s2] =	stream.indirect.scatter.add.f32 [tilespmem:s13], [sflag:$0x3], $0x80, s28, s17, $0xb8;
	[tilespmem:$0x1E800] =	vst v63  }
0xd6: {  	_ =	swait.ge [sflag:s14], $0x4000  }
0xd7: {  	[sflag:s14] =	ssyncset.done $0x0  }
0xd8: {  	s28 =	sadd.s32 $0x14100, s26;
	[sflag:s14] =	ssyncadd.s32 $0xFFFFC000  }
0xd9: {  	[tilespmem:s13], [sflag:$0x1] =	stream.indirect.gather [hbm4b:s1+s17], $0x80, s28, s17, $0xb8;
	[tilespmem:$0x1E800] =	vst v63  }
0xda: {  	_ =	swait.ge [sflag:s21], $0x4000  }
0xdb: {  	[sflag:s21] =	ssyncset.done $0x0  }
.Ltmp1:
0xdc: {  	s28 =	sadd.s32 $0x15480, s26;
	[sflag:s21] =	ssyncadd.s32 $0xFFFFC000;
	(pc) =	sbr.rel @p0 .LBB2_4-.Ltmp1, $4  }
0xdd: {  	[spmem:s2] =	stream.indirect.scatter.add.f32 [tilespmem:s19], [sflag:$0x3], $0x80, s28, s17, $0xb8;
	[tilespmem:$0x1E800] =	vst v63  }
0xde: {  	_ =	swait.ge [sflag:s14], $0x4000  }
0xdf: {  	[sflag:s14] =	ssyncset.done $0x0  }
0xe0: {  	s26 =	sadd.s32 $0x14180, s26;
	[sflag:s14] =	ssyncadd.s32 $0xFFFFC000  }
0xe1: {  	[tilespmem:s19], [sflag:$0x2] =	stream.indirect.gather [hbm4b:s1+s17], $0x80, s26, s17, $0xb8;
	[tilespmem:$0x1E800] =	vst v63  }
0xe2: {  	_ =	swait.ge [sflag:s20], $0x4000  }
0xe3: {  	[sflag:s20] =	ssyncset.done $0x0  }
0xe4: {  	[sflag:s20] =	ssyncadd.s32 $0xFFFFC000  }
0xe5: {  	[spmem:s2] =	stream.indirect.scatter.add.f32 [tilespmem:s13], [sflag:$0x3], $0x80, s22, s17, $0xb8;
	[tilespmem:$0x1E800] =	vst v63  }
0xe6: {  	_ =	swait.ge [sflag:s14], $0x4000  }
0xe7: {  	[sflag:s14] =	ssyncset.done $0x0  }
0xe8: {  	[sflag:s14] =	ssyncadd.s32 $0xFFFFC000  }
0xe9: {  	_ =	swait.ge [sflag:s21], $0x4000  }
0xea: {  	[sflag:s21] =	ssyncset.done $0x0  }
0xeb: {  	[sflag:s21] =	ssyncadd.s32 $0xFFFFC000  }
0xec: {  	[spmem:s2] =	stream.indirect.scatter.add.f32 [tilespmem:s19], [sflag:$0x3], $0x80, s23, s17, $0xb8;
	[tilespmem:$0x1E800] =	vst v63  }
0xed: {  	_ =	swait.ge [sflag:s14], $0x4000  }
0xee: {  	[sflag:s14] =	ssyncset.done $0x0  }
0xef: {  	[sflag:s14] =	ssyncadd.s32 $0xFFFFC000  }
0xf0: {  	[bflag:$0x0] =	sbarrier.arrive $0xFFFF  }
0xf1: {  	[tilespmem:s13], [sflag:$0x3] =	stream.linear.gather [spmem:s6], $0x4000, $0x38;
	[tilespmem:$0x1E800] =	vst v63  }
0xf2: {  	_ =	swait.ge [sflag:s14], $0x4000  }
0xf3: {  	[sflag:s14] =	ssyncset.done $0x0  }
0xf4: {  	s25 =	rddreg [dreg:$0xe];
	[sflag:s14] =	ssyncadd.s32 $0xFFFFC000  }
0xf5: {  	[hbm4b:s25+s3] =	stream.linear.scatter [tilespmem:s13], [sflag:$0x3], $0x4000, $0x38;
	[tilespmem:$0x1E800] =	vst v63  }
0xf6: {  	_ =	swait.ge [sflag:s14], $0x4000  }
0xf7: {  	[sflag:s14] =	ssyncset.done $0x0  }
0xf8: {  	s28 =	rddreg [dreg:$0x14];
	[sflag:s14] =	ssyncadd.s32 $0xFFFFC000  }
0xf9: {  	[tilespmem:s13], [sflag:$0x3] =	stream.linear.gather [spmem:s28], $0x4000, $0x38;
	[tilespmem:$0x1E800] =	vst v63  }
0xfa: {  	_ =	swait.ge [sflag:s14], $0x4000  }
0xfb: {  	[sflag:s14] =	ssyncset.done $0x0  }
0xfc: {  	s26 =	rddreg [dreg:$0xf];
	[sflag:s14] =	ssyncadd.s32 $0xFFFFC000  }
0xfd: {  	[hbm4b:s26+s3] =	stream.linear.scatter [tilespmem:s13], [sflag:$0x3], $0x4000, $0x38;
	[tilespmem:$0x1E800] =	vst v63  }
0xfe: {  	_ =	swait.ge [sflag:s14], $0x4000  }
0xff: {  	[sflag:s14] =	ssyncset.done $0x0  }
0x100: {  	s28 =	rddreg [dreg:$0x15];
	[sflag:s14] =	ssyncadd.s32 $0xFFFFC000  }
0x101: {  	[tilespmem:s13], [sflag:$0x3] =	stream.linear.gather [spmem:s28], $0x4000, $0x38;
	[tilespmem:$0x1E800] =	vst v63  }
0x102: {  	_ =	swait.ge [sflag:s14], $0x4000  }
0x103: {  	[sflag:s14] =	ssyncset.done $0x0  }
0x104: {  	s26 =	rddreg [dreg:$0x10];
	[sflag:s14] =	ssyncadd.s32 $0xFFFFC000  }
0x105: {  	[hbm4b:s26+s3] =	stream.linear.scatter [tilespmem:s13], [sflag:$0x3], $0x4000, $0x38;
	[tilespmem:$0x1E800] =	vst v63  }
0x106: {  	_ =	swait.ge [sflag:s14], $0x4000  }
0x107: {  	[sflag:s14] =	ssyncset.done $0x0  }
0x108: {  	s28 =	rddreg [dreg:$0x16];
	[sflag:s14] =	ssyncadd.s32 $0xFFFFC000  }
0x109: {  	[tilespmem:s13], [sflag:$0x3] =	stream.linear.gather [spmem:s28], $0x4000, $0x38;
	[tilespmem:$0x1E800] =	vst v63  }
0x10a: {  	_ =	swait.ge [sflag:s14], $0x4000  }
0x10b: {  	[sflag:s14] =	ssyncset.done $0x0  }
0x10c: {  	s26 =	rddreg [dreg:$0x11];
	[sflag:s14] =	ssyncadd.s32 $0xFFFFC000  }
0x10d: {  	[hbm4b:s26+s3] =	stream.linear.scatter [tilespmem:s13], [sflag:$0x3], $0x4000, $0x38;
	[tilespmem:$0x1E800] =	vst v63  }
0x10e: {  	_ =	swait.ge [sflag:s14], $0x4000  }
0x10f: {  	[sflag:s14] =	ssyncset.done $0x0  }
0x110: {  	s28 =	rddreg [dreg:$0x17];
	[sflag:s14] =	ssyncadd.s32 $0xFFFFC000  }
0x111: {  	[tilespmem:s13], [sflag:$0x3] =	stream.linear.gather [spmem:s28], $0x4000, $0x38;
	[tilespmem:$0x1E800] =	vst v63  }
0x112: {  	_ =	swait.ge [sflag:s14], $0x4000  }
0x113: {  	[sflag:s14] =	ssyncset.done $0x0  }
0x114: {  	s26 =	rddreg [dreg:$0x12];
	[sflag:s14] =	ssyncadd.s32 $0xFFFFC000  }
0x115: {  	[hbm4b:s26+s3] =	stream.linear.scatter [tilespmem:s13], [sflag:$0x3], $0x4000, $0x38;
	[tilespmem:$0x1E800] =	vst v63  }
0x116: {  	_ =	swait.ge [sflag:s14], $0x4000  }
0x117: {  	s24 =	sadd.s32 $0x1, s24;
	s28 =	rddreg [dreg:$0x9]  }
0x118: {  	p0 =	sne.s32 s24, s28  }
.Ltmp2:
0x119: {  	_ = 	snop;
	(pc) =	sbr.rel @p0 .LBB2_1-.Ltmp2, $3  }
0x11a: {  	_ =	sdelay $0x1  }
0x11b: {  	[sflag:s14] =	ssyncset.done $0x0  }
0x11c: {  	[sflag:s14] =	ssyncadd.s32 $0xFFFFC000  }
0x11d: {  	_ =	sfence.sel $0x180000  }
0x11e: {  	[bflag:$0x0] =	sbarrier.arrive $0xFFFF  }
0x11f: {  	_ =	strace $0x9000004D  }
0x120: {  	s0 =	stileid.u32;
	[bflag:$0x2] =	sbarrier.arrive $0xFFFF  }
0x121: {  	p0 =	sne.s32 s0, $0x0;
	s0 =	rddreg [dreg:$0x3]  }
0x122: {  	s0 =	sadd.s32 @!p0 $0x100000, s0  }
0x123: {  	[sflag:s0] =	ssyncadd.tile.s32 @!p0 $0x1;
	_ =	shalt  }
.Lfunc_end2:
_tile_overlayer_lowered:
.L_overlay_start_2:
0x124: {  	(tag) =	ssettag $0x2  }
0x125: {  	s0 =	rddreg [dreg:$0x0];
	s2 =	stileid.u32  }
0x126: {  	s1 =	rddreg [dreg:$0x1];
	p0 =	sne.s32 s2, $0x0  }
0x127: {  	s3 =	rddreg [dreg:$0x2];
	[bflag:$0x3] =	sbarrier.arrive $0xFFFF;
	s2 =	simm.s32 @!p0 $0x1C03  }
0x128: {  	[timem:s3], [sflag:s2] =	dma.local @!p0 [hbm:s0], s1  }
0x129: {  	s0 =	simm.s32 @!p0 $0x3  }
0x12a: {  	_ =	swait.ge @!p0 [sflag:s0], s1  }
0x12b: {  	s1 =	ssub.s32 @!p0 $0x0, s1;
	[sflag:s0] =	ssyncset.done @!p0 $0x0  }
0x12c: {  	[sflag:s0] =	ssyncadd.s32 @!p0 s1  }
0x12d: {  	[bflag:$0x3] =	sbarrier.arrive $0xFFFF  }
0x12e: {  	_ =	shalt  }

// kernel: kernel.9.cloned.1.call-start
scs
__scs_entry_jumppad:
0x0: {  	(pc) =	sbr.rel $0x88, $3  }
0x1: {  	(tag) =	ssettag $0x0;
	lr =	simm.s32 $0x1  }
0x2: {  	[smem:$0x3F98] =	sst lr;
	_ =	strace $0xD0000000  }
0x3: {  	_ = 	snop  }
0x4: {  	_ = 	snop  }
0x5: {  	_ = 	snop  }
0x6: {  	_ = 	snop  }
0x7: {  	_ = 	snop  }
__scs_overlays_trampoline_lowered:
0x8: {  	[smem:$0x3FA7] =	sst s0  }
0x9: {  	[smem:$0x3FA8] =	sst s1  }
0xa: {  	[smem:$0x3FA9] =	sst s2  }
0xb: {  	[smem:$0x3FAA] =	sst s3  }
0xc: {  	[smem:$0x3FAB] =	sst s4  }
0xd: {  	[smem:$0x3FAC] =	sst s5  }
0xe: {  	[smem:$0x3FAD] =	sst s6  }
0xf: {  	[smem:$0x3FAE] =	sst s7  }
0x10: {  	[smem:$0x3FAF] =	sst s8  }
0x11: {  	[smem:$0x3FB0] =	sst s9;
	s0 =	simm.s32 @!p0 $0x0  }
0x12: {  	s1 =	sld [smem:$0x3F96];
	s0 =	simm.s32 @p0 $0x1  }
0x13: {  	[smem:$0x3FB1] =	sst s0;
	s0 =	simm.s32 @!p1 $0x0  }
0x14: {  	s2 =	sld [smem:$0x3F95];
	s0 =	simm.s32 @p1 $0x1  }
0x15: {  	[smem:$0x3FB2] =	sst s0;
	s0 =	simm.s32 @!p2 $0x0  }
0x16: {  	s3 =	sld [smem:$0x3FDB];
	s0 =	simm.s32 @p2 $0x1  }
0x17: {  	s4 =	simm.s32 $0x1BF5;
	[smem:$0x3FB4] =	sst s0  }
0x18: {  	s0 =	sld [smem:$0x3F97];
	_ =	swait.ge [sflag:s4], $0x0  }
0x19: {  	s7 =	sld [smem:$0x3F98]  }
0x1a: {  	s8 =	sadd.s32 $0xFFFFE003, lr  }
0x1b: {  	s9 =	sadd.s32 $0xFFFFFEF7, lr;
	s5 =	simm.s32 $0xFFFFFFFF;
	p2 =	slt.u32 s8, $0xFFFFF086  }
0x1c: {  	p1 =	slt.u32 s9, $0xF7A;
	s5 =	simm.s32 @!p2 $0x0  }
0x1d: {  	s5 =	simm.s32 @p1 $0x1;
	p0 =	seq.s32 s7, s2  }
0x1e: {  	s7 =	smul.u32 @!p0 $0xF7A, s2;
	p2 =	seq.s32 @!p0 s5, $0x0  }
0x1f: {  	s9 =	smul.u32 $0xF7A, s1;
	s8 =	simm.s32 @!p0 $0x1BF5;
	p2 =	por !p2, p0  }
0x20: {  	[sflag:s8] =	ssyncset.s32 @!p0 $0xFFFFF086;
	s6 =	sadd.s32 @!p0 s3, s7;
	s7 =	simm.s32 @!p0 $0x108  }
0x21: {  	s3 =	sadd.s32 s3, s9;
	s6 =	sadd.s32 @!p0 $0x88, s6;
	s7 =	simm.s32 @p2 $0x1082  }
0x22: {  	[simem:s7], [sflag:s8] =	dma.local @!p0 [hbm:s6], $0xF7A  }
0x23: {  	s9 =	sor.u32 $0xD0000000, s2;
	s6 =	simm.s32 $0x108;
	_ =	swait.ge @!p0 [sflag:s8], $0x0  }
0x24: {  	s3 =	sadd.s32 $0x88, s3;
	s6 =	simm.s32 @!p1 $0x1082;
	[sflag:s4] =	ssyncset.s32 $0xFFFFF086  }
0x25: {  	[simem:s6], [sflag:s4] =	dma.local [hbm:s3], $0xF7A  }
0x26: {  	[smem:$0x3F98] =	sst s1;
	(tag) =	ssettag s2;
	_ =	strace s9  }
0x27: {  	s1 =	sld [smem:$0x3FA8]  }
0x28: {  	s2 =	sld [smem:$0x3FA9]  }
0x29: {  	s4 =	sld [smem:$0x3FAB]  }
0x2a: {  	p0 =	seq.s32 s5, $0x0;
	s5 =	sld [smem:$0x3FAC]  }
0x2b: {  	s6 =	sld [smem:$0x3FAD]  }
0x2c: {  	s7 =	sld [smem:$0x3FAE]  }
0x2d: {  	s3 =	simm.s32 $0x108;
	s8 =	sld [smem:$0x3FAF]  }
0x2e: {  	s3 =	simm.s32 @!p0 $0x1082;
	s9 =	sld [smem:$0x3FB0]  }
0x2f: {  	lr =	sadd.s32 s0, s3;
	s0 =	sld [smem:$0x3FA7]  }
0x30: {  	s3 =	sld [smem:$0x3FAA]  }
0x31: {  	[smem:$0x3FB3] =	sst s10  }
0x32: {  	s10 =	sld [smem:$0x3FB1];
	_ =	sdelay $0x3  }
0x33: {  	p0 =	seq.s32 s10, $0x1;
	s10 =	sld [smem:$0x3FB3];
	_ =	sdelay $0x3  }
0x34: {  	[smem:$0x3FB3] =	sst s10  }
0x35: {  	s10 =	sld [smem:$0x3FB2];
	_ =	sdelay $0x3  }
0x36: {  	p1 =	seq.s32 s10, $0x1;
	s10 =	sld [smem:$0x3FB3];
	_ =	sdelay $0x3  }
0x37: {  	[smem:$0x3FB3] =	sst s10  }
0x38: {  	s10 =	sld [smem:$0x3FB4]  }
0x39: {  	_ = 	snop;
	(pc) =	sbr.ind lr, $3  }
0x3a: {  	_ = 	snop  }
0x3b: {  	_ = 	snop  }
0x3c: {  	p2 =	seq.s32 s10, $0x1;
	s10 =	sld [smem:$0x3FB3]  }
0x3d: {  	_ =	shalt  }
0x3e: {  	_ =	shalt  }
0x3f: {  	_ =	shalt  }
0x40: {  	_ =	shalt  }
0x41: {  	_ =	shalt  }
0x42: {  	_ =	shalt  }
0x43: {  	_ =	shalt  }
0x44: {  	_ =	shalt  }
0x45: {  	_ =	shalt  }
0x46: {  	_ =	shalt  }
0x47: {  	_ =	shalt  }
0x48: {  	_ =	shalt  }
0x49: {  	_ =	shalt  }
0x4a: {  	_ =	shalt  }
0x4b: {  	_ =	shalt  }
0x4c: {  	_ =	shalt  }
0x4d: {  	_ =	shalt  }
0x4e: {  	_ =	shalt  }
0x4f: {  	_ =	shalt  }
0x50: {  	_ =	shalt  }
0x51: {  	_ =	shalt  }
0x52: {  	_ =	shalt  }
0x53: {  	_ =	shalt  }
0x54: {  	_ =	shalt  }
0x55: {  	_ =	shalt  }
0x56: {  	_ =	shalt  }
0x57: {  	_ =	shalt  }
0x58: {  	_ =	shalt  }
0x59: {  	_ =	shalt  }
0x5a: {  	_ =	shalt  }
0x5b: {  	_ =	shalt  }
0x5c: {  	_ =	shalt  }
0x5d: {  	_ =	shalt  }
0x5e: {  	_ =	shalt  }
0x5f: {  	_ =	shalt  }
0x60: {  	_ =	shalt  }
0x61: {  	_ =	shalt  }
0x62: {  	_ =	shalt  }
0x63: {  	_ =	shalt  }
0x64: {  	_ =	shalt  }
0x65: {  	_ =	shalt  }
0x66: {  	_ =	shalt  }
0x67: {  	_ =	shalt  }
0x68: {  	_ =	shalt  }
0x69: {  	_ =	shalt  }
0x6a: {  	_ =	shalt  }
0x6b: {  	_ =	shalt  }
0x6c: {  	_ =	shalt  }
0x6d: {  	_ =	shalt  }
0x6e: {  	_ =	shalt  }
0x6f: {  	_ =	shalt  }
0x70: {  	_ =	shalt  }
0x71: {  	_ =	shalt  }
0x72: {  	_ =	shalt  }
0x73: {  	_ =	shalt  }
0x74: {  	_ =	shalt  }
0x75: {  	_ =	shalt  }
0x76: {  	_ =	shalt  }
0x77: {  	_ =	shalt  }
0x78: {  	_ =	shalt  }
0x79: {  	_ =	shalt  }
0x7a: {  	_ =	shalt  }
0x7b: {  	_ =	shalt  }
0x7c: {  	_ =	shalt  }
0x7d: {  	_ =	shalt  }
0x7e: {  	_ =	shalt  }
0x7f: {  	_ =	shalt  }
0x80: {  	_ =	shalt  }
0x81: {  	_ =	shalt  }
0x82: {  	_ =	shalt  }
0x83: {  	_ =	shalt  }
0x84: {  	_ =	shalt  }
0x85: {  	_ =	shalt  }
0x86: {  	_ =	shalt  }
0x87: {  	_ =	shalt  }
.Lfunc_end0:
.L_simem_size_0:
called_computation_lowered:
.L_overlay_start_0:
0x88: {  	s2 =	sld [smem:$0x3FD9]  }
0x89: {  	s3 =	sld [smem:$0x3FFE];
	_ =	sdelay $0x1  }
0x8a: {  	s1 =	srdreg.scid  }
0x8b: {  	s0 =	sand.u32 $0x1, s1  }
0x8c: {  	s16 =	sshll.u32 s0, $0xA;
	s2 =	sadd.s32 s3, s2  }
0x8d: {  	s2 =	sadd.s32 s2, s16  }
0x8e: {  	[smem:$0x3FBF] =	sst s2  }
0x8f: {  	_ = 	snop  }
0x90: {  	(tm) =	ssettm $0x1  }
0x91: {  	s17 =	sld [smem:$0x3FFB];
	_ =	sdelay $0x3  }
0x92: {  	_ =	strace s17  }
0x93: {  	s2 =	sld [smem:$0x3FFC];
	_ =	sdelay $0x3  }
0x94: {  	_ =	strace s2  }
0x95: {  	s2 =	sld [smem:$0x3FFD];
	_ =	sdelay $0x3  }
0x96: {  	_ =	strace s2  }
0x97: {  	_ =	strace $0x8FFFFFFF  }
0x98: {  	s18 =	sld [smem:$0x3FDB];
	_ =	sdelay $0x1  }
0x99: {  	s19 =	simm.s32 $_scs_section_size  }
0x9a: {  	s4 =	simm.s32 $_size__tile_overlayer_lowered;
	s5 =	simm.s32 $_tile_overlayer_lowered  }
0x9b: {  	s22 =	simm.s32 $0x1BFF;
	s21 =	sshll.u32 s5, $0x1;
	s2 =	sadd.s32 s19, s18  }
0x9c: {  	s6 =	simm.s32 $0x0;
	s20 =	sshll.u32 s4, $0x1;
	s4 =	sadd.s32 s21, s2  }
0x9d: {  	[timem:s6], [sflag:s22] =	dma.local [hbm:s4], s20  }
0x9e: {  	_ =	swait.ge [sflag:s22], s20  }
0x9f: {  	s3 =	ssub.s32 $0x0, s20;
	[sflag:s22] =	ssyncset.done $0x0  }
0xa0: {  	[sflag:s22] =	ssyncadd.s32 s3;
	_ =	sdelay $0x1  }
0xa1: {  	s23 =	simm.s32 $0x1B8B  }
0xa2: {  	_ =	swait.ge [sflag:s23], $0x1  }
0xa3: {  	[sflag:s23] =	ssyncset.done $0x0  }
0xa4: {  	s25 =	simm.s32 $0x1B8E;
	s24 =	sld [smem:$0x3FFE];
	[sflag:s23] =	ssyncadd.s32 $0xFFFFFFFF  }
0xa5: {  	s26 =	simm.s32 $execute0_lowered;
	[smem:$0x3FD2] =	sst s25  }
0xa6: {  	s4 =	sshll.u32 s26, $0x1;
	_ =	strace $0x80000046;
	[dreg:$0x1] =	wrdreg $0xFFFFFFFF  }
0xa7: {  	s28 =	simm.s32 $_size_execute0_lowered;
	s2 =	sadd.s32 s2, s4;
	[dreg:$0x0] =	wrdreg $0x0  }
0xa8: {  	s4 =	sshll.u32 s28, $0x1;
	[dreg:$0x2] =	wrdreg s2  }
0xa9: {  	[dreg:$0x3] =	wrdreg s4  }
0xaa: {  	[dreg:$0x4] =	wrdreg $0xC0  }
0xab: {  	_ =	task [dreg:s6], $0x5FFFF  }
0xac: {  	[dreg:$0x1] =	wrdreg $0xFFFFFFFF  }
0xad: {  	[dreg:$0x0] =	wrdreg $0x60  }
0xae: {  	[dreg:$0x2] =	wrdreg s24  }
0xaf: {  	[dreg:$0x3] =	wrdreg $0x0  }
0xb0: {  	[dreg:$0x4] =	wrdreg $0x9  }
0xb1: {  	_ =	task.clear_ibuf [dreg:s6], $0x5FFFF;
	_ =	strace $0x90000046  }
0xb2: {  	s29 =	simm.s32 $0x9;
	_ =	strace $0x80000048  }
0xb3: {  	_ =	swait.ge [sflag:s29], $0x1  }
0xb4: {  	[sflag:s29] =	ssyncadd.s32 $0xFFFFFFFF  }
0xb5: {  	_ =	strace $0x90000048  }
0xb6: {  	_ =	sfence  }
0xb7: {  	s30 =	sld [smem:$0x0];
	_ =	sdelay $0x2  }
0xb8: {  	s31 =	sshll.u32 s1, $0xD;
	s1 =	sshrl.u32 s1, $0x2  }
0xb9: {  	s3 =	sand.u32 $0x4000, s31;
	s1 =	sadd.s32 s1, s30  }
0xba: {  	s0 =	sor.u32 s3, s0;
	s1 =	sshll.u32 s1, $0x11  }
0xbb: {  	s0 =	sor.u32 s1, s0  }
0xbc: {  	s0 =	sadd.s32 $0x8F2B, s0  }
0xbd: {  	[sflag:s0] =	ssyncadd.remote.s32 $0x1  }
0xbe: {  	_ =	sfence.sel $0xFFFF  }
0xbf: {  	[dreg:$0x0] =	wrdreg $0xFFFFFFFF;
	(pc) =	sbr.abs _section_cstart, $3  }
0xc0: {  	[dreg:$0x1] =	wrdreg $0xFFFFFFFF  }
0xc1: {  	_ =	task.clear_ibuf [dreg:s6], $0x2FFFF;
	_ =	strace $0x9FFFFFFF  }
0xc2: {  	(tm) =	ssettm $0x7FFFFFFF  }
0xc3: {  	_ =	shalt  }
tec
execute0_lowered:
.L_overlay_start_1:
0x0: {  	(tag) =	ssettag $0x1  }
0x1: {  	s0 =	rddreg [dreg:$0x0]  }
0x2: {  	s1 =	rddreg [dreg:$0x1];
	s2 =	srdreg.scid;
	s3 =	simm.s32 $0x0  }
0x3: {  	s8 =	stileid.u32;
	s2 =	sand.u32 $0x1, s2;
	[smem:$0x7FF] =	sst s3  }
0x4: {  	s5 =	sadd.s32 $0x17400, s0;
	s6 =	smul.u32 $0x50000, s8;
	s7 =	sadd.s32 $0x17600, s0  }
0x5: {  	s13 =	smul.u32 $0x14000, s8;
	_ =	strace $0x80000047;
	[dreg:$0x3] =	wrdreg s5  }
0x6: {  	s4 =	sshll.u32 s2, $0x4;
	s9 =	ssub.s32 $0x2, s2;
	[dreg:$0x4] =	wrdreg s7  }
0x7: {  	s2 =	smul.u32 $0x140000, s2;
	s4 =	sor.u32 s8, s4;
	s10 =	sshrl.u32 s9, $0x1  }
0x8: {  	s6 =	sshrl.u32 s6, $0x2;
	s19 =	sadd.s32 $0x4000, s13;
	s23 =	sadd.s32 $0x8000, s13  }
0x9: {  	s24 =	sadd.s32 $0xC000, s13;
	s4 =	smul.u32 $0x500, s4;
	s5 =	ssub.s32 s9, s10  }
0xa: {  	s6 =	sadd.s32 s6, s1;
	s18 =	sadd.s32 s2, s13;
	s21 =	sadd.s32 s2, s19  }
0xb: {  	s25 =	sadd.s32 s2, s23;
	s10 =	sadd.s32 s2, s24;
	s23 =	sadd.s32 s23, s1  }
0xc: {  	s24 =	sadd.s32 s24, s1;
	s11 =	smax.u32 s5, $0x1;
	s12 =	sadd.s32 $0x1000, s6  }
0xd: {  	s14 =	sadd.s32 $0x2000, s6;
	s15 =	sadd.s32 $0x3000, s6;
	s16 =	sadd.s32 $0x4000, s6  }
0xe: {  	s17 =	sadd.s32 $0x5000, s6;
	s20 =	sadd.s32 $0x6000, s6;
	[dreg:$0x6] =	wrdreg s11  }
0xf: {  	s5 =	sshrl.u32 s18, $0x3;
	s9 =	sadd.s32 $0x7000, s6;
	[dreg:$0x7] =	wrdreg s12  }
0x10: {  	s22 =	sshrl.u32 s21, $0x3;
	s10 =	sshrl.u32 s10, $0x3;
	[dreg:$0x8] =	wrdreg s14  }
0x11: {  	s21 =	sadd.s32 $0x8000, s6;
	s28 =	sadd.s32 $0xA000, s6;
	[dreg:$0x9] =	wrdreg s15  }
0x12: {  	s29 =	sadd.s32 $0xB000, s6;
	s30 =	sadd.s32 $0xC000, s6;
	[dreg:$0xa] =	wrdreg s16  }
0x13: {  	s31 =	sadd.s32 $0xD000, s6;
	s7 =	sadd.s32 $0x12000, s6;
	[dreg:$0xb] =	wrdreg s17  }
0x14: {  	s8 =	sadd.s32 $0x13000, s6;
	s4 =	sadd.s32 s4, s0;
	[dreg:$0xc] =	wrdreg s20  }
0x15: {  	s0 =	sadd.s32 $0x17E00, s0;
	[dreg:$0xd] =	wrdreg s9;
	s9 =	sshrl.u32 s25, $0x3  }
0x16: {  	s11 =	simm.s32 $0x16800;
	s12 =	simm.s32 $0x80;
	s4 =	sadd.s32 $0xD400, s4  }
0x17: {  	s14 =	simm.s32 $0x0;
	s5 =	sadd.s32 s0, s5;
	[dreg:$0x5] =	wrdreg s4  }
0x18: {  	s9 =	sadd.s32 s0, s9;
	s26 =	sadd.s32 s0, s10;
	[dreg:$0xe] =	wrdreg s5  }
0x19: {  	s10 =	simm.s32 $0x2;
	s5 =	sadd.s32 s0, s22;
	[dreg:$0x10] =	wrdreg s9  }
0x1a: {  	s4 =	sadd.s32 $0x10000, s13;
	[dreg:$0x11] =	wrdreg s26;
	s22 =	sadd.s32 s19, s1  }
0x1b: {  	s26 =	sadd.s32 $0x9000, s6;
	s9 =	simm.s32 $0x1A800;
	s13 =	simm.s32 $0x1  }
0x1c: {  	[dreg:$0xf] =	wrdreg s5;
	s2 =	sadd.s32 s2, s4;
	s25 =	sadd.s32 s4, s1  }
0x1d: {  	s4 =	sadd.s32 $0x10000, s6;
	s5 =	sadd.s32 $0x11000, s6;
	s2 =	sshrl.u32 s2, $0x3  }
0x1e: {  	s20 =	sadd.s32 s0, s2;
	s0 =	sadd.s32 $0xE000, s6;
	s2 =	sadd.s32 $0xF000, s6  }
.LBB2_1:
0x1f: {  	s15 =	rddreg [dreg:$0x3]  }
0x20: {  	[tilespmem:s9], [sflag:$0x2] =	stream.linear.gather [hbm4b:s15+s3], $0x1000, $0x38;
	[tilespmem:$0x1B800] =	vst v63  }
0x21: {  	_ =	swait.ge [sflag:s10], $0x1000  }
0x22: {  	[sflag:s10] =	ssyncset.done $0x0  }
0x23: {  	[sflag:s10] =	ssyncadd.s32 $0xFFFFF000  }
0x24: {  	[spmem:s6] =	stream.linear.scatter [tilespmem:s9], [sflag:$0x2], $0x1000, $0x38;
	[tilespmem:$0x1B800] =	vst v63  }
0x25: {  	_ =	swait.ge [sflag:s10], $0x1000  }
0x26: {  	[sflag:s10] =	ssyncset.done $0x0  }
0x27: {  	s19 =	rddreg [dreg:$0x7];
	[sflag:s10] =	ssyncadd.s32 $0xFFFFF000  }
0x28: {  	[spmem:s19] =	stream.linear.scatter [tilespmem:s9], [sflag:$0x2], $0x1000, $0x38;
	[tilespmem:$0x1B800] =	vst v63  }
0x29: {  	_ =	swait.ge [sflag:s10], $0x1000  }
0x2a: {  	[sflag:s10] =	ssyncset.done $0x0  }
0x2b: {  	s16 =	rddreg [dreg:$0x8];
	[sflag:s10] =	ssyncadd.s32 $0xFFFFF000  }
0x2c: {  	[spmem:s16] =	stream.linear.scatter [tilespmem:s9], [sflag:$0x2], $0x1000, $0x38;
	[tilespmem:$0x1B800] =	vst v63  }
0x2d: {  	_ =	swait.ge [sflag:s10], $0x1000  }
0x2e: {  	[sflag:s10] =	ssyncset.done $0x0  }
0x2f: {  	s17 =	rddreg [dreg:$0x9];
	[sflag:s10] =	ssyncadd.s32 $0xFFFFF000  }
0x30: {  	[spmem:s17] =	stream.linear.scatter [tilespmem:s9], [sflag:$0x2], $0x1000, $0x38;
	[tilespmem:$0x1B800] =	vst v63  }
0x31: {  	_ =	swait.ge [sflag:s10], $0x1000  }
0x32: {  	[sflag:s10] =	ssyncset.done $0x0  }
0x33: {  	s18 =	rddreg [dreg:$0xa];
	[sflag:s10] =	ssyncadd.s32 $0xFFFFF000  }
0x34: {  	[spmem:s18] =	stream.linear.scatter [tilespmem:s9], [sflag:$0x2], $0x1000, $0x38;
	[tilespmem:$0x1B800] =	vst v63  }
0x35: {  	_ =	swait.ge [sflag:s10], $0x1000  }
0x36: {  	[sflag:s10] =	ssyncset.done $0x0  }
0x37: {  	s19 =	rddreg [dreg:$0xb];
	[sflag:s10] =	ssyncadd.s32 $0xFFFFF000  }
0x38: {  	[spmem:s19] =	stream.linear.scatter [tilespmem:s9], [sflag:$0x2], $0x1000, $0x38;
	[tilespmem:$0x1B800] =	vst v63  }
0x39: {  	_ =	swait.ge [sflag:s10], $0x1000  }
0x3a: {  	[sflag:s10] =	ssyncset.done $0x0  }
0x3b: {  	s16 =	rddreg [dreg:$0xc];
	[sflag:s10] =	ssyncadd.s32 $0xFFFFF000  }
0x3c: {  	[spmem:s16] =	stream.linear.scatter [tilespmem:s9], [sflag:$0x2], $0x1000, $0x38;
	[tilespmem:$0x1B800] =	vst v63  }
0x3d: {  	_ =	swait.ge [sflag:s10], $0x1000  }
0x3e: {  	[sflag:s10] =	ssyncset.done $0x0  }
0x3f: {  	s17 =	rddreg [dreg:$0xd];
	[sflag:s10] =	ssyncadd.s32 $0xFFFFF000  }
0x40: {  	[spmem:s17] =	stream.linear.scatter [tilespmem:s9], [sflag:$0x2], $0x1000, $0x38;
	[tilespmem:$0x1B800] =	vst v63  }
0x41: {  	_ =	swait.ge [sflag:s10], $0x1000  }
0x42: {  	[sflag:s10] =	ssyncset.done $0x0  }
0x43: {  	[sflag:s10] =	ssyncadd.s32 $0xFFFFF000  }
0x44: {  	[spmem:s21] =	stream.linear.scatter [tilespmem:s9], [sflag:$0x2], $0x1000, $0x38;
	[tilespmem:$0x1B800] =	vst v63  }
0x45: {  	_ =	swait.ge [sflag:s10], $0x1000  }
0x46: {  	[sflag:s10] =	ssyncset.done $0x0  }
0x47: {  	[sflag:s10] =	ssyncadd.s32 $0xFFFFF000  }
0x48: {  	[spmem:s26] =	stream.linear.scatter [tilespmem:s9], [sflag:$0x2], $0x1000, $0x38;
	[tilespmem:$0x1B800] =	vst v63  }
0x49: {  	_ =	swait.ge [sflag:s10], $0x1000  }
0x4a: {  	[sflag:s10] =	ssyncset.done $0x0  }
0x4b: {  	[sflag:s10] =	ssyncadd.s32 $0xFFFFF000  }
0x4c: {  	[spmem:s28] =	stream.linear.scatter [tilespmem:s9], [sflag:$0x2], $0x1000, $0x38;
	[tilespmem:$0x1B800] =	vst v63  }
0x4d: {  	_ =	swait.ge [sflag:s10], $0x1000  }
0x4e: {  	[sflag:s10] =	ssyncset.done $0x0  }
0x4f: {  	[sflag:s10] =	ssyncadd.s32 $0xFFFFF000  }
0x50: {  	[spmem:s29] =	stream.linear.scatter [tilespmem:s9], [sflag:$0x2], $0x1000, $0x38;
	[tilespmem:$0x1B800] =	vst v63  }
0x51: {  	_ =	swait.ge [sflag:s10], $0x1000  }
0x52: {  	[sflag:s10] =	ssyncset.done $0x0  }
0x53: {  	[sflag:s10] =	ssyncadd.s32 $0xFFFFF000  }
0x54: {  	[spmem:s30] =	stream.linear.scatter [tilespmem:s9], [sflag:$0x2], $0x1000, $0x38;
	[tilespmem:$0x1B800] =	vst v63  }
0x55: {  	_ =	swait.ge [sflag:s10], $0x1000  }
0x56: {  	[sflag:s10] =	ssyncset.done $0x0  }
0x57: {  	[sflag:s10] =	ssyncadd.s32 $0xFFFFF000  }
0x58: {  	[spmem:s31] =	stream.linear.scatter [tilespmem:s9], [sflag:$0x2], $0x1000, $0x38;
	[tilespmem:$0x1B800] =	vst v63  }
0x59: {  	_ =	swait.ge [sflag:s10], $0x1000  }
0x5a: {  	[sflag:s10] =	ssyncset.done $0x0  }
0x5b: {  	[sflag:s10] =	ssyncadd.s32 $0xFFFFF000  }
0x5c: {  	[spmem:s0] =	stream.linear.scatter [tilespmem:s9], [sflag:$0x2], $0x1000, $0x38;
	[tilespmem:$0x1B800] =	vst v63  }
0x5d: {  	_ =	swait.ge [sflag:s10], $0x1000  }
0x5e: {  	[sflag:s10] =	ssyncset.done $0x0  }
0x5f: {  	[sflag:s10] =	ssyncadd.s32 $0xFFFFF000  }
0x60: {  	[spmem:s2] =	stream.linear.scatter [tilespmem:s9], [sflag:$0x2], $0x1000, $0x38;
	[tilespmem:$0x1B800] =	vst v63  }
0x61: {  	_ =	swait.ge [sflag:s10], $0x1000  }
0x62: {  	[sflag:s10] =	ssyncset.done $0x0  }
0x63: {  	[sflag:s10] =	ssyncadd.s32 $0xFFFFF000  }
0x64: {  	[spmem:s4] =	stream.linear.scatter [tilespmem:s9], [sflag:$0x2], $0x1000, $0x38;
	[tilespmem:$0x1B800] =	vst v63  }
0x65: {  	_ =	swait.ge [sflag:s10], $0x1000  }
0x66: {  	[sflag:s10] =	ssyncset.done $0x0  }
0x67: {  	[sflag:s10] =	ssyncadd.s32 $0xFFFFF000  }
0x68: {  	[spmem:s5] =	stream.linear.scatter [tilespmem:s9], [sflag:$0x2], $0x1000, $0x38;
	[tilespmem:$0x1B800] =	vst v63  }
0x69: {  	_ =	swait.ge [sflag:s10], $0x1000  }
0x6a: {  	[sflag:s10] =	ssyncset.done $0x0  }
0x6b: {  	[sflag:s10] =	ssyncadd.s32 $0xFFFFF000  }
0x6c: {  	[spmem:s7] =	stream.linear.scatter [tilespmem:s9], [sflag:$0x2], $0x1000, $0x38;
	[tilespmem:$0x1B800] =	vst v63  }
0x6d: {  	_ =	swait.ge [sflag:s10], $0x1000  }
0x6e: {  	[sflag:s10] =	ssyncset.done $0x0  }
0x6f: {  	[sflag:s10] =	ssyncadd.s32 $0xFFFFF000  }
0x70: {  	[spmem:s8] =	stream.linear.scatter [tilespmem:s9], [sflag:$0x2], $0x1000, $0x38;
	[tilespmem:$0x1B800] =	vst v63  }
0x71: {  	_ =	swait.ge [sflag:s10], $0x1000  }
0x72: {  	[sflag:s10] =	ssyncset.done $0x0  }
0x73: {  	s18 =	rddreg [dreg:$0x4];
	[sflag:s10] =	ssyncadd.s32 $0xFFFFF000  }
0x74: {  	[tilespmem:s11], [sflag:$0x2] =	stream.linear.gather [hbm4b:s18+s3], $0x4000, $0x38;
	[tilespmem:$0x1B800] =	vst v63  }
0x75: {  	_ =	swait.ge [sflag:s10], $0x4000  }
0x76: {  	[sflag:s10] =	ssyncset.done $0x0  }
0x77: {  	s16 =	simm.s32 $0x14000;
	s19 =	rddreg [dreg:$0x5];
	[sflag:s10] =	ssyncadd.s32 $0xFFFFC000  }
0x78: {  	[tilespmem:s16], [sflag:$0x2] =	stream.linear.gather [hbm4b:s19+s3], $0x2800, $0x38;
	[tilespmem:$0x1B800] =	vst v63  }
0x79: {  	_ =	swait.ge [sflag:s10], $0x2800  }
0x7a: {  	[sflag:s10] =	ssyncset.done $0x0  }
0x7b: {  	[sflag:s10] =	ssyncadd.s32 $0xFFFFD800  }
0x7c: {  	s16 =	simm.s32 $0x14000;
	[bflag:$0x0] =	sbarrier.arrive $0xFFFF  }
0x7d: {  	[spmem:s1] =	stream.indirect.scatter.add.f32 [tilespmem:s11], [sflag:$0x1], $0x80, s16, s12, $0xb8;
	[tilespmem:$0x1B800] =	vst v63  }
0x7e: {  	s17 =	simm.s32 $0x14080  }
0x7f: {  	[spmem:s1] =	stream.indirect.scatter.add.f32 [tilespmem:s11], [sflag:$0x1], $0x80, s17, s12, $0xb8;
	[tilespmem:$0x1B800] =	vst v63  }
0x80: {  	s18 =	simm.s32 $0x14100  }
0x81: {  	[spmem:s1] =	stream.indirect.scatter.add.f32 [tilespmem:s11], [sflag:$0x1], $0x80, s18, s12, $0xb8;
	[tilespmem:$0x1B800] =	vst v63  }
0x82: {  	s19 =	simm.s32 $0x14180  }
0x83: {  	[spmem:s1] =	stream.indirect.scatter.add.f32 [tilespmem:s11], [sflag:$0x1], $0x80, s19, s12, $0xb8;
	[tilespmem:$0x1B800] =	vst v63  }
0x84: {  	_ =	swait.ge [sflag:s13], $0x4000  }
0x85: {  	[sflag:s13] =	ssyncset.done $0x0  }
0x86: {  	[sflag:s13] =	ssyncadd.s32 $0xFFFFC000  }
0x87: {  	_ =	swait.ge [sflag:s13], $0x4000  }
0x88: {  	[sflag:s13] =	ssyncset.done $0x0  }
0x89: {  	[sflag:s13] =	ssyncadd.s32 $0xFFFFC000  }
0x8a: {  	_ =	swait.ge [sflag:s13], $0x4000  }
0x8b: {  	[sflag:s13] =	ssyncset.done $0x0  }
0x8c: {  	[sflag:s13] =	ssyncadd.s32 $0xFFFFC000  }
0x8d: {  	_ =	swait.ge [sflag:s13], $0x4000  }
0x8e: {  	s15 =	simm.s32 $0x200;
	s16 =	simm.s32 $0x1000;
	[sflag:s13] =	ssyncset.done $0x0  }
.LBB2_2:
0x8f: {  	s17 =	sadd.s32 $0x14000, s15  }
0x90: {  	[sflag:s13] =	ssyncadd.s32 $0xFFFFC000;
	s18 =	smov.u32 s16;
	s19 =	sadd.s32 $0x800, s16  }
0x91: {  	[spmem:s1] =	stream.indirect.scatter.add.f32 [tilespmem:s11], [sflag:$0x1], $0x80, s17, s12, $0xb8;
	[tilespmem:$0x1B800] =	vst v63  }
0x92: {  	p0 =	sne.s32 s16, $0x9800;
	s16 =	sadd.s32 $0x14080, s15  }
0x93: {  	[spmem:s1] =	stream.indirect.scatter.add.f32 [tilespmem:s11], [sflag:$0x1], $0x80, s16, s12, $0xb8;
	[tilespmem:$0x1B800] =	vst v63  }
0x94: {  	s16 =	sadd.s32 $0x14100, s15  }
0x95: {  	[spmem:s1] =	stream.indirect.scatter.add.f32 [tilespmem:s11], [sflag:$0x1], $0x80, s16, s12, $0xb8;
	[tilespmem:$0x1B800] =	vst v63  }
0x96: {  	s15 =	sadd.s32 $0x14180, s15  }
0x97: {  	[spmem:s1] =	stream.indirect.scatter.add.f32 [tilespmem:s11], [sflag:$0x1], $0x80, s15, s12, $0xb8;
	[tilespmem:$0x1B800] =	vst v63  }
0x98: {  	_ =	swait.ge [sflag:s13], $0x4000  }
0x99: {  	[sflag:s13] =	ssyncset.done $0x0  }
0x9a: {  	[sflag:s13] =	ssyncadd.s32 $0xFFFFC000  }
0x9b: {  	_ =	swait.ge [sflag:s13], $0x4000  }
0x9c: {  	[sflag:s13] =	ssyncset.done $0x0  }
0x9d: {  	[sflag:s13] =	ssyncadd.s32 $0xFFFFC000  }
.Ltmp0:
0x9e: {  	_ =	swait.ge [sflag:s13], $0x4000;
	(pc) =	sbr.rel @p0 .LBB2_2-.Ltmp0, $4  }
0x9f: {  	[sflag:s13] =	ssyncset.done $0x0  }
0xa0: {  	[sflag:s13] =	ssyncadd.s32 $0xFFFFC000  }
0xa1: {  	_ =	swait.ge [sflag:s13], $0x4000  }
0xa2: {  	s16 =	smov.u32 s19;
	s15 =	sshra.s32 s18, $0x2;
	[sflag:s13] =	ssyncset.done $0x0  }
0xa3: {  	s16 =	sadd.s32 $0x14000, s15;
	[sflag:s13] =	ssyncadd.s32 $0xFFFFC000  }
0xa4: {  	[spmem:s1] =	stream.indirect.scatter.add.f32 [tilespmem:s11], [sflag:$0x1], $0x80, s16, s12, $0xb8;
	[tilespmem:$0x1B800] =	vst v63  }
0xa5: {  	s19 =	sadd.s32 $0x14080, s15  }
0xa6: {  	[spmem:s1] =	stream.indirect.scatter.add.f32 [tilespmem:s11], [sflag:$0x1], $0x80, s19, s12, $0xb8;
	[tilespmem:$0x1B800] =	vst v63  }
0xa7: {  	s17 =	sadd.s32 $0x14100, s15  }
0xa8: {  	[spmem:s1] =	stream.indirect.scatter.add.f32 [tilespmem:s11], [sflag:$0x1], $0x80, s17, s12, $0xb8;
	[tilespmem:$0x1B800] =	vst v63  }
0xa9: {  	s18 =	sadd.s32 $0x14180, s15  }
0xaa: {  	[spmem:s1] =	stream.indirect.scatter.add.f32 [tilespmem:s11], [sflag:$0x1], $0x80, s18, s12, $0xb8;
	[tilespmem:$0x1B800] =	vst v63  }
0xab: {  	_ =	swait.ge [sflag:s13], $0x4000  }
0xac: {  	[sflag:s13] =	ssyncset.done $0x0  }
0xad: {  	[sflag:s13] =	ssyncadd.s32 $0xFFFFC000  }
0xae: {  	_ =	swait.ge [sflag:s13], $0x4000  }
0xaf: {  	[sflag:s13] =	ssyncset.done $0x0  }
0xb0: {  	[sflag:s13] =	ssyncadd.s32 $0xFFFFC000  }
0xb1: {  	_ =	swait.ge [sflag:s13], $0x4000  }
0xb2: {  	[sflag:s13] =	ssyncset.done $0x0  }
0xb3: {  	[sflag:s13] =	ssyncadd.s32 $0xFFFFC000  }
0xb4: {  	_ =	swait.ge [sflag:s13], $0x4000  }
0xb5: {  	[sflag:s13] =	ssyncset.done $0x0  }
0xb6: {  	[sflag:s13] =	ssyncadd.s32 $0xFFFFC000  }
0xb7: {  	[bflag:$0x0] =	sbarrier.arrive $0xFFFF  }
0xb8: {  	[tilespmem:s11], [sflag:$0x2] =	stream.linear.gather [spmem:s6], $0x4000, $0x38;
	[tilespmem:$0x1B800] =	vst v63  }
0xb9: {  	_ =	swait.ge [sflag:s10], $0x4000  }
0xba: {  	[sflag:s10] =	ssyncset.done $0x0  }
0xbb: {  	s19 =	rddreg [dreg:$0xe];
	[sflag:s10] =	ssyncadd.s32 $0xFFFFC000  }
0xbc: {  	[hbm4b:s19+s3] =	stream.linear.scatter [tilespmem:s11], [sflag:$0x2], $0x4000, $0x38;
	[tilespmem:$0x1B800] =	vst v63  }
0xbd: {  	_ =	swait.ge [sflag:s10], $0x4000  }
0xbe: {  	[sflag:s10] =	ssyncset.done $0x0  }
0xbf: {  	[sflag:s10] =	ssyncadd.s32 $0xFFFFC000  }
0xc0: {  	[tilespmem:s11], [sflag:$0x2] =	stream.linear.gather [spmem:s22], $0x4000, $0x38;
	[tilespmem:$0x1B800] =	vst v63  }
0xc1: {  	_ =	swait.ge [sflag:s10], $0x4000  }
0xc2: {  	[sflag:s10] =	ssyncset.done $0x0  }
0xc3: {  	s16 =	rddreg [dreg:$0xf];
	[sflag:s10] =	ssyncadd.s32 $0xFFFFC000  }
0xc4: {  	[hbm4b:s16+s3] =	stream.linear.scatter [tilespmem:s11], [sflag:$0x2], $0x4000, $0x38;
	[tilespmem:$0x1B800] =	vst v63  }
0xc5: {  	_ =	swait.ge [sflag:s10], $0x4000  }
0xc6: {  	[sflag:s10] =	ssyncset.done $0x0  }
0xc7: {  	[sflag:s10] =	ssyncadd.s32 $0xFFFFC000  }
0xc8: {  	[tilespmem:s11], [sflag:$0x2] =	stream.linear.gather [spmem:s23], $0x4000, $0x38;
	[tilespmem:$0x1B800] =	vst v63  }
0xc9: {  	_ =	swait.ge [sflag:s10], $0x4000  }
0xca: {  	[sflag:s10] =	ssyncset.done $0x0  }
0xcb: {  	s17 =	rddreg [dreg:$0x10];
	[sflag:s10] =	ssyncadd.s32 $0xFFFFC000  }
0xcc: {  	[hbm4b:s17+s3] =	stream.linear.scatter [tilespmem:s11], [sflag:$0x2], $0x4000, $0x38;
	[tilespmem:$0x1B800] =	vst v63  }
0xcd: {  	_ =	swait.ge [sflag:s10], $0x4000  }
0xce: {  	[sflag:s10] =	ssyncset.done $0x0  }
0xcf: {  	[sflag:s10] =	ssyncadd.s32 $0xFFFFC000  }
0xd0: {  	[tilespmem:s11], [sflag:$0x2] =	stream.linear.gather [spmem:s24], $0x4000, $0x38;
	[tilespmem:$0x1B800] =	vst v63  }
0xd1: {  	_ =	swait.ge [sflag:s10], $0x4000  }
0xd2: {  	[sflag:s10] =	ssyncset.done $0x0  }
0xd3: {  	s18 =	rddreg [dreg:$0x11];
	[sflag:s10] =	ssyncadd.s32 $0xFFFFC000  }
0xd4: {  	[hbm4b:s18+s3] =	stream.linear.scatter [tilespmem:s11], [sflag:$0x2], $0x4000, $0x38;
	[tilespmem:$0x1B800] =	vst v63  }
0xd5: {  	_ =	swait.ge [sflag:s10], $0x4000  }
0xd6: {  	[sflag:s10] =	ssyncset.done $0x0  }
0xd7: {  	[sflag:s10] =	ssyncadd.s32 $0xFFFFC000  }
0xd8: {  	[tilespmem:s11], [sflag:$0x2] =	stream.linear.gather [spmem:s25], $0x4000, $0x38;
	[tilespmem:$0x1B800] =	vst v63  }
0xd9: {  	_ =	swait.ge [sflag:s10], $0x4000  }
0xda: {  	[sflag:s10] =	ssyncset.done $0x0  }
0xdb: {  	[sflag:s10] =	ssyncadd.s32 $0xFFFFC000  }
0xdc: {  	[hbm4b:s20+s3] =	stream.linear.scatter [tilespmem:s11], [sflag:$0x2], $0x4000, $0x38;
	[tilespmem:$0x1B800] =	vst v63  }
0xdd: {  	_ =	swait.ge [sflag:s10], $0x4000  }
0xde: {  	s14 =	sadd.s32 $0x1, s14;
	s19 =	rddreg [dreg:$0x6]  }
0xdf: {  	p0 =	sne.s32 s14, s19  }
.Ltmp1:
0xe0: {  	_ = 	snop;
	(pc) =	sbr.rel @p0 .LBB2_1-.Ltmp1, $3  }
0xe1: {  	_ =	sdelay $0x1  }
0xe2: {  	[sflag:s10] =	ssyncset.done $0x0  }
0xe3: {  	[sflag:s10] =	ssyncadd.s32 $0xFFFFC000  }
0xe4: {  	_ =	sfence.sel $0x180000  }
0xe5: {  	[bflag:$0x0] =	sbarrier.arrive $0xFFFF  }
0xe6: {  	_ =	strace $0x90000047  }
0xe7: {  	s0 =	stileid.u32;
	[bflag:$0x2] =	sbarrier.arrive $0xFFFF  }
0xe8: {  	p0 =	sne.s32 s0, $0x0;
	s0 =	rddreg [dreg:$0x2]  }
0xe9: {  	s0 =	sadd.s32 @!p0 $0x100000, s0  }
0xea: {  	[sflag:s0] =	ssyncadd.tile.s32 @!p0 $0x1;
	_ =	shalt  }
.Lfunc_end2:
_tile_overlayer_lowered:
.L_overlay_start_2:
0xeb: {  	(tag) =	ssettag $0x2  }
0xec: {  	s0 =	rddreg [dreg:$0x0];
	s2 =	stileid.u32  }
0xed: {  	s1 =	rddreg [dreg:$0x1];
	p0 =	sne.s32 s2, $0x0  }
0xee: {  	s3 =	rddreg [dreg:$0x2];
	[bflag:$0x3] =	sbarrier.arrive $0xFFFF;
	s2 =	simm.s32 @!p0 $0x1C02  }
0xef: {  	[timem:s3], [sflag:s2] =	dma.local @!p0 [hbm:s0], s1  }
0xf0: {  	s0 =	simm.s32 @!p0 $0x2  }
0xf1: {  	_ =	swait.ge @!p0 [sflag:s0], s1  }
0xf2: {  	s1 =	ssub.s32 @!p0 $0x0, s1;
	[sflag:s0] =	ssyncset.done @!p0 $0x0  }
0xf3: {  	[sflag:s0] =	ssyncadd.s32 @!p0 s1  }
0xf4: {  	[bflag:$0x3] =	sbarrier.arrive $0xFFFF  }
0xf5: {  	_ =	shalt  }

</sc_bundles>
